<compile_context>
chip_gen: v7x
topology: tpu7x:2x2x1
jax: 0.10.2.dev20260603
libtpu: 0.0.44.dev20260713+nightly
codegen_flags: <defaults>
</compile_context>

<pallas_src>
import functools

import jax
import jax.numpy as jnp
from jax import lax
from jax.experimental import pallas as pl
from jax.experimental.pallas import tpu as pltpu
from jax.experimental.pallas import tpu_sc as plsc

NC = 2
NS = 16
NW = NC * NS
L = 16
U = 11
UB = 16
B = 128
CB = 22
K = 71


def _edge_mlp(table_v, w0, w1, w2, b, scaler, penalty, s, d, c):
    xs = plsc.load_gather(table_v, [s])
    xd = plsc.load_gather(table_v, [d])
    lin = w0 * xs + w1 * xd + w2 * c + b
    lr = jnp.maximum(lin, lin * jnp.float32(0.01))
    raw = lr + c * penalty
    att_scaled = scaler / (1.0 + jnp.exp(-raw))
    return xs * att_scaled


def _fused_body(N, nf_hbm, edge_hbm, cm_hbm, pars_hbm, msg_hbm, part_hbm,
                table_v, pars_v, eb1_v, cm1_v, msg1_v):
    wid = lax.axis_index("s") * NC + lax.axis_index("c")
    pltpu.sync_copy(nf_hbm, table_v)
    pltpu.sync_copy(pars_hbm, pars_v)
    w0 = pars_v[pl.ds(0 * L, L)]
    w1 = pars_v[pl.ds(1 * L, L)]
    w2 = pars_v[pl.ds(2 * L, L)]
    b = pars_v[pl.ds(3 * L, L)]
    scaler = pars_v[pl.ds(4 * L, L)]
    penalty = pars_v[pl.ds(5 * L, L)]
    C = CB * B

    def inner_a(eb_v, cm_v, msg_v):
        @plsc.parallel_loop(0, C, L, unroll=U)
        def _(o):
            blk = o // B
            sub = o % B
            s = eb_v[blk, 0, pl.ds(sub, L)]
            d = eb_v[blk, 1, pl.ds(sub, L)]
            c = cm_v[pl.ds(o, L)]
            msg_v[pl.ds(o, L)] = _edge_mlp(
                table_v, w0, w1, w2, b, scaler, penalty, s, d, c)

    pltpu.emit_pipeline(
        inner_a,
        grid=(K,),
        in_specs=[
            pl.BlockSpec((CB, 2, B), lambda i: (wid * K + i, 0, 0)),
            pl.BlockSpec((C,), lambda i: (wid * K + i,)),
        ],
        out_specs=[pl.BlockSpec((C,), lambda i: (wid * K + i,))],
    )(edge_hbm, cm_hbm, msg_hbm)

    @pl.when(wid >= NW // 2)
    def _():
        my_blk = NW * K * CB + (wid - NW // 2)
        pltpu.sync_copy(edge_hbm.at[my_blk], eb1_v)
        pltpu.sync_copy(cm_hbm.at[pl.ds(my_blk * B, B)], cm1_v)
        for g in range(B // L):
            o = g * L
            s = eb1_v[0, pl.ds(o, L)]
            d = eb1_v[1, pl.ds(o, L)]
            c = cm1_v[pl.ds(o, L)]
            msg1_v[pl.ds(o, L)] = _edge_mlp(
                table_v, w0, w1, w2, b, scaler, penalty, s, d, c)
        pltpu.sync_copy(msg1_v, msg_hbm.at[pl.ds(my_blk * B, B)])

    @plsc.parallel_loop(0, N, L)
    def _(o):
        table_v[pl.ds(o, L)] = jnp.zeros((L,), jnp.float32)

    def inner_b(eb_v, msg_v):
        @plsc.parallel_loop(0, C, L, unroll=UB)
        def _(o):
            blk = o // B
            sub = o % B
            d = eb_v[blk, 1, pl.ds(sub, L)]
            m = msg_v[pl.ds(o, L)]
            plsc.addupdate_scatter(table_v, [d], m)

    pltpu.emit_pipeline(
        inner_b,
        grid=(K,),
        in_specs=[
            pl.BlockSpec((CB, 2, B), lambda i: (wid * K + i, 0, 0)),
            pl.BlockSpec((C,), lambda i: (wid * K + i,)),
        ],
        out_specs=[],
    )(edge_hbm, msg_hbm)

    @pl.when(wid >= NW // 2)
    def _():
        my_blk = NW * K * CB + (wid - NW // 2)
        pltpu.sync_copy(edge_hbm.at[my_blk], eb1_v)
        pltpu.sync_copy(msg_hbm.at[pl.ds(my_blk * B, B)], msg1_v)
        for g in range(B // L):
            o = g * L
            d = eb1_v[1, pl.ds(o, L)]
            m = msg1_v[pl.ds(o, L)]
            plsc.addupdate_scatter(table_v, [d], m)

    pltpu.sync_copy(table_v, part_hbm.at[wid])


def _reduce_body(part_ref, out_ref):
    out_ref[...] = jnp.sum(part_ref[...], axis=0)


def kernel(node_features, edge_index, cycle_mask, min_sum_scaler, att_w,
           att_b, cycle_penalty):
    N = node_features.shape[0]
    E = edge_index.shape[1]
    assert E % B == 0 and N % L == 0
    nb_tot = E // B
    assert NW * CB * K + NW // 2 == nb_tot

    vals = jnp.concatenate([
        att_w.reshape(3), att_b.reshape(1),
        min_sum_scaler.reshape(1), cycle_penalty.reshape(1),
    ]).astype(jnp.float32)
    pars96 = jnp.broadcast_to(vals[:, None], (6, L)).reshape(6 * L)

    mesh = plsc.VectorSubcoreMesh(
        core_axis_name="c", subcore_axis_name="s",
        num_cores=NC, num_subcores=NS)
    sc_params = pltpu.CompilerParams(needs_layout_passes=False)

    edge3 = edge_index.reshape(2, nb_tot, B).transpose(1, 0, 2)

    _, part = pl.kernel(
        functools.partial(_fused_body, N),
        out_type=[
            jax.ShapeDtypeStruct((E,), jnp.float32),
            jax.ShapeDtypeStruct((NW, N), jnp.float32),
        ],
        mesh=mesh, compiler_params=sc_params,
        scratch_types=[
            pltpu.VMEM((N,), jnp.float32),
            pltpu.VMEM((6 * L,), jnp.float32),
            pltpu.VMEM((2, B), jnp.int32),
            pltpu.VMEM((B,), jnp.float32),
            pltpu.VMEM((B,), jnp.float32),
        ],
    )(node_features, edge3, cycle_mask, pars96)

    out = pl.pallas_call(
        _reduce_body,
        out_shape=jax.ShapeDtypeStruct((N,), jnp.float32),
    )(part)
    return out

# --- scband reference (transcript-rebuilt; emitter-appended) ---
"""Pipeline reference for scband-cagat-min-sum-layer-lite-88802743812476 (READ-ONLY COPY).

The authoritative reference and input builder live on the scoring server;
editing this copy changes nothing except your own understanding.
"""

import jax, jax.numpy as jnp
import numpy as np

N = 100000
E = 6400000

def setup_inputs(seed: int = 0) -> dict:
    key = jax.random.key(seed)
    k1, k2, k3, k4, k5 = jax.random.split(key, 5)
    node_features = jax.random.normal(k1, (N,), dtype=jnp.float32)
    edge_index = jax.random.randint(k2, (2, E), 0, N, dtype=jnp.int32)
    cycle_mask = jax.random.uniform(k3, (E,), dtype=jnp.float32)
    # learned parameters (match torch module init shapes)
    att_w = jax.random.normal(k4, (1, 3), dtype=jnp.float32) * 0.5  # nn.Linear(3,1).weight
    att_b = jax.random.normal(k5, (1,), dtype=jnp.float32) * 0.1    # nn.Linear(3,1).bias
    min_sum_scaler = jnp.array([0.8], dtype=jnp.float32)
    cycle_penalty = jnp.array([-1.0], dtype=jnp.float32)
    return {
        "node_features": node_features,
        "edge_index": edge_index,
        "cycle_mask": cycle_mask,
        "min_sum_scaler": min_sum_scaler,
        "att_w": att_w,
        "att_b": att_b,
        "cycle_penalty": cycle_penalty,
    }

def reference(node_features, edge_index, cycle_mask, min_sum_scaler, att_w, att_b, cycle_penalty):
    src = edge_index[0]
    dst = edge_index[1]
    x_src = jnp.take(node_features, src, axis=0)          # [E]
    x_dst = jnp.take(node_features, dst, axis=0)          # [E]
    # torch.cat of [E,1] tensors along dim=1 -> [E,3]
    att_input = jnp.stack([x_src, x_dst, cycle_mask], axis=1)  # [E,3]
    lin = att_input @ att_w.T + att_b                      # [E,1]
    raw_attention = jax.nn.leaky_relu(lin, negative_slope=0.01).squeeze(-1)  # [E]
    raw_attention = raw_attention + cycle_mask * cycle_penalty  # cycle_penalty broadcasts [1]->[E]
    attention_weights = jax.nn.sigmoid(raw_attention)      # [E]
    messages = x_src * attention_weights * min_sum_scaler  # [E]
    out = jnp.zeros_like(node_features).at[dst].add(messages)  # scatter-add over dim 0
    return out

if __name__ == "__main__":
    import jax
    _d = setup_inputs()
    print(jax.jit(kernel)(*tuple(_d.values())))

</pallas_src>

<mosaic_0001>
#map = affine_map<(d0, d1) -> (0)>
#map1 = affine_map<(d0, d1) -> (0, 0, 0)>
#map2 = affine_map<(d0, d1) -> (0, 0)>
module attributes {stable_mosaic.version = 14 : i64} {
  func.func @_fused_body(%arg0: i32, %arg1: i32, %arg2: memref<100000xf32, #tpu.memory_space<hbm>>, %arg3: memref<50000x2x128xi32, #tpu.memory_space<hbm>>, %arg4: memref<6400000xf32, #tpu.memory_space<hbm>>, %arg5: memref<96xf32, #tpu.memory_space<hbm>>, %arg6: memref<6400000xf32, #tpu.memory_space<hbm>>, %arg7: memref<32x100000xf32, #tpu.memory_space<hbm>>, %arg8: memref<100000xf32, #tpu.memory_space<vmem>>, %arg9: memref<96xf32, #tpu.memory_space<vmem>>, %arg10: memref<2x128xi32, #tpu.memory_space<vmem>>, %arg11: memref<128xf32, #tpu.memory_space<vmem>>, %arg12: memref<128xf32, #tpu.memory_space<vmem>>) attributes {dimension_semantics = [#tpu.dimension_semantics<core_parallel>, #tpu.dimension_semantics<subcore_parallel>], iteration_bounds = array<i64: 2, 16>, scalar_prefetch = 0 : i64, scratch_operands = 5 : i64, tpu.core_type = #tpu.core_type<sc_vector_subcore>, window_params = [{transform_indices = #map}, {transform_indices = #map1}, {transform_indices = #map}, {transform_indices = #map}, {transform_indices = #map}, {transform_indices = #map2}]} {
    %mul3A = arith.constant 2 : i32
    %mul3A_0 = arith.muli %arg1, %mul3A : i32
    %add3A = arith.addi %mul3A_0, %arg0 : i32
    "tpu.region"() ({
      %run_scoped3A = tpu.sem_alloc : memref<!tpu.dma_semaphore, #tpu.memory_space<semaphore_mem>>
      tpu.enqueue_dma source(%arg2 : memref<100000xf32, #tpu.memory_space<hbm>>) target(%arg8 : memref<100000xf32, #tpu.memory_space<vmem>>) target_semaphore(%run_scoped3A : memref<!tpu.dma_semaphore, #tpu.memory_space<semaphore_mem>>)
      tpu.wait_dma2 semaphore(%run_scoped3A : memref<!tpu.dma_semaphore, #tpu.memory_space<semaphore_mem>>) src(%arg2 : memref<100000xf32, #tpu.memory_space<hbm>>) dst(%arg8 : memref<100000xf32, #tpu.memory_space<vmem>>)
      tpu.yield
    }) : () -> ()
    "tpu.region"() ({
      %run_scoped3A = tpu.sem_alloc : memref<!tpu.dma_semaphore, #tpu.memory_space<semaphore_mem>>
      tpu.enqueue_dma source(%arg5 : memref<96xf32, #tpu.memory_space<hbm>>) target(%arg9 : memref<96xf32, #tpu.memory_space<vmem>>) target_semaphore(%run_scoped3A : memref<!tpu.dma_semaphore, #tpu.memory_space<semaphore_mem>>)
      tpu.wait_dma2 semaphore(%run_scoped3A : memref<!tpu.dma_semaphore, #tpu.memory_space<semaphore_mem>>) src(%arg5 : memref<96xf32, #tpu.memory_space<hbm>>) dst(%arg9 : memref<96xf32, #tpu.memory_space<vmem>>)
      tpu.yield
    }) : () -> ()
    %get3A = arith.constant 0 : index
    %get3A_1 = tpu.vector_load %arg9[%get3A] {strides = array<i32>} : memref<96xf32, #tpu.memory_space<vmem>>, vector<16xf32>,
    %get3A_2 = arith.constant 16 : index
    %get3A_3 = tpu.vector_load %arg9[%get3A_2] {strides = array<i32>} : memref<96xf32, #tpu.memory_space<vmem>>, vector<16xf32>,
    %get3A_4 = arith.constant 32 : index
    %get3A_5 = tpu.vector_load %arg9[%get3A_4] {strides = array<i32>} : memref<96xf32, #tpu.memory_space<vmem>>, vector<16xf32>,
    %get3A_6 = arith.constant 48 : index
    %get3A_7 = tpu.vector_load %arg9[%get3A_6] {strides = array<i32>} : memref<96xf32, #tpu.memory_space<vmem>>, vector<16xf32>,
    %get3A_8 = arith.constant 64 : index
    %get3A_9 = tpu.vector_load %arg9[%get3A_8] {strides = array<i32>} : memref<96xf32, #tpu.memory_space<vmem>>, vector<16xf32>,
    %get3A_10 = arith.constant 80 : index
    %get3A_11 = tpu.vector_load %arg9[%get3A_10] {strides = array<i32>} : memref<96xf32, #tpu.memory_space<vmem>>, vector<16xf32>,
    "tpu.region"() ({
      %run_scoped3A = memref.alloca() : memref<2x22x2x128xi32, #tpu.memory_space<vmem>>
      %run_scoped3A_21 = tpu.sem_alloc : memref<2x!tpu.dma_semaphore, #tpu.memory_space<semaphore_mem>>
      %run_scoped3A_22 = memref.alloca() : memref<5632xf32, #tpu.memory_space<vmem>>
      %run_scoped3A_23 = tpu.sem_alloc : memref<2x!tpu.dma_semaphore, #tpu.memory_space<semaphore_mem>>
      %run_scoped3A_24 = memref.alloca() : memref<5632xf32, #tpu.memory_space<vmem>>
      %run_scoped3A_25 = tpu.sem_alloc : memref<2x!tpu.dma_semaphore, #tpu.memory_space<semaphore_mem>>
      %select_n3A = arith.constant true
      %select_n3A_26 = arith.constant 0 : i32
      %select_n3A_27 = arith.constant -1 : i32
      %select_n3A_28 = arith.select %select_n3A, %select_n3A_27, %select_n3A_26 : i32
      %eq3A = arith.constant -1 : i32
      %eq3A_29 = arith.cmpi eq, %select_n3A_28, %eq3A : i32
      %select_n3A_30 = arith.constant 70 : i32
      %select_n3A_31 = arith.select %eq3A_29, %select_n3A_30, %select_n3A_28 : i32
      %add3A_32 = arith.constant 0 : i32
      %add3A_33 = arith.addi %select_n3A_31, %add3A_32 : i32
      %select_n3A_34 = arith.constant true
      %select_n3A_35 = arith.constant 0 : i32
      %select_n3A_36 = arith.constant 1 : i32
      %select_n3A_37 = arith.select %select_n3A_34, %select_n3A_36, %select_n3A_35 : i32
      %eq3A_38 = arith.constant 71 : i32
      %eq3A_39 = arith.cmpi eq, %select_n3A_37, %eq3A_38 : i32
      %select_n3A_40 = arith.constant 0 : i32
      %select_n3A_41 = arith.select %eq3A_39, %select_n3A_40, %select_n3A_37 : i32
      %add3A_42 = arith.constant 0 : i32
      %add3A_43 = arith.addi %select_n3A_41, %add3A_42 : i32
      %add3A_44 = arith.constant 1 : i32
      %add3A_45 = arith.addi %select_n3A_41, %add3A_44 : i32
      %select_n3A_46 = arith.constant true
      %select_n3A_47 = arith.select %select_n3A_46, %add3A_45, %select_n3A_41 : i32
      %eq3A_48 = arith.constant 71 : i32
      %eq3A_49 = arith.cmpi eq, %select_n3A_47, %eq3A_48 : i32
      %select_n3A_50 = arith.constant 0 : i32
      %select_n3A_51 = arith.select %eq3A_49, %select_n3A_50, %select_n3A_47 : i32
      %add3A_52 = arith.constant 0 : i32
      %add3A_53 = arith.addi %select_n3A_51, %add3A_52 : i32
      "tpu.trace_start"() <{level = 10 : i32, message = "ep_initialize_0"}> : () -> ()
      %rem3A = arith.constant 0 : i32
      %rem3A_54 = arith.constant 2 : i32
      %rem3A_55 = arith.remui %rem3A, %rem3A_54 : i32
      %mul3A_56 = arith.constant 71 : i32
      %mul3A_57 = arith.muli %add3A, %mul3A_56 : i32
      %add3A_58 = arith.constant 0 : i32
      %add3A_59 = arith.addi %mul3A_57, %add3A_58 : i32
      %mul3A_60 = arith.constant 22 : i32
      %mul3A_61 = arith.muli %mul3A_60, %add3A_59 : i32
      %eq3A_62 = arith.constant 2272 : i32
      %eq3A_63 = arith.cmpi eq, %add3A_59, %eq3A_62 : i32
      %jit3A = arith.constant 16 : i32
      %jit3A_64 = arith.constant 22 : i32
      %select_n3A_65 = arith.select %eq3A_63, %jit3A, %jit3A_64 : i32
      %multiple_of3A = tpu.assume_multiple %select_n3A_65, 1 : i32
      %mul3A_66 = arith.constant 22 : i32
      %mul3A_67 = arith.muli %add3A_59, %mul3A_66 : i32
      %dma_start3A = arith.constant 0 : i32
      %dma_start3A_68 = arith.constant 0 : i32
      %dma_start3A_69 = arith.constant 0 : i32
      %dma_start3A_70 = tpu.memref_slice %run_scoped3A[%rem3A_55, %dma_start3A, %dma_start3A_68, %dma_start3A_69] <%multiple_of3A> : memref<2x22x2x128xi32, #tpu.memory_space<vmem>> -> memref<1x?x2x128xi32, #tpu.memory_space<vmem>>
      %dma_start3A_71 = tpu.memref_squeeze %dma_start3A_70 : memref<1x?x2x128xi32, #tpu.memory_space<vmem>> -> memref<?x2x128xi32, #tpu.memory_space<vmem>>
      %dma_start3A_72 = arith.constant 0 : i32
      %dma_start3A_73 = arith.constant 0 : i32
      %dma_start3A_74 = tpu.memref_slice %arg3[%mul3A_67, %dma_start3A_72, %dma_start3A_73] <%multiple_of3A> : memref<50000x2x128xi32, #tpu.memory_space<hbm>> -> memref<?x2x128xi32, #tpu.memory_space<hbm>>
      %dma_start3A_75 = tpu.memref_slice %run_scoped3A_21[%rem3A_55] : memref<2x!tpu.dma_semaphore, #tpu.memory_space<semaphore_mem>> -> memref<1x!tpu.dma_semaphore, #tpu.memory_space<semaphore_mem>>
      %dma_start3A_76 = tpu.memref_squeeze %dma_start3A_75 : memref<1x!tpu.dma_semaphore, #tpu.memory_space<semaphore_mem>> -> memref<!tpu.dma_semaphore, #tpu.memory_space<semaphore_mem>>
      %dma_start3A_77 = arith.constant 0 : i32
      %dma_start3A_78 = arith.constant 0 : i32
      %dma_start3A_79 = arith.constant 0 : i32
      %dma_start3A_80 = tpu.memref_slice %run_scoped3A[%rem3A_55, %dma_start3A_77, %dma_start3A_78, %dma_start3A_79] <%multiple_of3A> : memref<2x22x2x128xi32, #tpu.memory_space<vmem>> -> memref<1x?x2x128xi32, #tpu.memory_space<vmem>>
      %dma_start3A_81 = tpu.memref_squeeze %dma_start3A_80 : memref<1x?x2x128xi32, #tpu.memory_space<vmem>> -> memref<?x2x128xi32, #tpu.memory_space<vmem>>
      %dma_start3A_82 = arith.constant 0 : i32
      %dma_start3A_83 = arith.constant 0 : i32
      %dma_start3A_84 = tpu.memref_slice %arg3[%mul3A_67, %dma_start3A_82, %dma_start3A_83] <%multiple_of3A> : memref<50000x2x128xi32, #tpu.memory_space<hbm>> -> memref<?x2x128xi32, #tpu.memory_space<hbm>>
      tpu.enqueue_dma source(%dma_start3A_84 : memref<?x2x128xi32, #tpu.memory_space<hbm>>) target(%dma_start3A_81 : memref<?x2x128xi32, #tpu.memory_space<vmem>>) target_semaphore(%dma_start3A_76 : memref<!tpu.dma_semaphore, #tpu.memory_space<semaphore_mem>>)
      %add3A_85 = arith.constant 0 : i32
      %add3A_86 = arith.constant 1 : i32
      %add3A_87 = arith.addi %add3A_85, %add3A_86 : i32
      %select_n3A_88 = arith.constant true
      %select_n3A_89 = arith.constant 0 : i32
      %select_n3A_90 = arith.select %select_n3A_88, %add3A_87, %select_n3A_89 : i32
      %rem3A_91 = arith.constant 0 : i32
      %rem3A_92 = arith.constant 2 : i32
      %rem3A_93 = arith.remui %rem3A_91, %rem3A_92 : i32
      %mul3A_94 = arith.constant 71 : i32
      %mul3A_95 = arith.muli %add3A, %mul3A_94 : i32
      %add3A_96 = arith.constant 0 : i32
      %add3A_97 = arith.addi %mul3A_95, %add3A_96 : i32
      %mul3A_98 = arith.constant 2816 : i32
      %mul3A_99 = arith.muli %mul3A_98, %add3A_97 : i32
      %eq3A_100 = arith.constant 2272 : i32
      %eq3A_101 = arith.cmpi eq, %add3A_97, %eq3A_100 : i32
      %jit3A_102 = arith.constant 2048 : i32
      %jit3A_103 = arith.constant 2816 : i32
      %select_n3A_104 = arith.select %eq3A_101, %jit3A_102, %jit3A_103 : i32
      %multiple_of3A_105 = tpu.assume_multiple %select_n3A_104, 128 : i32
      %mul3A_106 = arith.constant 2816 : i32
      %mul3A_107 = arith.muli %add3A_97, %mul3A_106 : i32
      %mul3A_108 = arith.constant 2816 : i32
      %mul3A_109 = arith.muli %rem3A_93, %mul3A_108 : i32
      %add3A_110 = arith.constant 0 : i32
      %add3A_111 = arith.addi %mul3A_109, %add3A_110 : i32
      %dma_start3A_112 = tpu.memref_slice %run_scoped3A_22[%add3A_111] <%multiple_of3A_105> : memref<5632xf32, #tpu.memory_space<vmem>> -> memref<?xf32, #tpu.memory_space<vmem>>
      %dma_start3A_113 = tpu.memref_slice %arg4[%mul3A_107] <%multiple_of3A_105> : memref<6400000xf32, #tpu.memory_space<hbm>> -> memref<?xf32, #tpu.memory_space<hbm>>
      %dma_start3A_114 = tpu.memref_slice %run_scoped3A_23[%rem3A_93] : memref<2x!tpu.dma_semaphore, #tpu.memory_space<semaphore_mem>> -> memref<1x!tpu.dma_semaphore, #tpu.memory_space<semaphore_mem>>
      %dma_start3A_115 = tpu.memref_squeeze %dma_start3A_114 : memref<1x!tpu.dma_semaphore, #tpu.memory_space<semaphore_mem>> -> memref<!tpu.dma_semaphore, #tpu.memory_space<semaphore_mem>>
      %dma_start3A_116 = tpu.memref_slice %run_scoped3A_22[%add3A_111] <%multiple_of3A_105> : memref<5632xf32, #tpu.memory_space<vmem>> -> memref<?xf32, #tpu.memory_space<vmem>>
      %dma_start3A_117 = tpu.memref_slice %arg4[%mul3A_107] <%multiple_of3A_105> : memref<6400000xf32, #tpu.memory_space<hbm>> -> memref<?xf32, #tpu.memory_space<hbm>>
      tpu.enqueue_dma source(%dma_start3A_117 : memref<?xf32, #tpu.memory_space<hbm>>) target(%dma_start3A_116 : memref<?xf32, #tpu.memory_space<vmem>>) target_semaphore(%dma_start3A_115 : memref<!tpu.dma_semaphore, #tpu.memory_space<semaphore_mem>>)
      %add3A_118 = arith.constant 0 : i32
      %add3A_119 = arith.constant 1 : i32
      %add3A_120 = arith.addi %add3A_118, %add3A_119 : i32
      %select_n3A_121 = arith.constant true
      %select_n3A_122 = arith.constant 0 : i32
      %select_n3A_123 = arith.select %select_n3A_121, %add3A_120, %select_n3A_122 : i32
      "tpu.trace_stop"() : () -> ()
      %scan3A = arith.constant 0 : i32
      %scan3A_124 = arith.constant 0 : i32
      %scan3A_125 = arith.constant 0 : i32
      %scan3A_126 = arith.constant 0 : i32
      %scan3A_127 = arith.constant 0 : i32
      %scan3A_128 = arith.constant 0 : i32
      %scan3A_129 = arith.constant 71 : i32
      %scan3A_130 = arith.addi %scan3A_128, %scan3A_129 : i32
      %scan3A_131 = arith.constant 1 : i32
      %scan3A_132:7 = scf.for %scan3A_197 = %scan3A_128 to %scan3A_130 step %scan3A_131 iter_args(%scan3A_198 = %select_n3A_90, %scan3A_199 = %scan3A, %scan3A_200 = %select_n3A_123, %scan3A_201 = %scan3A_124, %scan3A_202 = %scan3A_125, %scan3A_203 = %scan3A_126, %scan3A_204 = %scan3A_127) -> (i32, i32, i32, i32, i32, i32, i32)  : i32 {
        %eq3A_205 = arith.constant 0 : i32
        %eq3A_206 = arith.cmpi eq, %scan3A_197, %eq3A_205 : i32
        %eq3A_207 = arith.constant 70 : i32
        %eq3A_208 = arith.cmpi eq, %scan3A_197, %eq3A_207 : i32
        %add3A_209 = arith.constant 0 : i32
        %add3A_210 = arith.addi %scan3A_204, %add3A_209 : i32
        %sub3A_211 = arith.constant 1 : i32
        %sub3A_212 = arith.subi %scan3A_204, %sub3A_211 : i32
        %select_n3A_213 = arith.constant true
        %select_n3A_214 = arith.select %select_n3A_213, %sub3A_212, %scan3A_204 : i32
        %eq3A_215 = arith.constant -1 : i32
        %eq3A_216 = arith.cmpi eq, %select_n3A_214, %eq3A_215 : i32
        %select_n3A_217 = arith.constant 70 : i32
        %select_n3A_218 = arith.select %eq3A_216, %select_n3A_217, %select_n3A_214 : i32
        %add3A_219 = arith.constant 0 : i32
        %add3A_220 = arith.addi %select_n3A_218, %add3A_219 : i32
        %add3A_221 = arith.constant 1 : i32
        %add3A_222 = arith.addi %scan3A_204, %add3A_221 : i32
        %select_n3A_223 = arith.constant true
        %select_n3A_224 = arith.select %select_n3A_223, %add3A_222, %scan3A_204 : i32
        %eq3A_225 = arith.constant 71 : i32
        %eq3A_226 = arith.cmpi eq, %select_n3A_224, %eq3A_225 : i32
        %select_n3A_227 = arith.constant 0 : i32
        %select_n3A_228 = arith.select %eq3A_226, %select_n3A_227, %select_n3A_224 : i32
        %add3A_229 = arith.constant 0 : i32
        %add3A_230 = arith.addi %select_n3A_228, %add3A_229 : i32
        %add3A_231 = arith.constant 1 : i32
        %add3A_232 = arith.addi %select_n3A_228, %add3A_231 : i32
        %select_n3A_233 = arith.constant true
        %select_n3A_234 = arith.select %select_n3A_233, %add3A_232, %select_n3A_228 : i32
        %eq3A_235 = arith.constant 71 : i32
        %eq3A_236 = arith.cmpi eq, %select_n3A_234, %eq3A_235 : i32
        %select_n3A_237 = arith.constant 0 : i32
        %select_n3A_238 = arith.select %eq3A_236, %select_n3A_237, %select_n3A_234 : i32
        %add3A_239 = arith.constant 0 : i32
        %add3A_240 = arith.addi %select_n3A_238, %add3A_239 : i32
        %mul3A_241 = arith.constant 71 : i32
        %mul3A_242 = arith.muli %add3A, %mul3A_241 : i32
        %add3A_243 = arith.addi %mul3A_242, %add3A_210 : i32
        %mul3A_244 = arith.constant 71 : i32
        %mul3A_245 = arith.muli %add3A, %mul3A_244 : i32
        %add3A_246 = arith.addi %mul3A_245, %add3A_230 : i32
        %ne3A = arith.cmpi ne, %add3A_243, %add3A_246 : i32
        %or3A = arith.constant false
        %or3A_247 = arith.ori %or3A, %ne3A : i1
        %or3A_248 = arith.constant false
        %or3A_249 = arith.ori %or3A_247, %or3A_248 : i1
        %or3A_250 = arith.constant false
        %or3A_251 = arith.ori %or3A_249, %or3A_250 : i1
        %ge3A_252 = arith.constant 70 : i32
        %ge3A_253 = arith.cmpi sge, %scan3A_197, %ge3A_252 : i32
        %not3A = arith.constant true
        %not3A_254 = arith.xori %ge3A_253, %not3A : i1
        %and3A = arith.andi %or3A_251, %not3A_254 : i1
        %convert_element_type3A_255 = arith.extui %and3A : i1 to i32
        %cond3A_256 = arith.constant 0 : i32
        %cond3A_257 = arith.cmpi ne, %convert_element_type3A_255, %cond3A_256 : i32
        scf.if %cond3A_257 {
          "tpu.trace_start"() <{level = 10 : i32, message = "ep_copy_in"}> : () -> ()
          %rem3A_503 = arith.constant 2 : i32
          %rem3A_504 = arith.remui %scan3A_198, %rem3A_503 : i32
          %mul3A_505 = arith.constant 71 : i32
          %mul3A_506 = arith.muli %add3A, %mul3A_505 : i32
          %add3A_507 = arith.addi %mul3A_506, %add3A_230 : i32
          %mul3A_508 = arith.constant 22 : i32
          %mul3A_509 = arith.muli %mul3A_508, %add3A_507 : i32
          %eq3A_510 = arith.constant 2272 : i32
          %eq3A_511 = arith.cmpi eq, %add3A_507, %eq3A_510 : i32
          %jit3A_512 = arith.constant 16 : i32
          %jit3A_513 = arith.constant 22 : i32
          %select_n3A_514 = arith.select %eq3A_511, %jit3A_512, %jit3A_513 : i32
          %multiple_of3A_515 = tpu.assume_multiple %select_n3A_514, 1 : i32
          %mul3A_516 = arith.constant 22 : i32
          %mul3A_517 = arith.muli %add3A_507, %mul3A_516 : i32
          %dma_start3A_518 = arith.constant 0 : i32
          %dma_start3A_519 = arith.constant 0 : i32
          %dma_start3A_520 = arith.constant 0 : i32
          %dma_start3A_521 = tpu.memref_slice %run_scoped3A[%rem3A_504, %dma_start3A_518, %dma_start3A_519, %dma_start3A_520] <%multiple_of3A_515> : memref<2x22x2x128xi32, #tpu.memory_space<vmem>> -> memref<1x?x2x128xi32, #tpu.memory_space<vmem>>
          %dma_start3A_522 = tpu.memref_squeeze %dma_start3A_521 : memref<1x?x2x128xi32, #tpu.memory_space<vmem>> -> memref<?x2x128xi32, #tpu.memory_space<vmem>>
          %dma_start3A_523 = arith.constant 0 : i32
          %dma_start3A_524 = arith.constant 0 : i32
          %dma_start3A_525 = tpu.memref_slice %arg3[%mul3A_517, %dma_start3A_523, %dma_start3A_524] <%multiple_of3A_515> : memref<50000x2x128xi32, #tpu.memory_space<hbm>> -> memref<?x2x128xi32, #tpu.memory_space<hbm>>
          %dma_start3A_526 = tpu.memref_slice %run_scoped3A_21[%rem3A_504] : memref<2x!tpu.dma_semaphore, #tpu.memory_space<semaphore_mem>> -> memref<1x!tpu.dma_semaphore, #tpu.memory_space<semaphore_mem>>
          %dma_start3A_527 = tpu.memref_squeeze %dma_start3A_526 : memref<1x!tpu.dma_semaphore, #tpu.memory_space<semaphore_mem>> -> memref<!tpu.dma_semaphore, #tpu.memory_space<semaphore_mem>>
          %dma_start3A_528 = arith.constant 0 : i32
          %dma_start3A_529 = arith.constant 0 : i32
          %dma_start3A_530 = arith.constant 0 : i32
          %dma_start3A_531 = tpu.memref_slice %run_scoped3A[%rem3A_504, %dma_start3A_528, %dma_start3A_529, %dma_start3A_530] <%multiple_of3A_515> : memref<2x22x2x128xi32, #tpu.memory_space<vmem>> -> memref<1x?x2x128xi32, #tpu.memory_space<vmem>>
          %dma_start3A_532 = tpu.memref_squeeze %dma_start3A_531 : memref<1x?x2x128xi32, #tpu.memory_space<vmem>> -> memref<?x2x128xi32, #tpu.memory_space<vmem>>
          %dma_start3A_533 = arith.constant 0 : i32
          %dma_start3A_534 = arith.constant 0 : i32
          %dma_start3A_535 = tpu.memref_slice %arg3[%mul3A_517, %dma_start3A_533, %dma_start3A_534] <%multiple_of3A_515> : memref<50000x2x128xi32, #tpu.memory_space<hbm>> -> memref<?x2x128xi32, #tpu.memory_space<hbm>>
          tpu.enqueue_dma source(%dma_start3A_535 : memref<?x2x128xi32, #tpu.memory_space<hbm>>) target(%dma_start3A_532 : memref<?x2x128xi32, #tpu.memory_space<vmem>>) target_semaphore(%dma_start3A_527 : memref<!tpu.dma_semaphore, #tpu.memory_space<semaphore_mem>>)
          "tpu.trace_stop"() : () -> ()
        } else {
        }
        %and3A_258 = arith.constant true
        %and3A_259 = arith.andi %and3A, %and3A_258 : i1
        %add3A_260 = arith.constant 1 : i32
        %add3A_261 = arith.addi %scan3A_198, %add3A_260 : i32
        %select_n3A_262 = arith.select %and3A_259, %add3A_261, %scan3A_198 : i32
        %mul3A_263 = arith.constant 71 : i32
        %mul3A_264 = arith.muli %add3A, %mul3A_263 : i32
        %add3A_265 = arith.addi %mul3A_264, %add3A_210 : i32
        %mul3A_266 = arith.constant 71 : i32
        %mul3A_267 = arith.muli %add3A, %mul3A_266 : i32
        %add3A_268 = arith.addi %mul3A_267, %add3A_230 : i32
        %ne3A_269 = arith.cmpi ne, %add3A_265, %add3A_268 : i32
        %or3A_270 = arith.constant false
        %or3A_271 = arith.ori %or3A_270, %ne3A_269 : i1
        %ge3A_272 = arith.constant 70 : i32
        %ge3A_273 = arith.cmpi sge, %scan3A_197, %ge3A_272 : i32
        %not3A_274 = arith.constant true
        %not3A_275 = arith.xori %ge3A_273, %not3A_274 : i1
        %and3A_276 = arith.andi %or3A_271, %not3A_275 : i1
        %convert_element_type3A_277 = arith.extui %and3A_276 : i1 to i32
        %cond3A_278 = arith.constant 0 : i32
        %cond3A_279 = arith.cmpi ne, %convert_element_type3A_277, %cond3A_278 : i32
        scf.if %cond3A_279 {
          "tpu.trace_start"() <{level = 10 : i32, message = "ep_copy_in"}> : () -> ()
          %rem3A_503 = arith.constant 2 : i32
          %rem3A_504 = arith.remui %scan3A_200, %rem3A_503 : i32
          %mul3A_505 = arith.constant 71 : i32
          %mul3A_506 = arith.muli %add3A, %mul3A_505 : i32
          %add3A_507 = arith.addi %mul3A_506, %add3A_230 : i32
          %mul3A_508 = arith.constant 2816 : i32
          %mul3A_509 = arith.muli %mul3A_508, %add3A_507 : i32
          %eq3A_510 = arith.constant 2272 : i32
          %eq3A_511 = arith.cmpi eq, %add3A_507, %eq3A_510 : i32
          %jit3A_512 = arith.constant 2048 : i32
          %jit3A_513 = arith.constant 2816 : i32
          %select_n3A_514 = arith.select %eq3A_511, %jit3A_512, %jit3A_513 : i32
          %multiple_of3A_515 = tpu.assume_multiple %select_n3A_514, 128 : i32
          %mul3A_516 = arith.constant 2816 : i32
          %mul3A_517 = arith.muli %add3A_507, %mul3A_516 : i32
          %mul3A_518 = arith.constant 2816 : i32
          %mul3A_519 = arith.muli %rem3A_504, %mul3A_518 : i32
          %add3A_520 = arith.constant 0 : i32
          %add3A_521 = arith.addi %mul3A_519, %add3A_520 : i32
          %dma_start3A_522 = tpu.memref_slice %run_scoped3A_22[%add3A_521] <%multiple_of3A_515> : memref<5632xf32, #tpu.memory_space<vmem>> -> memref<?xf32, #tpu.memory_space<vmem>>
          %dma_start3A_523 = tpu.memref_slice %arg4[%mul3A_517] <%multiple_of3A_515> : memref<6400000xf32, #tpu.memory_space<hbm>> -> memref<?xf32, #tpu.memory_space<hbm>>
          %dma_start3A_524 = tpu.memref_slice %run_scoped3A_23[%rem3A_504] : memref<2x!tpu.dma_semaphore, #tpu.memory_space<semaphore_mem>> -> memref<1x!tpu.dma_semaphore, #tpu.memory_space<semaphore_mem>>
          %dma_start3A_525 = tpu.memref_squeeze %dma_start3A_524 : memref<1x!tpu.dma_semaphore, #tpu.memory_space<semaphore_mem>> -> memref<!tpu.dma_semaphore, #tpu.memory_space<semaphore_mem>>
          %dma_start3A_526 = tpu.memref_slice %run_scoped3A_22[%add3A_521] <%multiple_of3A_515> : memref<5632xf32, #tpu.memory_space<vmem>> -> memref<?xf32, #tpu.memory_space<vmem>>
          %dma_start3A_527 = tpu.memref_slice %arg4[%mul3A_517] <%multiple_of3A_515> : memref<6400000xf32, #tpu.memory_space<hbm>> -> memref<?xf32, #tpu.memory_space<hbm>>
          tpu.enqueue_dma source(%dma_start3A_527 : memref<?xf32, #tpu.memory_space<hbm>>) target(%dma_start3A_526 : memref<?xf32, #tpu.memory_space<vmem>>) target_semaphore(%dma_start3A_525 : memref<!tpu.dma_semaphore, #tpu.memory_space<semaphore_mem>>)
          "tpu.trace_stop"() : () -> ()
        } else {
        }
        %and3A_280 = arith.constant true
        %and3A_281 = arith.andi %and3A_276, %and3A_280 : i1
        %add3A_282 = arith.constant 1 : i32
        %add3A_283 = arith.addi %scan3A_200, %add3A_282 : i32
        %select_n3A_284 = arith.select %and3A_281, %add3A_283, %scan3A_200 : i32
        %mul3A_285 = arith.constant 71 : i32
        %mul3A_286 = arith.muli %add3A, %mul3A_285 : i32
        %add3A_287 = arith.addi %mul3A_286, %add3A_210 : i32
        %mul3A_288 = arith.constant 71 : i32
        %mul3A_289 = arith.muli %add3A, %mul3A_288 : i32
        %add3A_290 = arith.addi %mul3A_289, %add3A_230 : i32
        %ne3A_291 = arith.cmpi ne, %add3A_287, %add3A_290 : i32
        %or3A_292 = arith.constant false
        %or3A_293 = arith.ori %or3A_292, %ne3A_291 : i1
        %ge3A_294 = arith.constant 70 : i32
        %ge3A_295 = arith.cmpi sge, %scan3A_197, %ge3A_294 : i32
        %not3A_296 = arith.constant true
        %not3A_297 = arith.xori %ge3A_295, %not3A_296 : i1
        %and3A_298 = arith.andi %or3A_293, %not3A_297 : i1
        %mul3A_299 = arith.constant 71 : i32
        %mul3A_300 = arith.muli %add3A, %mul3A_299 : i32
        %add3A_301 = arith.addi %mul3A_300, %add3A_210 : i32
        %mul3A_302 = arith.constant 71 : i32
        %mul3A_303 = arith.muli %add3A, %mul3A_302 : i32
        %add3A_304 = arith.addi %mul3A_303, %add3A_220 : i32
        %ne3A_305 = arith.cmpi ne, %add3A_301, %add3A_304 : i32
        %or3A_306 = arith.constant false
        %or3A_307 = arith.ori %or3A_306, %ne3A_305 : i1
        %or3A_308 = arith.constant false
        %or3A_309 = arith.ori %or3A_307, %or3A_308 : i1
        %or3A_310 = arith.constant false
        %or3A_311 = arith.ori %or3A_309, %or3A_310 : i1
        %or3A_312 = arith.ori %or3A_311, %eq3A_206 : i1
        %convert_element_type3A_313 = arith.extui %or3A_312 : i1 to i32
        %cond3A_314 = arith.constant 0 : i32
        %cond3A_315 = arith.cmpi ne, %convert_element_type3A_313, %cond3A_314 : i32
        scf.if %cond3A_315 {
          "tpu.trace_start"() <{level = 10 : i32, message = "ep_wait_in"}> : () -> ()
          %mul3A_503 = arith.constant 71 : i32
          %mul3A_504 = arith.muli %add3A, %mul3A_503 : i32
          %add3A_505 = arith.addi %mul3A_504, %add3A_210 : i32
          %mul3A_506 = arith.constant 22 : i32
          %mul3A_507 = arith.muli %mul3A_506, %add3A_505 : i32
          %eq3A_508 = arith.constant 2272 : i32
          %eq3A_509 = arith.cmpi eq, %add3A_505, %eq3A_508 : i32
          %jit3A_510 = arith.constant 16 : i32
          %jit3A_511 = arith.constant 22 : i32
          %select_n3A_512 = arith.select %eq3A_509, %jit3A_510, %jit3A_511 : i32
          %multiple_of3A_513 = tpu.assume_multiple %select_n3A_512, 1 : i32
          %mul3A_514 = arith.constant 22 : i32
          %mul3A_515 = arith.muli %add3A_505, %mul3A_514 : i32
          %rem3A_516 = arith.constant 2 : i32
          %rem3A_517 = arith.remui %scan3A_199, %rem3A_516 : i32
          %dma_wait3A_518 = arith.constant 0 : i32
          %dma_wait3A_519 = arith.constant 0 : i32
          %dma_wait3A_520 = arith.constant 0 : i32
          %dma_wait3A_521 = tpu.memref_slice %run_scoped3A[%rem3A_517, %dma_wait3A_518, %dma_wait3A_519, %dma_wait3A_520] <%multiple_of3A_513> : memref<2x22x2x128xi32, #tpu.memory_space<vmem>> -> memref<1x?x2x128xi32, #tpu.memory_space<vmem>>
          %dma_wait3A_522 = tpu.memref_squeeze %dma_wait3A_521 : memref<1x?x2x128xi32, #tpu.memory_space<vmem>> -> memref<?x2x128xi32, #tpu.memory_space<vmem>>
          %dma_wait3A_523 = arith.constant 0 : i32
          %dma_wait3A_524 = arith.constant 0 : i32
          %dma_wait3A_525 = tpu.memref_slice %arg3[%mul3A_515, %dma_wait3A_523, %dma_wait3A_524] <%multiple_of3A_513> : memref<50000x2x128xi32, #tpu.memory_space<hbm>> -> memref<?x2x128xi32, #tpu.memory_space<hbm>>
          %dma_wait3A_526 = tpu.memref_slice %run_scoped3A_21[%rem3A_517] : memref<2x!tpu.dma_semaphore, #tpu.memory_space<semaphore_mem>> -> memref<1x!tpu.dma_semaphore, #tpu.memory_space<semaphore_mem>>
          %dma_wait3A_527 = tpu.memref_squeeze %dma_wait3A_526 : memref<1x!tpu.dma_semaphore, #tpu.memory_space<semaphore_mem>> -> memref<!tpu.dma_semaphore, #tpu.memory_space<semaphore_mem>>
          %dma_wait3A_528 = arith.constant 0 : i32
          %dma_wait3A_529 = arith.constant 0 : i32
          %dma_wait3A_530 = arith.constant 0 : i32
          %dma_wait3A_531 = tpu.memref_slice %run_scoped3A[%rem3A_517, %dma_wait3A_528, %dma_wait3A_529, %dma_wait3A_530] <%multiple_of3A_513> : memref<2x22x2x128xi32, #tpu.memory_space<vmem>> -> memref<1x?x2x128xi32, #tpu.memory_space<vmem>>
          %dma_wait3A_532 = tpu.memref_squeeze %dma_wait3A_531 : memref<1x?x2x128xi32, #tpu.memory_space<vmem>> -> memref<?x2x128xi32, #tpu.memory_space<vmem>>
          %dma_wait3A_533 = arith.constant 0 : i32
          %dma_wait3A_534 = arith.constant 0 : i32
          %dma_wait3A_535 = tpu.memref_slice %arg3[%mul3A_515, %dma_wait3A_533, %dma_wait3A_534] <%multiple_of3A_513> : memref<50000x2x128xi32, #tpu.memory_space<hbm>> -> memref<?x2x128xi32, #tpu.memory_space<hbm>>
          tpu.wait_dma2 semaphore(%dma_wait3A_527 : memref<!tpu.dma_semaphore, #tpu.memory_space<semaphore_mem>>) src(%dma_wait3A_535 : memref<?x2x128xi32, #tpu.memory_space<hbm>>) dst(%dma_wait3A_532 : memref<?x2x128xi32, #tpu.memory_space<vmem>>)
          "tpu.trace_stop"() : () -> ()
        } else {
        }
        %mul3A_316 = arith.constant 71 : i32
        %mul3A_317 = arith.muli %add3A, %mul3A_316 : i32
        %add3A_318 = arith.addi %mul3A_317, %add3A_210 : i32
        %mul3A_319 = arith.constant 71 : i32
        %mul3A_320 = arith.muli %add3A, %mul3A_319 : i32
        %add3A_321 = arith.addi %mul3A_320, %add3A_220 : i32
        %ne3A_322 = arith.cmpi ne, %add3A_318, %add3A_321 : i32
        %or3A_323 = arith.constant false
        %or3A_324 = arith.ori %or3A_323, %ne3A_322 : i1
        %or3A_325 = arith.ori %or3A_324, %eq3A_206 : i1
        %convert_element_type3A_326 = arith.extui %or3A_325 : i1 to i32
        %cond3A_327 = arith.constant 0 : i32
        %cond3A_328 = arith.cmpi ne, %convert_element_type3A_326, %cond3A_327 : i32
        scf.if %cond3A_328 {
          "tpu.trace_start"() <{level = 10 : i32, message = "ep_wait_in"}> : () -> ()
          %mul3A_503 = arith.constant 71 : i32
          %mul3A_504 = arith.muli %add3A, %mul3A_503 : i32
          %add3A_505 = arith.addi %mul3A_504, %add3A_210 : i32
          %mul3A_506 = arith.constant 2816 : i32
          %mul3A_507 = arith.muli %mul3A_506, %add3A_505 : i32
          %eq3A_508 = arith.constant 2272 : i32
          %eq3A_509 = arith.cmpi eq, %add3A_505, %eq3A_508 : i32
          %jit3A_510 = arith.constant 2048 : i32
          %jit3A_511 = arith.constant 2816 : i32
          %select_n3A_512 = arith.select %eq3A_509, %jit3A_510, %jit3A_511 : i32
          %multiple_of3A_513 = tpu.assume_multiple %select_n3A_512, 128 : i32
          %mul3A_514 = arith.constant 2816 : i32
          %mul3A_515 = arith.muli %add3A_505, %mul3A_514 : i32
          %rem3A_516 = arith.constant 2 : i32
          %rem3A_517 = arith.remui %scan3A_201, %rem3A_516 : i32
          %mul3A_518 = arith.constant 2816 : i32
          %mul3A_519 = arith.muli %rem3A_517, %mul3A_518 : i32
          %add3A_520 = arith.constant 0 : i32
          %add3A_521 = arith.addi %mul3A_519, %add3A_520 : i32
          %dma_wait3A_522 = tpu.memref_slice %run_scoped3A_22[%add3A_521] <%multiple_of3A_513> : memref<5632xf32, #tpu.memory_space<vmem>> -> memref<?xf32, #tpu.memory_space<vmem>>
          %dma_wait3A_523 = tpu.memref_slice %arg4[%mul3A_515] <%multiple_of3A_513> : memref<6400000xf32, #tpu.memory_space<hbm>> -> memref<?xf32, #tpu.memory_space<hbm>>
          %dma_wait3A_524 = tpu.memref_slice %run_scoped3A_23[%rem3A_517] : memref<2x!tpu.dma_semaphore, #tpu.memory_space<semaphore_mem>> -> memref<1x!tpu.dma_semaphore, #tpu.memory_space<semaphore_mem>>
          %dma_wait3A_525 = tpu.memref_squeeze %dma_wait3A_524 : memref<1x!tpu.dma_semaphore, #tpu.memory_space<semaphore_mem>> -> memref<!tpu.dma_semaphore, #tpu.memory_space<semaphore_mem>>
          %dma_wait3A_526 = tpu.memref_slice %run_scoped3A_22[%add3A_521] <%multiple_of3A_513> : memref<5632xf32, #tpu.memory_space<vmem>> -> memref<?xf32, #tpu.memory_space<vmem>>
          %dma_wait3A_527 = tpu.memref_slice %arg4[%mul3A_515] <%multiple_of3A_513> : memref<6400000xf32, #tpu.memory_space<hbm>> -> memref<?xf32, #tpu.memory_space<hbm>>
          tpu.wait_dma2 semaphore(%dma_wait3A_525 : memref<!tpu.dma_semaphore, #tpu.memory_space<semaphore_mem>>) src(%dma_wait3A_527 : memref<?xf32, #tpu.memory_space<hbm>>) dst(%dma_wait3A_526 : memref<?xf32, #tpu.memory_space<vmem>>)
          "tpu.trace_stop"() : () -> ()
        } else {
        }
        %mul3A_329 = arith.constant 71 : i32
        %mul3A_330 = arith.muli %add3A, %mul3A_329 : i32
        %add3A_331 = arith.addi %mul3A_330, %add3A_210 : i32
        %mul3A_332 = arith.constant 71 : i32
        %mul3A_333 = arith.muli %add3A, %mul3A_332 : i32
        %add3A_334 = arith.addi %mul3A_333, %add3A_220 : i32
        %ne3A_335 = arith.cmpi ne, %add3A_331, %add3A_334 : i32
        %or3A_336 = arith.constant false
        %or3A_337 = arith.ori %or3A_336, %ne3A_335 : i1
        %or3A_338 = arith.ori %or3A_337, %eq3A_206 : i1
        %convert_element_type3A_339 = arith.extui %or3A_338 : i1 to i32
        %cond3A_340 = arith.constant 0 : i32
        %cond3A_341 = arith.cmpi ne, %convert_element_type3A_339, %cond3A_340 : i32
        scf.if %cond3A_341 {
        } else {
        }
        %rem3A_342 = arith.constant 2 : i32
        %rem3A_343 = arith.remui %scan3A_199, %rem3A_342 : i32
        %rem3A_344 = arith.constant 2 : i32
        %rem3A_345 = arith.remui %scan3A_201, %rem3A_344 : i32
        %mul3A_346 = arith.constant 2816 : i32
        %mul3A_347 = arith.muli %rem3A_345, %mul3A_346 : i32
        %rem3A_348 = arith.constant 2 : i32
        %rem3A_349 = arith.remui %scan3A_202, %rem3A_348 : i32
        %mul3A_350 = arith.constant 2816 : i32
        %mul3A_351 = arith.muli %rem3A_349, %mul3A_350 : i32
        %parallel_loop3A_352 = arith.constant 0 : i32
        %parallel_loop3A_353 = arith.constant 2816 : i32
        %parallel_loop3A_354 = arith.constant 16 : i32
        "tpu.trace_start"() <{level = 10 : i32, message = "ep_run_kernel"}> : () -> ()
        scf.for %parallel_loop3A_503 = %parallel_loop3A_352 to %parallel_loop3A_353 step %parallel_loop3A_354  : i32 {
          %parallel_loop3A_504 = arith.constant 128 : i32
          %parallel_loop3A_505 = arith.divsi %parallel_loop3A_503, %parallel_loop3A_504 : i32
          %parallel_loop3A_506 = arith.constant 0 : i32
          %parallel_loop3A_507 = arith.cmpi sgt, %parallel_loop3A_503, %parallel_loop3A_506 : i32
          %parallel_loop3A_508 = arith.extui %parallel_loop3A_507 : i1 to i32
          %parallel_loop3A_509 = arith.constant 0 : i32
          %parallel_loop3A_510 = arith.cmpi slt, %parallel_loop3A_503, %parallel_loop3A_509 : i32
          %parallel_loop3A_511 = arith.extui %parallel_loop3A_510 : i1 to i32
          %parallel_loop3A_512 = arith.subi %parallel_loop3A_508, %parallel_loop3A_511 : i32
          %parallel_loop3A_513 = arith.constant 0 : i32
          %parallel_loop3A_514 = arith.cmpi sgt, %parallel_loop3A_504, %parallel_loop3A_513 : i32
          %parallel_loop3A_515 = arith.extui %parallel_loop3A_514 : i1 to i32
          %parallel_loop3A_516 = arith.constant 0 : i32
          %parallel_loop3A_517 = arith.cmpi slt, %parallel_loop3A_504, %parallel_loop3A_516 : i32
          %parallel_loop3A_518 = arith.extui %parallel_loop3A_517 : i1 to i32
          %parallel_loop3A_519 = arith.subi %parallel_loop3A_515, %parallel_loop3A_518 : i32
          %parallel_loop3A_520 = arith.cmpi ne, %parallel_loop3A_512, %parallel_loop3A_519 : i32
          %parallel_loop3A_521 = arith.remsi %parallel_loop3A_503, %parallel_loop3A_504 : i32
          %parallel_loop3A_522 = arith.constant 0 : i32
          %parallel_loop3A_523 = arith.cmpi ne, %parallel_loop3A_521, %parallel_loop3A_522 : i32
          %parallel_loop3A_524 = arith.andi %parallel_loop3A_520, %parallel_loop3A_523 : i1
          %parallel_loop3A_525 = arith.constant 1 : i32
          %parallel_loop3A_526 = arith.subi %parallel_loop3A_505, %parallel_loop3A_525 : i32
          %parallel_loop3A_527 = arith.select %parallel_loop3A_524, %parallel_loop3A_526, %parallel_loop3A_505 : i32
          %parallel_loop3A_528 = arith.constant 128 : i32
          %parallel_loop3A_529 = arith.constant 0 : i32
          %parallel_loop3A_530 = arith.cmpi eq, %parallel_loop3A_528, %parallel_loop3A_529 : i32
          %parallel_loop3A_531 = arith.constant 1 : i32
          %parallel_loop3A_532 = arith.select %parallel_loop3A_530, %parallel_loop3A_531, %parallel_loop3A_528 : i32
          %parallel_loop3A_533 = arith.remsi %parallel_loop3A_503, %parallel_loop3A_532 : i32
          %parallel_loop3A_534 = arith.constant 0 : i32
          %parallel_loop3A_535 = arith.cmpi ne, %parallel_loop3A_533, %parallel_loop3A_534 : i32
          %parallel_loop3A_536 = arith.constant 0 : i32
          %parallel_loop3A_537 = arith.cmpi slt, %parallel_loop3A_533, %parallel_loop3A_536 : i32
          %parallel_loop3A_538 = arith.constant 0 : i32
          %parallel_loop3A_539 = arith.cmpi slt, %parallel_loop3A_532, %parallel_loop3A_538 : i32
          %parallel_loop3A_540 = arith.xori %parallel_loop3A_537, %parallel_loop3A_539 : i1
          %parallel_loop3A_541 = arith.andi %parallel_loop3A_540, %parallel_loop3A_535 : i1
          %parallel_loop3A_542 = arith.addi %parallel_loop3A_533, %parallel_loop3A_532 : i32
          %parallel_loop3A_543 = arith.select %parallel_loop3A_541, %parallel_loop3A_542, %parallel_loop3A_533 : i32
          %parallel_loop3A_544 = arith.constant 0 : i32
          %parallel_loop3A_545 = arith.constant 0 : i32
          %parallel_loop3A_546 = arith.constant 0 : i32
          %parallel_loop3A_547 = arith.constant 0 : i32
          %parallel_loop3A_548 = tpu.memref_slice %run_scoped3A[%rem3A_343, %parallel_loop3A_545, %parallel_loop3A_546, %parallel_loop3A_547] : memref<2x22x2x128xi32, #tpu.memory_space<vmem>> -> memref<1x22x2x128xi32, #tpu.memory_space<vmem>>
          %parallel_loop3A_549 = tpu.memref_squeeze %parallel_loop3A_548 : memref<1x22x2x128xi32, #tpu.memory_space<vmem>> -> memref<22x2x128xi32, #tpu.memory_space<vmem>>
          %parallel_loop3A_550 = arith.index_cast %parallel_loop3A_527 : i32 to index
          %parallel_loop3A_551 = arith.index_cast %parallel_loop3A_544 : i32 to index
          %parallel_loop3A_552 = arith.index_cast %parallel_loop3A_543 : i32 to index
          %parallel_loop3A_553 = tpu.vector_load %parallel_loop3A_549[%parallel_loop3A_550, %parallel_loop3A_551, %parallel_loop3A_552] {strides = array<i32>} : memref<22x2x128xi32, #tpu.memory_space<vmem>>, vector<16xi32>,
          %parallel_loop3A_554 = arith.constant 1 : i32
          %parallel_loop3A_555 = arith.constant 0 : i32
          %parallel_loop3A_556 = arith.constant 0 : i32
          %parallel_loop3A_557 = arith.constant 0 : i32
          %parallel_loop3A_558 = tpu.memref_slice %run_scoped3A[%rem3A_343, %parallel_loop3A_555, %parallel_loop3A_556, %parallel_loop3A_557] : memref<2x22x2x128xi32, #tpu.memory_space<vmem>> -> memref<1x22x2x128xi32, #tpu.memory_space<vmem>>
          %parallel_loop3A_559 = tpu.memref_squeeze %parallel_loop3A_558 : memref<1x22x2x128xi32, #tpu.memory_space<vmem>> -> memref<22x2x128xi32, #tpu.memory_space<vmem>>
          %parallel_loop3A_560 = arith.index_cast %parallel_loop3A_527 : i32 to index
          %parallel_loop3A_561 = arith.index_cast %parallel_loop3A_554 : i32 to index
          %parallel_loop3A_562 = arith.index_cast %parallel_loop3A_543 : i32 to index
          %parallel_loop3A_563 = tpu.vector_load %parallel_loop3A_559[%parallel_loop3A_560, %parallel_loop3A_561, %parallel_loop3A_562] {strides = array<i32>} : memref<22x2x128xi32, #tpu.memory_space<vmem>>, vector<16xi32>,
          %parallel_loop3A_564 = tpu.memref_slice %run_scoped3A_22[%mul3A_347] : memref<5632xf32, #tpu.memory_space<vmem>> -> memref<2816xf32, #tpu.memory_space<vmem>>
          %parallel_loop3A_565 = arith.index_cast %parallel_loop3A_503 : i32 to index
          %parallel_loop3A_566 = tpu.vector_load %parallel_loop3A_564[%parallel_loop3A_565] {strides = array<i32>} : memref<2816xf32, #tpu.memory_space<vmem>>, vector<16xf32>,
          %parallel_loop3A_567 = tpu.vector_load_idx %arg8[%parallel_loop3A_553] : memref<100000xf32, #tpu.memory_space<vmem>>[vector<16xi32>], vector<16xf32>,
          %parallel_loop3A_568 = tpu.vector_load_idx %arg8[%parallel_loop3A_563] : memref<100000xf32, #tpu.memory_space<vmem>>[vector<16xi32>], vector<16xf32>,
          %parallel_loop3A_569 = arith.mulf %get3A_1, %parallel_loop3A_567 : vector<16xf32>
          %parallel_loop3A_570 = arith.mulf %get3A_3, %parallel_loop3A_568 : vector<16xf32>
          %parallel_loop3A_571 = arith.addf %parallel_loop3A_569, %parallel_loop3A_570 : vector<16xf32>
          %parallel_loop3A_572 = arith.mulf %get3A_5, %parallel_loop3A_566 : vector<16xf32>
          %parallel_loop3A_573 = arith.addf %parallel_loop3A_571, %parallel_loop3A_572 : vector<16xf32>
          %parallel_loop3A_574 = arith.addf %parallel_loop3A_573, %get3A_7 : vector<16xf32>
          %parallel_loop3A_575 = arith.constant 0.00999999977 : f32
          %parallel_loop3A_576 = vector.broadcast %parallel_loop3A_575 : f32 to vector<16xf32>
          %parallel_loop3A_577 = arith.mulf %parallel_loop3A_574, %parallel_loop3A_576 : vector<16xf32>
          %parallel_loop3A_578 = arith.maximumf %parallel_loop3A_574, %parallel_loop3A_577 : vector<16xf32>
          %parallel_loop3A_579 = arith.mulf %parallel_loop3A_566, %get3A_11 : vector<16xf32>
          %parallel_loop3A_580 = arith.addf %parallel_loop3A_578, %parallel_loop3A_579 : vector<16xf32>
          %parallel_loop3A_581 = arith.constant 0.000000e+00 : f32
          %parallel_loop3A_582 = vector.broadcast %parallel_loop3A_581 : f32 to vector<16xf32>
          %parallel_loop3A_583 = arith.subf %parallel_loop3A_582, %parallel_loop3A_580 : vector<16xf32>
          %parallel_loop3A_584 = math.exp %parallel_loop3A_583 : vector<16xf32>
          %parallel_loop3A_585 = arith.constant 1.000000e+00 : f32
          %parallel_loop3A_586 = vector.broadcast %parallel_loop3A_585 : f32 to vector<16xf32>
          %parallel_loop3A_587 = arith.addf %parallel_loop3A_586, %parallel_loop3A_584 : vector<16xf32>
          %parallel_loop3A_588 = arith.divf %get3A_9, %parallel_loop3A_587 : vector<16xf32>
          %parallel_loop3A_589 = arith.mulf %parallel_loop3A_567, %parallel_loop3A_588 : vector<16xf32>
          %parallel_loop3A_590 = tpu.memref_slice %run_scoped3A_24[%mul3A_351] : memref<5632xf32, #tpu.memory_space<vmem>> -> memref<2816xf32, #tpu.memory_space<vmem>>
          %parallel_loop3A_591 = arith.index_cast %parallel_loop3A_503 : i32 to index
          %parallel_loop3A_592 = tpu.vector_load %parallel_loop3A_590[%parallel_loop3A_591] {strides = array<i32>} : memref<2816xf32, #tpu.memory_space<vmem>>, vector<16xf32>,
          tpu.vector_store %parallel_loop3A_590[%parallel_loop3A_591], %parallel_loop3A_589 {strides = array<i32>} : memref<2816xf32, #tpu.memory_space<vmem>>, vector<16xf32>,
        } {sc.loop_unroll_factor = 11 : i64, sc.parallel_access}
        "tpu.trace_stop"() : () -> ()
        %mul3A_355 = arith.constant 71 : i32
        %mul3A_356 = arith.muli %add3A, %mul3A_355 : i32
        %add3A_357 = arith.addi %mul3A_356, %add3A_210 : i32
        %mul3A_358 = arith.constant 71 : i32
        %mul3A_359 = arith.muli %add3A, %mul3A_358 : i32
        %add3A_360 = arith.addi %mul3A_359, %add3A_230 : i32
        %ne3A_361 = arith.cmpi ne, %add3A_357, %add3A_360 : i32
        %or3A_362 = arith.constant false
        %or3A_363 = arith.ori %or3A_362, %ne3A_361 : i1
        %or3A_364 = arith.constant false
        %or3A_365 = arith.ori %or3A_363, %or3A_364 : i1
        %or3A_366 = arith.constant false
        %or3A_367 = arith.ori %or3A_365, %or3A_366 : i1
        %or3A_368 = arith.ori %or3A_367, %eq3A_208 : i1
        %convert_element_type3A_369 = arith.extui %or3A_368 : i1 to i32
        %cond3A_370 = arith.constant 0 : i32
        %cond3A_371 = arith.cmpi ne, %convert_element_type3A_369, %cond3A_370 : i32
        scf.if %cond3A_371 {
        } else {
        }
        %and3A_372 = arith.constant false
        %and3A_373 = arith.andi %or3A_368, %and3A_372 : i1
        %mul3A_374 = arith.constant 71 : i32
        %mul3A_375 = arith.muli %add3A, %mul3A_374 : i32
        %add3A_376 = arith.addi %mul3A_375, %add3A_210 : i32
        %mul3A_377 = arith.constant 71 : i32
        %mul3A_378 = arith.muli %add3A, %mul3A_377 : i32
        %add3A_379 = arith.addi %mul3A_378, %add3A_230 : i32
        %ne3A_380 = arith.cmpi ne, %add3A_376, %add3A_379 : i32
        %or3A_381 = arith.constant false
        %or3A_382 = arith.ori %or3A_381, %ne3A_380 : i1
        %or3A_383 = arith.ori %or3A_382, %eq3A_208 : i1
        %convert_element_type3A_384 = arith.extui %or3A_383 : i1 to i32
        %cond3A_385 = arith.constant 0 : i32
        %cond3A_386 = arith.cmpi ne, %convert_element_type3A_384, %cond3A_385 : i32
        scf.if %cond3A_386 {
        } else {
        }
        %and3A_387 = arith.constant false
        %and3A_388 = arith.andi %or3A_383, %and3A_387 : i1
        %mul3A_389 = arith.constant 71 : i32
        %mul3A_390 = arith.muli %add3A, %mul3A_389 : i32
        %add3A_391 = arith.addi %mul3A_390, %add3A_210 : i32
        %mul3A_392 = arith.constant 71 : i32
        %mul3A_393 = arith.muli %add3A, %mul3A_392 : i32
        %add3A_394 = arith.addi %mul3A_393, %add3A_230 : i32
        %ne3A_395 = arith.cmpi ne, %add3A_391, %add3A_394 : i32
        %or3A_396 = arith.constant false
        %or3A_397 = arith.ori %or3A_396, %ne3A_395 : i1
        %or3A_398 = arith.ori %or3A_397, %eq3A_208 : i1
        %convert_element_type3A_399 = arith.extui %or3A_398 : i1 to i32
        %cond3A_400 = arith.constant 0 : i32
        %cond3A_401 = arith.cmpi ne, %convert_element_type3A_399, %cond3A_400 : i32
        scf.if %cond3A_401 {
          "tpu.trace_start"() <{level = 10 : i32, message = "ep_copy_out"}> : () -> ()
          %rem3A_503 = arith.constant 2 : i32
          %rem3A_504 = arith.remui %scan3A_202, %rem3A_503 : i32
          %mul3A_505 = arith.constant 71 : i32
          %mul3A_506 = arith.muli %add3A, %mul3A_505 : i32
          %add3A_507 = arith.addi %mul3A_506, %add3A_210 : i32
          %mul3A_508 = arith.constant 2816 : i32
          %mul3A_509 = arith.muli %mul3A_508, %add3A_507 : i32
          %eq3A_510 = arith.constant 2272 : i32
          %eq3A_511 = arith.cmpi eq, %add3A_507, %eq3A_510 : i32
          %jit3A_512 = arith.constant 2048 : i32
          %jit3A_513 = arith.constant 2816 : i32
          %select_n3A_514 = arith.select %eq3A_511, %jit3A_512, %jit3A_513 : i32
          %multiple_of3A_515 = tpu.assume_multiple %select_n3A_514, 128 : i32
          %mul3A_516 = arith.constant 2816 : i32
          %mul3A_517 = arith.muli %add3A_507, %mul3A_516 : i32
          %mul3A_518 = arith.constant 2816 : i32
          %mul3A_519 = arith.muli %rem3A_504, %mul3A_518 : i32
          %add3A_520 = arith.constant 0 : i32
          %add3A_521 = arith.addi %mul3A_519, %add3A_520 : i32
          %dma_start3A_522 = tpu.memref_slice %run_scoped3A_24[%add3A_521] <%multiple_of3A_515> : memref<5632xf32, #tpu.memory_space<vmem>> -> memref<?xf32, #tpu.memory_space<vmem>>
          %dma_start3A_523 = tpu.memref_slice %arg6[%mul3A_517] <%multiple_of3A_515> : memref<6400000xf32, #tpu.memory_space<hbm>> -> memref<?xf32, #tpu.memory_space<hbm>>
          %dma_start3A_524 = tpu.memref_slice %run_scoped3A_25[%rem3A_504] : memref<2x!tpu.dma_semaphore, #tpu.memory_space<semaphore_mem>> -> memref<1x!tpu.dma_semaphore, #tpu.memory_space<semaphore_mem>>
          %dma_start3A_525 = tpu.memref_squeeze %dma_start3A_524 : memref<1x!tpu.dma_semaphore, #tpu.memory_space<semaphore_mem>> -> memref<!tpu.dma_semaphore, #tpu.memory_space<semaphore_mem>>
          %dma_start3A_526 = tpu.memref_slice %arg6[%mul3A_517] <%multiple_of3A_515> : memref<6400000xf32, #tpu.memory_space<hbm>> -> memref<?xf32, #tpu.memory_space<hbm>>
          %dma_start3A_527 = tpu.memref_slice %run_scoped3A_24[%add3A_521] <%multiple_of3A_515> : memref<5632xf32, #tpu.memory_space<vmem>> -> memref<?xf32, #tpu.memory_space<vmem>>
          tpu.enqueue_dma source(%dma_start3A_527 : memref<?xf32, #tpu.memory_space<vmem>>) target(%dma_start3A_526 : memref<?xf32, #tpu.memory_space<hbm>>) target_semaphore(%dma_start3A_525 : memref<!tpu.dma_semaphore, #tpu.memory_space<semaphore_mem>>)
          "tpu.trace_stop"() : () -> ()
        } else {
        }
        %and3A_402 = arith.constant true
        %and3A_403 = arith.andi %or3A_398, %and3A_402 : i1
        %add3A_404 = arith.constant 1 : i32
        %add3A_405 = arith.addi %scan3A_202, %add3A_404 : i32
        %select_n3A_406 = arith.select %and3A_403, %add3A_405, %scan3A_202 : i32
        %mul3A_407 = arith.constant 71 : i32
        %mul3A_408 = arith.muli %add3A, %mul3A_407 : i32
        %add3A_409 = arith.addi %mul3A_408, %add3A_210 : i32
        %mul3A_410 = arith.constant 71 : i32
        %mul3A_411 = arith.muli %add3A, %mul3A_410 : i32
        %add3A_412 = arith.addi %mul3A_411, %add3A_220 : i32
        %ne3A_413 = arith.cmpi ne, %add3A_409, %add3A_412 : i32
        %or3A_414 = arith.constant false
        %or3A_415 = arith.ori %or3A_414, %ne3A_413 : i1
        %or3A_416 = arith.constant false
        %or3A_417 = arith.ori %or3A_415, %or3A_416 : i1
        %or3A_418 = arith.constant false
        %or3A_419 = arith.ori %or3A_417, %or3A_418 : i1
        %not3A_420 = arith.constant true
        %not3A_421 = arith.xori %eq3A_206, %not3A_420 : i1
        %and3A_422 = arith.andi %or3A_419, %not3A_421 : i1
        %convert_element_type3A_423 = arith.extui %and3A_422 : i1 to i32
        %cond3A_424 = arith.constant 0 : i32
        %cond3A_425 = arith.cmpi ne, %convert_element_type3A_423, %cond3A_424 : i32
        scf.if %cond3A_425 {
        } else {
        }
        %and3A_426 = arith.constant false
        %and3A_427 = arith.andi %and3A_422, %and3A_426 : i1
        %mul3A_428 = arith.constant 71 : i32
        %mul3A_429 = arith.muli %add3A, %mul3A_428 : i32
        %add3A_430 = arith.addi %mul3A_429, %add3A_210 : i32
        %mul3A_431 = arith.constant 71 : i32
        %mul3A_432 = arith.muli %add3A, %mul3A_431 : i32
        %add3A_433 = arith.addi %mul3A_432, %add3A_220 : i32
        %ne3A_434 = arith.cmpi ne, %add3A_430, %add3A_433 : i32
        %or3A_435 = arith.constant false
        %or3A_436 = arith.ori %or3A_435, %ne3A_434 : i1
        %not3A_437 = arith.constant true
        %not3A_438 = arith.xori %eq3A_206, %not3A_437 : i1
        %and3A_439 = arith.andi %or3A_436, %not3A_438 : i1
        %convert_element_type3A_440 = arith.extui %and3A_439 : i1 to i32
        %cond3A_441 = arith.constant 0 : i32
        %cond3A_442 = arith.cmpi ne, %convert_element_type3A_440, %cond3A_441 : i32
        scf.if %cond3A_442 {
        } else {
        }
        %and3A_443 = arith.constant false
        %and3A_444 = arith.andi %and3A_439, %and3A_443 : i1
        %mul3A_445 = arith.constant 71 : i32
        %mul3A_446 = arith.muli %add3A, %mul3A_445 : i32
        %add3A_447 = arith.addi %mul3A_446, %add3A_210 : i32
        %mul3A_448 = arith.constant 71 : i32
        %mul3A_449 = arith.muli %add3A, %mul3A_448 : i32
        %add3A_450 = arith.addi %mul3A_449, %add3A_220 : i32
        %ne3A_451 = arith.cmpi ne, %add3A_447, %add3A_450 : i32
        %or3A_452 = arith.constant false
        %or3A_453 = arith.ori %or3A_452, %ne3A_451 : i1
        %not3A_454 = arith.constant true
        %not3A_455 = arith.xori %eq3A_206, %not3A_454 : i1
        %and3A_456 = arith.andi %or3A_453, %not3A_455 : i1
        %convert_element_type3A_457 = arith.extui %and3A_456 : i1 to i32
        %cond3A_458 = arith.constant 0 : i32
        %cond3A_459 = arith.cmpi ne, %convert_element_type3A_457, %cond3A_458 : i32
        scf.if %cond3A_459 {
          "tpu.trace_start"() <{level = 10 : i32, message = "ep_wait_out"}> : () -> ()
          %rem3A_503 = arith.constant 2 : i32
          %rem3A_504 = arith.remui %scan3A_203, %rem3A_503 : i32
          %mul3A_505 = arith.constant 71 : i32
          %mul3A_506 = arith.muli %add3A, %mul3A_505 : i32
          %add3A_507 = arith.addi %mul3A_506, %add3A_220 : i32
          %mul3A_508 = arith.constant 2816 : i32
          %mul3A_509 = arith.muli %mul3A_508, %add3A_507 : i32
          %eq3A_510 = arith.constant 2272 : i32
          %eq3A_511 = arith.cmpi eq, %add3A_507, %eq3A_510 : i32
          %jit3A_512 = arith.constant 2048 : i32
          %jit3A_513 = arith.constant 2816 : i32
          %select_n3A_514 = arith.select %eq3A_511, %jit3A_512, %jit3A_513 : i32
          %multiple_of3A_515 = tpu.assume_multiple %select_n3A_514, 128 : i32
          %mul3A_516 = arith.constant 2816 : i32
          %mul3A_517 = arith.muli %add3A_507, %mul3A_516 : i32
          %mul3A_518 = arith.constant 2816 : i32
          %mul3A_519 = arith.muli %rem3A_504, %mul3A_518 : i32
          %add3A_520 = arith.constant 0 : i32
          %add3A_521 = arith.addi %mul3A_519, %add3A_520 : i32
          %dma_wait3A_522 = tpu.memref_slice %run_scoped3A_24[%add3A_521] <%multiple_of3A_515> : memref<5632xf32, #tpu.memory_space<vmem>> -> memref<?xf32, #tpu.memory_space<vmem>>
          %dma_wait3A_523 = tpu.memref_slice %arg6[%mul3A_517] <%multiple_of3A_515> : memref<6400000xf32, #tpu.memory_space<hbm>> -> memref<?xf32, #tpu.memory_space<hbm>>
          %dma_wait3A_524 = tpu.memref_slice %run_scoped3A_25[%rem3A_504] : memref<2x!tpu.dma_semaphore, #tpu.memory_space<semaphore_mem>> -> memref<1x!tpu.dma_semaphore, #tpu.memory_space<semaphore_mem>>
          %dma_wait3A_525 = tpu.memref_squeeze %dma_wait3A_524 : memref<1x!tpu.dma_semaphore, #tpu.memory_space<semaphore_mem>> -> memref<!tpu.dma_semaphore, #tpu.memory_space<semaphore_mem>>
          %dma_wait3A_526 = tpu.memref_slice %arg6[%mul3A_517] <%multiple_of3A_515> : memref<6400000xf32, #tpu.memory_space<hbm>> -> memref<?xf32, #tpu.memory_space<hbm>>
          %dma_wait3A_527 = tpu.memref_slice %run_scoped3A_24[%add3A_521] <%multiple_of3A_515> : memref<5632xf32, #tpu.memory_space<vmem>> -> memref<?xf32, #tpu.memory_space<vmem>>
          tpu.wait_dma2 semaphore(%dma_wait3A_525 : memref<!tpu.dma_semaphore, #tpu.memory_space<semaphore_mem>>) src(%dma_wait3A_527 : memref<?xf32, #tpu.memory_space<vmem>>) dst(%dma_wait3A_526 : memref<?xf32, #tpu.memory_space<hbm>>)
          "tpu.trace_stop"() : () -> ()
        } else {
        }
        %and3A_460 = arith.constant true
        %and3A_461 = arith.andi %and3A_456, %and3A_460 : i1
        %add3A_462 = arith.constant 1 : i32
        %add3A_463 = arith.addi %scan3A_203, %add3A_462 : i32
        %select_n3A_464 = arith.select %and3A_461, %add3A_463, %scan3A_203 : i32
        %mul3A_465 = arith.constant 71 : i32
        %mul3A_466 = arith.muli %add3A, %mul3A_465 : i32
        %add3A_467 = arith.addi %mul3A_466, %add3A_210 : i32
        %mul3A_468 = arith.constant 71 : i32
        %mul3A_469 = arith.muli %add3A, %mul3A_468 : i32
        %add3A_470 = arith.addi %mul3A_469, %add3A_230 : i32
        %ne3A_471 = arith.cmpi ne, %add3A_467, %add3A_470 : i32
        %or3A_472 = arith.constant false
        %or3A_473 = arith.ori %or3A_472, %ne3A_471 : i1
        %or3A_474 = arith.constant false
        %or3A_475 = arith.ori %or3A_473, %or3A_474 : i1
        %or3A_476 = arith.constant false
        %or3A_477 = arith.ori %or3A_475, %or3A_476 : i1
        %or3A_478 = arith.ori %or3A_477, %eq3A_208 : i1
        %add3A_479 = arith.constant 1 : i32
        %add3A_480 = arith.addi %scan3A_199, %add3A_479 : i32
        %select_n3A_481 = arith.select %or3A_478, %add3A_480, %scan3A_199 : i32
        %mul3A_482 = arith.constant 71 : i32
        %mul3A_483 = arith.muli %add3A, %mul3A_482 : i32
        %add3A_484 = arith.addi %mul3A_483, %add3A_210 : i32
        %mul3A_485 = arith.constant 71 : i32
        %mul3A_486 = arith.muli %add3A, %mul3A_485 : i32
        %add3A_487 = arith.addi %mul3A_486, %add3A_230 : i32
        %ne3A_488 = arith.cmpi ne, %add3A_484, %add3A_487 : i32
        %or3A_489 = arith.constant false
        %or3A_490 = arith.ori %or3A_489, %ne3A_488 : i1
        %or3A_491 = arith.ori %or3A_490, %eq3A_208 : i1
        %add3A_492 = arith.constant 1 : i32
        %add3A_493 = arith.addi %scan3A_201, %add3A_492 : i32
        %select_n3A_494 = arith.select %or3A_491, %add3A_493, %scan3A_201 : i32
        %add3A_495 = arith.constant 1 : i32
        %add3A_496 = arith.addi %scan3A_204, %add3A_495 : i32
        %select_n3A_497 = arith.constant true
        %select_n3A_498 = arith.select %select_n3A_497, %add3A_496, %scan3A_204 : i32
        %eq3A_499 = arith.constant 71 : i32
        %eq3A_500 = arith.cmpi eq, %select_n3A_498, %eq3A_499 : i32
        %select_n3A_501 = arith.constant 0 : i32
        %select_n3A_502 = arith.select %eq3A_500, %select_n3A_501, %select_n3A_498 : i32
        scf.yield %select_n3A_262, %select_n3A_481, %select_n3A_284, %select_n3A_494, %select_n3A_406, %select_n3A_464, %select_n3A_502 : i32, i32, i32, i32, i32, i32, i32
      }
      %scan3A_133 = arith.constant 71 : i32
      %sub3A = arith.constant 1 : i32
      %sub3A_134 = arith.subi %scan3A_132#6, %sub3A : i32
      %select_n3A_135 = arith.constant true
      %select_n3A_136 = arith.select %select_n3A_135, %sub3A_134, %scan3A_132#6 : i32
      %eq3A_137 = arith.constant -1 : i32
      %eq3A_138 = arith.cmpi eq, %select_n3A_136, %eq3A_137 : i32
      %select_n3A_139 = arith.constant 70 : i32
      %select_n3A_140 = arith.select %eq3A_138, %select_n3A_139, %select_n3A_136 : i32
      %add3A_141 = arith.constant 0 : i32
      %add3A_142 = arith.addi %select_n3A_140, %add3A_141 : i32
      %sub3A_143 = arith.constant 1 : i32
      %sub3A_144 = arith.subi %select_n3A_140, %sub3A_143 : i32
      %select_n3A_145 = arith.constant true
      %select_n3A_146 = arith.select %select_n3A_145, %sub3A_144, %select_n3A_140 : i32
      %eq3A_147 = arith.constant -1 : i32
      %eq3A_148 = arith.cmpi eq, %select_n3A_146, %eq3A_147 : i32
      %select_n3A_149 = arith.constant 70 : i32
      %select_n3A_150 = arith.select %eq3A_148, %select_n3A_149, %select_n3A_146 : i32
      %add3A_151 = arith.constant 0 : i32
      %add3A_152 = arith.addi %select_n3A_150, %add3A_151 : i32
      %add3A_153 = arith.constant 1 : i32
      %add3A_154 = arith.addi %select_n3A_140, %add3A_153 : i32
      %select_n3A_155 = arith.constant true
      %select_n3A_156 = arith.select %select_n3A_155, %add3A_154, %select_n3A_140 : i32
      %eq3A_157 = arith.constant 71 : i32
      %eq3A_158 = arith.cmpi eq, %select_n3A_156, %eq3A_157 : i32
      %select_n3A_159 = arith.constant 0 : i32
      %select_n3A_160 = arith.select %eq3A_158, %select_n3A_159, %select_n3A_156 : i32
      %add3A_161 = arith.constant 0 : i32
      %add3A_162 = arith.addi %select_n3A_160, %add3A_161 : i32
      %add3A_163 = arith.constant 1 : i32
      %add3A_164 = arith.addi %select_n3A_160, %add3A_163 : i32
      %select_n3A_165 = arith.constant true
      %select_n3A_166 = arith.select %select_n3A_165, %add3A_164, %select_n3A_160 : i32
      %eq3A_167 = arith.constant 71 : i32
      %eq3A_168 = arith.cmpi eq, %select_n3A_166, %eq3A_167 : i32
      %select_n3A_169 = arith.constant 0 : i32
      %select_n3A_170 = arith.select %eq3A_168, %select_n3A_169, %select_n3A_166 : i32
      %add3A_171 = arith.constant 0 : i32
      %add3A_172 = arith.addi %select_n3A_170, %add3A_171 : i32
      "tpu.trace_start"() <{level = 10 : i32, message = "ep_finalize"}> : () -> ()
      %rem3A_173 = arith.constant 2 : i32
      %rem3A_174 = arith.remui %scan3A_132#5, %rem3A_173 : i32
      %mul3A_175 = arith.constant 71 : i32
      %mul3A_176 = arith.muli %add3A, %mul3A_175 : i32
      %add3A_177 = arith.addi %mul3A_176, %add3A_142 : i32
      %mul3A_178 = arith.constant 2816 : i32
      %mul3A_179 = arith.muli %mul3A_178, %add3A_177 : i32
      %eq3A_180 = arith.constant 2272 : i32
      %eq3A_181 = arith.cmpi eq, %add3A_177, %eq3A_180 : i32
      %jit3A_182 = arith.constant 2048 : i32
      %jit3A_183 = arith.constant 2816 : i32
      %select_n3A_184 = arith.select %eq3A_181, %jit3A_182, %jit3A_183 : i32
      %multiple_of3A_185 = tpu.assume_multiple %select_n3A_184, 128 : i32
      %mul3A_186 = arith.constant 2816 : i32
      %mul3A_187 = arith.muli %add3A_177, %mul3A_186 : i32
      %mul3A_188 = arith.constant 2816 : i32
      %mul3A_189 = arith.muli %rem3A_174, %mul3A_188 : i32
      %add3A_190 = arith.constant 0 : i32
      %add3A_191 = arith.addi %mul3A_189, %add3A_190 : i32
      %dma_wait3A = tpu.memref_slice %run_scoped3A_24[%add3A_191] <%multiple_of3A_185> : memref<5632xf32, #tpu.memory_space<vmem>> -> memref<?xf32, #tpu.memory_space<vmem>>
      %dma_wait3A_192 = tpu.memref_slice %arg6[%mul3A_187] <%multiple_of3A_185> : memref<6400000xf32, #tpu.memory_space<hbm>> -> memref<?xf32, #tpu.memory_space<hbm>>
      %dma_wait3A_193 = tpu.memref_slice %run_scoped3A_25[%rem3A_174] : memref<2x!tpu.dma_semaphore, #tpu.memory_space<semaphore_mem>> -> memref<1x!tpu.dma_semaphore, #tpu.memory_space<semaphore_mem>>
      %dma_wait3A_194 = tpu.memref_squeeze %dma_wait3A_193 : memref<1x!tpu.dma_semaphore, #tpu.memory_space<semaphore_mem>> -> memref<!tpu.dma_semaphore, #tpu.memory_space<semaphore_mem>>
      %dma_wait3A_195 = tpu.memref_slice %arg6[%mul3A_187] <%multiple_of3A_185> : memref<6400000xf32, #tpu.memory_space<hbm>> -> memref<?xf32, #tpu.memory_space<hbm>>
      %dma_wait3A_196 = tpu.memref_slice %run_scoped3A_24[%add3A_191] <%multiple_of3A_185> : memref<5632xf32, #tpu.memory_space<vmem>> -> memref<?xf32, #tpu.memory_space<vmem>>
      tpu.wait_dma2 semaphore(%dma_wait3A_194 : memref<!tpu.dma_semaphore, #tpu.memory_space<semaphore_mem>>) src(%dma_wait3A_196 : memref<?xf32, #tpu.memory_space<vmem>>) dst(%dma_wait3A_195 : memref<?xf32, #tpu.memory_space<hbm>>)
      "tpu.trace_stop"() : () -> ()
      tpu.yield
    }) : () -> ()
    %ge3A = arith.constant 16 : i32
    %ge3A_12 = arith.cmpi sge, %add3A, %ge3A : i32
    %convert_element_type3A = arith.extui %ge3A_12 : i1 to i32
    %cond3A = arith.constant 0 : i32
    %cond3A_13 = arith.cmpi ne, %convert_element_type3A, %cond3A : i32
    scf.if %cond3A_13 {
      %sub3A = arith.constant 16 : i32
      %sub3A_21 = arith.subi %add3A, %sub3A : i32
      %add3A_22 = arith.constant 49984 : i32
      %add3A_23 = arith.addi %add3A_22, %sub3A_21 : i32
      "tpu.region"() ({
        %run_scoped3A = tpu.sem_alloc : memref<!tpu.dma_semaphore, #tpu.memory_space<semaphore_mem>>
        %dma_start3A = arith.constant 0 : i32
        %dma_start3A_302 = arith.constant 0 : i32
        %dma_start3A_303 = tpu.memref_slice %arg3[%add3A_23, %dma_start3A, %dma_start3A_302] : memref<50000x2x128xi32, #tpu.memory_space<hbm>> -> memref<1x2x128xi32, #tpu.memory_space<hbm>>
        %dma_start3A_304 = tpu.memref_squeeze %dma_start3A_303 : memref<1x2x128xi32, #tpu.memory_space<hbm>> -> memref<2x128xi32, #tpu.memory_space<hbm>>
        %dma_start3A_305 = arith.constant 0 : i32
        %dma_start3A_306 = arith.constant 0 : i32
        %dma_start3A_307 = tpu.memref_slice %arg3[%add3A_23, %dma_start3A_305, %dma_start3A_306] : memref<50000x2x128xi32, #tpu.memory_space<hbm>> -> memref<1x2x128xi32, #tpu.memory_space<hbm>>
        %dma_start3A_308 = tpu.memref_squeeze %dma_start3A_307 : memref<1x2x128xi32, #tpu.memory_space<hbm>> -> memref<2x128xi32, #tpu.memory_space<hbm>>
        tpu.enqueue_dma source(%dma_start3A_308 : memref<2x128xi32, #tpu.memory_space<hbm>>) target(%arg10 : memref<2x128xi32, #tpu.memory_space<vmem>>) target_semaphore(%run_scoped3A : memref<!tpu.dma_semaphore, #tpu.memory_space<semaphore_mem>>)
        %dma_wait3A = arith.constant 0 : i32
        %dma_wait3A_309 = arith.constant 0 : i32
        %dma_wait3A_310 = tpu.memref_slice %arg3[%add3A_23, %dma_wait3A, %dma_wait3A_309] : memref<50000x2x128xi32, #tpu.memory_space<hbm>> -> memref<1x2x128xi32, #tpu.memory_space<hbm>>
        %dma_wait3A_311 = tpu.memref_squeeze %dma_wait3A_310 : memref<1x2x128xi32, #tpu.memory_space<hbm>> -> memref<2x128xi32, #tpu.memory_space<hbm>>
        %dma_wait3A_312 = arith.constant 0 : i32
        %dma_wait3A_313 = arith.constant 0 : i32
        %dma_wait3A_314 = tpu.memref_slice %arg3[%add3A_23, %dma_wait3A_312, %dma_wait3A_313] : memref<50000x2x128xi32, #tpu.memory_space<hbm>> -> memref<1x2x128xi32, #tpu.memory_space<hbm>>
        %dma_wait3A_315 = tpu.memref_squeeze %dma_wait3A_314 : memref<1x2x128xi32, #tpu.memory_space<hbm>> -> memref<2x128xi32, #tpu.memory_space<hbm>>
        tpu.wait_dma2 semaphore(%run_scoped3A : memref<!tpu.dma_semaphore, #tpu.memory_space<semaphore_mem>>) src(%dma_wait3A_315 : memref<2x128xi32, #tpu.memory_space<hbm>>) dst(%arg10 : memref<2x128xi32, #tpu.memory_space<vmem>>)
        tpu.yield
      }) : () -> ()
      %mul3A_24 = arith.constant 128 : i32
      %mul3A_25 = arith.muli %add3A_23, %mul3A_24 : i32
      "tpu.region"() ({
        %run_scoped3A = tpu.sem_alloc : memref<!tpu.dma_semaphore, #tpu.memory_space<semaphore_mem>>
        %dma_start3A = tpu.memref_slice %arg4[%mul3A_25] : memref<6400000xf32, #tpu.memory_space<hbm>> -> memref<128xf32, #tpu.memory_space<hbm>>
        %dma_start3A_302 = tpu.memref_slice %arg4[%mul3A_25] : memref<6400000xf32, #tpu.memory_space<hbm>> -> memref<128xf32, #tpu.memory_space<hbm>>
        tpu.enqueue_dma source(%dma_start3A_302 : memref<128xf32, #tpu.memory_space<hbm>>) target(%arg11 : memref<128xf32, #tpu.memory_space<vmem>>) target_semaphore(%run_scoped3A : memref<!tpu.dma_semaphore, #tpu.memory_space<semaphore_mem>>)
        %dma_wait3A = tpu.memref_slice %arg4[%mul3A_25] : memref<6400000xf32, #tpu.memory_space<hbm>> -> memref<128xf32, #tpu.memory_space<hbm>>
        %dma_wait3A_303 = tpu.memref_slice %arg4[%mul3A_25] : memref<6400000xf32, #tpu.memory_space<hbm>> -> memref<128xf32, #tpu.memory_space<hbm>>
        tpu.wait_dma2 semaphore(%run_scoped3A : memref<!tpu.dma_semaphore, #tpu.memory_space<semaphore_mem>>) src(%dma_wait3A_303 : memref<128xf32, #tpu.memory_space<hbm>>) dst(%arg11 : memref<128xf32, #tpu.memory_space<vmem>>)
        tpu.yield
      }) : () -> ()
      %get3A_26 = arith.constant 0 : i32
      %get3A_27 = arith.index_cast %get3A_26 : i32 to index
      %get3A_28 = arith.constant 0 : index
      %get3A_29 = tpu.vector_load %arg10[%get3A_27, %get3A_28] {strides = array<i32>} : memref<2x128xi32, #tpu.memory_space<vmem>>, vector<16xi32>,
      %get3A_30 = arith.constant 1 : i32
      %get3A_31 = arith.index_cast %get3A_30 : i32 to index
      %get3A_32 = arith.constant 0 : index
      %get3A_33 = tpu.vector_load %arg10[%get3A_31, %get3A_32] {strides = array<i32>} : memref<2x128xi32, #tpu.memory_space<vmem>>, vector<16xi32>,
      %get3A_34 = arith.constant 0 : index
      %get3A_35 = tpu.vector_load %arg11[%get3A_34] {strides = array<i32>} : memref<128xf32, #tpu.memory_space<vmem>>, vector<16xf32>,
      %gather3A = tpu.vector_load_idx %arg8[%get3A_29] : memref<100000xf32, #tpu.memory_space<vmem>>[vector<16xi32>], vector<16xf32>,
      %gather3A_36 = tpu.vector_load_idx %arg8[%get3A_33] : memref<100000xf32, #tpu.memory_space<vmem>>[vector<16xi32>], vector<16xf32>,
      %mul3A_37 = arith.mulf %get3A_1, %gather3A : vector<16xf32>
      %mul3A_38 = arith.mulf %get3A_3, %gather3A_36 : vector<16xf32>
      %add3A_39 = arith.addf %mul3A_37, %mul3A_38 : vector<16xf32>
      %mul3A_40 = arith.mulf %get3A_5, %get3A_35 : vector<16xf32>
      %add3A_41 = arith.addf %add3A_39, %mul3A_40 : vector<16xf32>
      %add3A_42 = arith.addf %add3A_41, %get3A_7 : vector<16xf32>
      %mul3A_43 = arith.constant 0.00999999977 : f32
      %mul3A_44 = vector.broadcast %mul3A_43 : f32 to vector<16xf32>
      %mul3A_45 = arith.mulf %add3A_42, %mul3A_44 : vector<16xf32>
      %max3A = arith.maximumf %add3A_42, %mul3A_45 : vector<16xf32>
      %mul3A_46 = arith.mulf %get3A_35, %get3A_11 : vector<16xf32>
      %add3A_47 = arith.addf %max3A, %mul3A_46 : vector<16xf32>
      %neg3A = arith.constant 0.000000e+00 : f32
      %neg3A_48 = vector.broadcast %neg3A : f32 to vector<16xf32>
      %neg3A_49 = arith.subf %neg3A_48, %add3A_47 : vector<16xf32>
      %exp3A = math.exp %neg3A_49 : vector<16xf32>
      %add3A_50 = arith.constant 1.000000e+00 : f32
      %add3A_51 = vector.broadcast %add3A_50 : f32 to vector<16xf32>
      %add3A_52 = arith.addf %add3A_51, %exp3A : vector<16xf32>
      %div3A = arith.divf %get3A_9, %add3A_52 : vector<16xf32>
      %mul3A_53 = arith.mulf %gather3A, %div3A : vector<16xf32>
      %swap3A = arith.constant 0 : index
      %swap3A_54 = tpu.vector_load %arg12[%swap3A] {strides = array<i32>} : memref<128xf32, #tpu.memory_space<vmem>>, vector<16xf32>,
      tpu.vector_store %arg12[%swap3A], %mul3A_53 {strides = array<i32>} : memref<128xf32, #tpu.memory_space<vmem>>, vector<16xf32>,
      %get3A_55 = arith.constant 0 : i32
      %get3A_56 = arith.index_cast %get3A_55 : i32 to index
      %get3A_57 = arith.constant 16 : index
      %get3A_58 = tpu.vector_load %arg10[%get3A_56, %get3A_57] {strides = array<i32>} : memref<2x128xi32, #tpu.memory_space<vmem>>, vector<16xi32>,
      %get3A_59 = arith.constant 1 : i32
      %get3A_60 = arith.index_cast %get3A_59 : i32 to index
      %get3A_61 = arith.constant 16 : index
      %get3A_62 = tpu.vector_load %arg10[%get3A_60, %get3A_61] {strides = array<i32>} : memref<2x128xi32, #tpu.memory_space<vmem>>, vector<16xi32>,
      %get3A_63 = arith.constant 16 : index
      %get3A_64 = tpu.vector_load %arg11[%get3A_63] {strides = array<i32>} : memref<128xf32, #tpu.memory_space<vmem>>, vector<16xf32>,
      %gather3A_65 = tpu.vector_load_idx %arg8[%get3A_58] : memref<100000xf32, #tpu.memory_space<vmem>>[vector<16xi32>], vector<16xf32>,
      %gather3A_66 = tpu.vector_load_idx %arg8[%get3A_62] : memref<100000xf32, #tpu.memory_space<vmem>>[vector<16xi32>], vector<16xf32>,
      %mul3A_67 = arith.mulf %get3A_1, %gather3A_65 : vector<16xf32>
      %mul3A_68 = arith.mulf %get3A_3, %gather3A_66 : vector<16xf32>
      %add3A_69 = arith.addf %mul3A_67, %mul3A_68 : vector<16xf32>
      %mul3A_70 = arith.mulf %get3A_5, %get3A_64 : vector<16xf32>
      %add3A_71 = arith.addf %add3A_69, %mul3A_70 : vector<16xf32>
      %add3A_72 = arith.addf %add3A_71, %get3A_7 : vector<16xf32>
      %mul3A_73 = arith.constant 0.00999999977 : f32
      %mul3A_74 = vector.broadcast %mul3A_73 : f32 to vector<16xf32>
      %mul3A_75 = arith.mulf %add3A_72, %mul3A_74 : vector<16xf32>
      %max3A_76 = arith.maximumf %add3A_72, %mul3A_75 : vector<16xf32>
      %mul3A_77 = arith.mulf %get3A_64, %get3A_11 : vector<16xf32>
      %add3A_78 = arith.addf %max3A_76, %mul3A_77 : vector<16xf32>
      %neg3A_79 = arith.constant 0.000000e+00 : f32
      %neg3A_80 = vector.broadcast %neg3A_79 : f32 to vector<16xf32>
      %neg3A_81 = arith.subf %neg3A_80, %add3A_78 : vector<16xf32>
      %exp3A_82 = math.exp %neg3A_81 : vector<16xf32>
      %add3A_83 = arith.constant 1.000000e+00 : f32
      %add3A_84 = vector.broadcast %add3A_83 : f32 to vector<16xf32>
      %add3A_85 = arith.addf %add3A_84, %exp3A_82 : vector<16xf32>
      %div3A_86 = arith.divf %get3A_9, %add3A_85 : vector<16xf32>
      %mul3A_87 = arith.mulf %gather3A_65, %div3A_86 : vector<16xf32>
      %swap3A_88 = arith.constant 16 : index
      %swap3A_89 = tpu.vector_load %arg12[%swap3A_88] {strides = array<i32>} : memref<128xf32, #tpu.memory_space<vmem>>, vector<16xf32>,
      tpu.vector_store %arg12[%swap3A_88], %mul3A_87 {strides = array<i32>} : memref<128xf32, #tpu.memory_space<vmem>>, vector<16xf32>,
      %get3A_90 = arith.constant 0 : i32
      %get3A_91 = arith.index_cast %get3A_90 : i32 to index
      %get3A_92 = arith.constant 32 : index
      %get3A_93 = tpu.vector_load %arg10[%get3A_91, %get3A_92] {strides = array<i32>} : memref<2x128xi32, #tpu.memory_space<vmem>>, vector<16xi32>,
      %get3A_94 = arith.constant 1 : i32
      %get3A_95 = arith.index_cast %get3A_94 : i32 to index
      %get3A_96 = arith.constant 32 : index
      %get3A_97 = tpu.vector_load %arg10[%get3A_95, %get3A_96] {strides = array<i32>} : memref<2x128xi32, #tpu.memory_space<vmem>>, vector<16xi32>,
      %get3A_98 = arith.constant 32 : index
      %get3A_99 = tpu.vector_load %arg11[%get3A_98] {strides = array<i32>} : memref<128xf32, #tpu.memory_space<vmem>>, vector<16xf32>,
      %gather3A_100 = tpu.vector_load_idx %arg8[%get3A_93] : memref<100000xf32, #tpu.memory_space<vmem>>[vector<16xi32>], vector<16xf32>,
      %gather3A_101 = tpu.vector_load_idx %arg8[%get3A_97] : memref<100000xf32, #tpu.memory_space<vmem>>[vector<16xi32>], vector<16xf32>,
      %mul3A_102 = arith.mulf %get3A_1, %gather3A_100 : vector<16xf32>
      %mul3A_103 = arith.mulf %get3A_3, %gather3A_101 : vector<16xf32>
      %add3A_104 = arith.addf %mul3A_102, %mul3A_103 : vector<16xf32>
      %mul3A_105 = arith.mulf %get3A_5, %get3A_99 : vector<16xf32>
      %add3A_106 = arith.addf %add3A_104, %mul3A_105 : vector<16xf32>
      %add3A_107 = arith.addf %add3A_106, %get3A_7 : vector<16xf32>
      %mul3A_108 = arith.constant 0.00999999977 : f32
      %mul3A_109 = vector.broadcast %mul3A_108 : f32 to vector<16xf32>
      %mul3A_110 = arith.mulf %add3A_107, %mul3A_109 : vector<16xf32>
      %max3A_111 = arith.maximumf %add3A_107, %mul3A_110 : vector<16xf32>
      %mul3A_112 = arith.mulf %get3A_99, %get3A_11 : vector<16xf32>
      %add3A_113 = arith.addf %max3A_111, %mul3A_112 : vector<16xf32>
      %neg3A_114 = arith.constant 0.000000e+00 : f32
      %neg3A_115 = vector.broadcast %neg3A_114 : f32 to vector<16xf32>
      %neg3A_116 = arith.subf %neg3A_115, %add3A_113 : vector<16xf32>
      %exp3A_117 = math.exp %neg3A_116 : vector<16xf32>
      %add3A_118 = arith.constant 1.000000e+00 : f32
      %add3A_119 = vector.broadcast %add3A_118 : f32 to vector<16xf32>
      %add3A_120 = arith.addf %add3A_119, %exp3A_117 : vector<16xf32>
      %div3A_121 = arith.divf %get3A_9, %add3A_120 : vector<16xf32>
      %mul3A_122 = arith.mulf %gather3A_100, %div3A_121 : vector<16xf32>
      %swap3A_123 = arith.constant 32 : index
      %swap3A_124 = tpu.vector_load %arg12[%swap3A_123] {strides = array<i32>} : memref<128xf32, #tpu.memory_space<vmem>>, vector<16xf32>,
      tpu.vector_store %arg12[%swap3A_123], %mul3A_122 {strides = array<i32>} : memref<128xf32, #tpu.memory_space<vmem>>, vector<16xf32>,
      %get3A_125 = arith.constant 0 : i32
      %get3A_126 = arith.index_cast %get3A_125 : i32 to index
      %get3A_127 = arith.constant 48 : index
      %get3A_128 = tpu.vector_load %arg10[%get3A_126, %get3A_127] {strides = array<i32>} : memref<2x128xi32, #tpu.memory_space<vmem>>, vector<16xi32>,
      %get3A_129 = arith.constant 1 : i32
      %get3A_130 = arith.index_cast %get3A_129 : i32 to index
      %get3A_131 = arith.constant 48 : index
      %get3A_132 = tpu.vector_load %arg10[%get3A_130, %get3A_131] {strides = array<i32>} : memref<2x128xi32, #tpu.memory_space<vmem>>, vector<16xi32>,
      %get3A_133 = arith.constant 48 : index
      %get3A_134 = tpu.vector_load %arg11[%get3A_133] {strides = array<i32>} : memref<128xf32, #tpu.memory_space<vmem>>, vector<16xf32>,
      %gather3A_135 = tpu.vector_load_idx %arg8[%get3A_128] : memref<100000xf32, #tpu.memory_space<vmem>>[vector<16xi32>], vector<16xf32>,
      %gather3A_136 = tpu.vector_load_idx %arg8[%get3A_132] : memref<100000xf32, #tpu.memory_space<vmem>>[vector<16xi32>], vector<16xf32>,
      %mul3A_137 = arith.mulf %get3A_1, %gather3A_135 : vector<16xf32>
      %mul3A_138 = arith.mulf %get3A_3, %gather3A_136 : vector<16xf32>
      %add3A_139 = arith.addf %mul3A_137, %mul3A_138 : vector<16xf32>
      %mul3A_140 = arith.mulf %get3A_5, %get3A_134 : vector<16xf32>
      %add3A_141 = arith.addf %add3A_139, %mul3A_140 : vector<16xf32>
      %add3A_142 = arith.addf %add3A_141, %get3A_7 : vector<16xf32>
      %mul3A_143 = arith.constant 0.00999999977 : f32
      %mul3A_144 = vector.broadcast %mul3A_143 : f32 to vector<16xf32>
      %mul3A_145 = arith.mulf %add3A_142, %mul3A_144 : vector<16xf32>
      %max3A_146 = arith.maximumf %add3A_142, %mul3A_145 : vector<16xf32>
      %mul3A_147 = arith.mulf %get3A_134, %get3A_11 : vector<16xf32>
      %add3A_148 = arith.addf %max3A_146, %mul3A_147 : vector<16xf32>
      %neg3A_149 = arith.constant 0.000000e+00 : f32
      %neg3A_150 = vector.broadcast %neg3A_149 : f32 to vector<16xf32>
      %neg3A_151 = arith.subf %neg3A_150, %add3A_148 : vector<16xf32>
      %exp3A_152 = math.exp %neg3A_151 : vector<16xf32>
      %add3A_153 = arith.constant 1.000000e+00 : f32
      %add3A_154 = vector.broadcast %add3A_153 : f32 to vector<16xf32>
      %add3A_155 = arith.addf %add3A_154, %exp3A_152 : vector<16xf32>
      %div3A_156 = arith.divf %get3A_9, %add3A_155 : vector<16xf32>
      %mul3A_157 = arith.mulf %gather3A_135, %div3A_156 : vector<16xf32>
      %swap3A_158 = arith.constant 48 : index
      %swap3A_159 = tpu.vector_load %arg12[%swap3A_158] {strides = array<i32>} : memref<128xf32, #tpu.memory_space<vmem>>, vector<16xf32>,
      tpu.vector_store %arg12[%swap3A_158], %mul3A_157 {strides = array<i32>} : memref<128xf32, #tpu.memory_space<vmem>>, vector<16xf32>,
      %get3A_160 = arith.constant 0 : i32
      %get3A_161 = arith.index_cast %get3A_160 : i32 to index
      %get3A_162 = arith.constant 64 : index
      %get3A_163 = tpu.vector_load %arg10[%get3A_161, %get3A_162] {strides = array<i32>} : memref<2x128xi32, #tpu.memory_space<vmem>>, vector<16xi32>,
      %get3A_164 = arith.constant 1 : i32
      %get3A_165 = arith.index_cast %get3A_164 : i32 to index
      %get3A_166 = arith.constant 64 : index
      %get3A_167 = tpu.vector_load %arg10[%get3A_165, %get3A_166] {strides = array<i32>} : memref<2x128xi32, #tpu.memory_space<vmem>>, vector<16xi32>,
      %get3A_168 = arith.constant 64 : index
      %get3A_169 = tpu.vector_load %arg11[%get3A_168] {strides = array<i32>} : memref<128xf32, #tpu.memory_space<vmem>>, vector<16xf32>,
      %gather3A_170 = tpu.vector_load_idx %arg8[%get3A_163] : memref<100000xf32, #tpu.memory_space<vmem>>[vector<16xi32>], vector<16xf32>,
      %gather3A_171 = tpu.vector_load_idx %arg8[%get3A_167] : memref<100000xf32, #tpu.memory_space<vmem>>[vector<16xi32>], vector<16xf32>,
      %mul3A_172 = arith.mulf %get3A_1, %gather3A_170 : vector<16xf32>
      %mul3A_173 = arith.mulf %get3A_3, %gather3A_171 : vector<16xf32>
      %add3A_174 = arith.addf %mul3A_172, %mul3A_173 : vector<16xf32>
      %mul3A_175 = arith.mulf %get3A_5, %get3A_169 : vector<16xf32>
      %add3A_176 = arith.addf %add3A_174, %mul3A_175 : vector<16xf32>
      %add3A_177 = arith.addf %add3A_176, %get3A_7 : vector<16xf32>
      %mul3A_178 = arith.constant 0.00999999977 : f32
      %mul3A_179 = vector.broadcast %mul3A_178 : f32 to vector<16xf32>
      %mul3A_180 = arith.mulf %add3A_177, %mul3A_179 : vector<16xf32>
      %max3A_181 = arith.maximumf %add3A_177, %mul3A_180 : vector<16xf32>
      %mul3A_182 = arith.mulf %get3A_169, %get3A_11 : vector<16xf32>
      %add3A_183 = arith.addf %max3A_181, %mul3A_182 : vector<16xf32>
      %neg3A_184 = arith.constant 0.000000e+00 : f32
      %neg3A_185 = vector.broadcast %neg3A_184 : f32 to vector<16xf32>
      %neg3A_186 = arith.subf %neg3A_185, %add3A_183 : vector<16xf32>
      %exp3A_187 = math.exp %neg3A_186 : vector<16xf32>
      %add3A_188 = arith.constant 1.000000e+00 : f32
      %add3A_189 = vector.broadcast %add3A_188 : f32 to vector<16xf32>
      %add3A_190 = arith.addf %add3A_189, %exp3A_187 : vector<16xf32>
      %div3A_191 = arith.divf %get3A_9, %add3A_190 : vector<16xf32>
      %mul3A_192 = arith.mulf %gather3A_170, %div3A_191 : vector<16xf32>
      %swap3A_193 = arith.constant 64 : index
      %swap3A_194 = tpu.vector_load %arg12[%swap3A_193] {strides = array<i32>} : memref<128xf32, #tpu.memory_space<vmem>>, vector<16xf32>,
      tpu.vector_store %arg12[%swap3A_193], %mul3A_192 {strides = array<i32>} : memref<128xf32, #tpu.memory_space<vmem>>, vector<16xf32>,
      %get3A_195 = arith.constant 0 : i32
      %get3A_196 = arith.index_cast %get3A_195 : i32 to index
      %get3A_197 = arith.constant 80 : index
      %get3A_198 = tpu.vector_load %arg10[%get3A_196, %get3A_197] {strides = array<i32>} : memref<2x128xi32, #tpu.memory_space<vmem>>, vector<16xi32>,
      %get3A_199 = arith.constant 1 : i32
      %get3A_200 = arith.index_cast %get3A_199 : i32 to index
      %get3A_201 = arith.constant 80 : index
      %get3A_202 = tpu.vector_load %arg10[%get3A_200, %get3A_201] {strides = array<i32>} : memref<2x128xi32, #tpu.memory_space<vmem>>, vector<16xi32>,
      %get3A_203 = arith.constant 80 : index
      %get3A_204 = tpu.vector_load %arg11[%get3A_203] {strides = array<i32>} : memref<128xf32, #tpu.memory_space<vmem>>, vector<16xf32>,
      %gather3A_205 = tpu.vector_load_idx %arg8[%get3A_198] : memref<100000xf32, #tpu.memory_space<vmem>>[vector<16xi32>], vector<16xf32>,
      %gather3A_206 = tpu.vector_load_idx %arg8[%get3A_202] : memref<100000xf32, #tpu.memory_space<vmem>>[vector<16xi32>], vector<16xf32>,
      %mul3A_207 = arith.mulf %get3A_1, %gather3A_205 : vector<16xf32>
      %mul3A_208 = arith.mulf %get3A_3, %gather3A_206 : vector<16xf32>
      %add3A_209 = arith.addf %mul3A_207, %mul3A_208 : vector<16xf32>
      %mul3A_210 = arith.mulf %get3A_5, %get3A_204 : vector<16xf32>
      %add3A_211 = arith.addf %add3A_209, %mul3A_210 : vector<16xf32>
      %add3A_212 = arith.addf %add3A_211, %get3A_7 : vector<16xf32>
      %mul3A_213 = arith.constant 0.00999999977 : f32
      %mul3A_214 = vector.broadcast %mul3A_213 : f32 to vector<16xf32>
      %mul3A_215 = arith.mulf %add3A_212, %mul3A_214 : vector<16xf32>
      %max3A_216 = arith.maximumf %add3A_212, %mul3A_215 : vector<16xf32>
      %mul3A_217 = arith.mulf %get3A_204, %get3A_11 : vector<16xf32>
      %add3A_218 = arith.addf %max3A_216, %mul3A_217 : vector<16xf32>
      %neg3A_219 = arith.constant 0.000000e+00 : f32
      %neg3A_220 = vector.broadcast %neg3A_219 : f32 to vector<16xf32>
      %neg3A_221 = arith.subf %neg3A_220, %add3A_218 : vector<16xf32>
      %exp3A_222 = math.exp %neg3A_221 : vector<16xf32>
      %add3A_223 = arith.constant 1.000000e+00 : f32
      %add3A_224 = vector.broadcast %add3A_223 : f32 to vector<16xf32>
      %add3A_225 = arith.addf %add3A_224, %exp3A_222 : vector<16xf32>
      %div3A_226 = arith.divf %get3A_9, %add3A_225 : vector<16xf32>
      %mul3A_227 = arith.mulf %gather3A_205, %div3A_226 : vector<16xf32>
      %swap3A_228 = arith.constant 80 : index
      %swap3A_229 = tpu.vector_load %arg12[%swap3A_228] {strides = array<i32>} : memref<128xf32, #tpu.memory_space<vmem>>, vector<16xf32>,
      tpu.vector_store %arg12[%swap3A_228], %mul3A_227 {strides = array<i32>} : memref<128xf32, #tpu.memory_space<vmem>>, vector<16xf32>,
      %get3A_230 = arith.constant 0 : i32
      %get3A_231 = arith.index_cast %get3A_230 : i32 to index
      %get3A_232 = arith.constant 96 : index
      %get3A_233 = tpu.vector_load %arg10[%get3A_231, %get3A_232] {strides = array<i32>} : memref<2x128xi32, #tpu.memory_space<vmem>>, vector<16xi32>,
      %get3A_234 = arith.constant 1 : i32
      %get3A_235 = arith.index_cast %get3A_234 : i32 to index
      %get3A_236 = arith.constant 96 : index
      %get3A_237 = tpu.vector_load %arg10[%get3A_235, %get3A_236] {strides = array<i32>} : memref<2x128xi32, #tpu.memory_space<vmem>>, vector<16xi32>,
      %get3A_238 = arith.constant 96 : index
      %get3A_239 = tpu.vector_load %arg11[%get3A_238] {strides = array<i32>} : memref<128xf32, #tpu.memory_space<vmem>>, vector<16xf32>,
      %gather3A_240 = tpu.vector_load_idx %arg8[%get3A_233] : memref<100000xf32, #tpu.memory_space<vmem>>[vector<16xi32>], vector<16xf32>,
      %gather3A_241 = tpu.vector_load_idx %arg8[%get3A_237] : memref<100000xf32, #tpu.memory_space<vmem>>[vector<16xi32>], vector<16xf32>,
      %mul3A_242 = arith.mulf %get3A_1, %gather3A_240 : vector<16xf32>
      %mul3A_243 = arith.mulf %get3A_3, %gather3A_241 : vector<16xf32>
      %add3A_244 = arith.addf %mul3A_242, %mul3A_243 : vector<16xf32>
      %mul3A_245 = arith.mulf %get3A_5, %get3A_239 : vector<16xf32>
      %add3A_246 = arith.addf %add3A_244, %mul3A_245 : vector<16xf32>
      %add3A_247 = arith.addf %add3A_246, %get3A_7 : vector<16xf32>
      %mul3A_248 = arith.constant 0.00999999977 : f32
      %mul3A_249 = vector.broadcast %mul3A_248 : f32 to vector<16xf32>
      %mul3A_250 = arith.mulf %add3A_247, %mul3A_249 : vector<16xf32>
      %max3A_251 = arith.maximumf %add3A_247, %mul3A_250 : vector<16xf32>
      %mul3A_252 = arith.mulf %get3A_239, %get3A_11 : vector<16xf32>
      %add3A_253 = arith.addf %max3A_251, %mul3A_252 : vector<16xf32>
      %neg3A_254 = arith.constant 0.000000e+00 : f32
      %neg3A_255 = vector.broadcast %neg3A_254 : f32 to vector<16xf32>
      %neg3A_256 = arith.subf %neg3A_255, %add3A_253 : vector<16xf32>
      %exp3A_257 = math.exp %neg3A_256 : vector<16xf32>
      %add3A_258 = arith.constant 1.000000e+00 : f32
      %add3A_259 = vector.broadcast %add3A_258 : f32 to vector<16xf32>
      %add3A_260 = arith.addf %add3A_259, %exp3A_257 : vector<16xf32>
      %div3A_261 = arith.divf %get3A_9, %add3A_260 : vector<16xf32>
      %mul3A_262 = arith.mulf %gather3A_240, %div3A_261 : vector<16xf32>
      %swap3A_263 = arith.constant 96 : index
      %swap3A_264 = tpu.vector_load %arg12[%swap3A_263] {strides = array<i32>} : memref<128xf32, #tpu.memory_space<vmem>>, vector<16xf32>,
      tpu.vector_store %arg12[%swap3A_263], %mul3A_262 {strides = array<i32>} : memref<128xf32, #tpu.memory_space<vmem>>, vector<16xf32>,
      %get3A_265 = arith.constant 0 : i32
      %get3A_266 = arith.index_cast %get3A_265 : i32 to index
      %get3A_267 = arith.constant 112 : index
      %get3A_268 = tpu.vector_load %arg10[%get3A_266, %get3A_267] {strides = array<i32>} : memref<2x128xi32, #tpu.memory_space<vmem>>, vector<16xi32>,
      %get3A_269 = arith.constant 1 : i32
      %get3A_270 = arith.index_cast %get3A_269 : i32 to index
      %get3A_271 = arith.constant 112 : index
      %get3A_272 = tpu.vector_load %arg10[%get3A_270, %get3A_271] {strides = array<i32>} : memref<2x128xi32, #tpu.memory_space<vmem>>, vector<16xi32>,
      %get3A_273 = arith.constant 112 : index
      %get3A_274 = tpu.vector_load %arg11[%get3A_273] {strides = array<i32>} : memref<128xf32, #tpu.memory_space<vmem>>, vector<16xf32>,
      %gather3A_275 = tpu.vector_load_idx %arg8[%get3A_268] : memref<100000xf32, #tpu.memory_space<vmem>>[vector<16xi32>], vector<16xf32>,
      %gather3A_276 = tpu.vector_load_idx %arg8[%get3A_272] : memref<100000xf32, #tpu.memory_space<vmem>>[vector<16xi32>], vector<16xf32>,
      %mul3A_277 = arith.mulf %get3A_1, %gather3A_275 : vector<16xf32>
      %mul3A_278 = arith.mulf %get3A_3, %gather3A_276 : vector<16xf32>
      %add3A_279 = arith.addf %mul3A_277, %mul3A_278 : vector<16xf32>
      %mul3A_280 = arith.mulf %get3A_5, %get3A_274 : vector<16xf32>
      %add3A_281 = arith.addf %add3A_279, %mul3A_280 : vector<16xf32>
      %add3A_282 = arith.addf %add3A_281, %get3A_7 : vector<16xf32>
      %mul3A_283 = arith.constant 0.00999999977 : f32
      %mul3A_284 = vector.broadcast %mul3A_283 : f32 to vector<16xf32>
      %mul3A_285 = arith.mulf %add3A_282, %mul3A_284 : vector<16xf32>
      %max3A_286 = arith.maximumf %add3A_282, %mul3A_285 : vector<16xf32>
      %mul3A_287 = arith.mulf %get3A_274, %get3A_11 : vector<16xf32>
      %add3A_288 = arith.addf %max3A_286, %mul3A_287 : vector<16xf32>
      %neg3A_289 = arith.constant 0.000000e+00 : f32
      %neg3A_290 = vector.broadcast %neg3A_289 : f32 to vector<16xf32>
      %neg3A_291 = arith.subf %neg3A_290, %add3A_288 : vector<16xf32>
      %exp3A_292 = math.exp %neg3A_291 : vector<16xf32>
      %add3A_293 = arith.constant 1.000000e+00 : f32
      %add3A_294 = vector.broadcast %add3A_293 : f32 to vector<16xf32>
      %add3A_295 = arith.addf %add3A_294, %exp3A_292 : vector<16xf32>
      %div3A_296 = arith.divf %get3A_9, %add3A_295 : vector<16xf32>
      %mul3A_297 = arith.mulf %gather3A_275, %div3A_296 : vector<16xf32>
      %swap3A_298 = arith.constant 112 : index
      %swap3A_299 = tpu.vector_load %arg12[%swap3A_298] {strides = array<i32>} : memref<128xf32, #tpu.memory_space<vmem>>, vector<16xf32>,
      tpu.vector_store %arg12[%swap3A_298], %mul3A_297 {strides = array<i32>} : memref<128xf32, #tpu.memory_space<vmem>>, vector<16xf32>,
      %mul3A_300 = arith.constant 128 : i32
      %mul3A_301 = arith.muli %add3A_23, %mul3A_300 : i32
      "tpu.region"() ({
        %run_scoped3A = tpu.sem_alloc : memref<!tpu.dma_semaphore, #tpu.memory_space<semaphore_mem>>
        %dma_start3A = tpu.memref_slice %arg6[%mul3A_301] : memref<6400000xf32, #tpu.memory_space<hbm>> -> memref<128xf32, #tpu.memory_space<hbm>>
        %dma_start3A_302 = tpu.memref_slice %arg6[%mul3A_301] : memref<6400000xf32, #tpu.memory_space<hbm>> -> memref<128xf32, #tpu.memory_space<hbm>>
        tpu.enqueue_dma source(%arg12 : memref<128xf32, #tpu.memory_space<vmem>>) target(%dma_start3A_302 : memref<128xf32, #tpu.memory_space<hbm>>) target_semaphore(%run_scoped3A : memref<!tpu.dma_semaphore, #tpu.memory_space<semaphore_mem>>)
        %dma_wait3A = tpu.memref_slice %arg6[%mul3A_301] : memref<6400000xf32, #tpu.memory_space<hbm>> -> memref<128xf32, #tpu.memory_space<hbm>>
        %dma_wait3A_303 = tpu.memref_slice %arg6[%mul3A_301] : memref<6400000xf32, #tpu.memory_space<hbm>> -> memref<128xf32, #tpu.memory_space<hbm>>
        tpu.wait_dma2 semaphore(%run_scoped3A : memref<!tpu.dma_semaphore, #tpu.memory_space<semaphore_mem>>) src(%arg12 : memref<128xf32, #tpu.memory_space<vmem>>) dst(%dma_wait3A_303 : memref<128xf32, #tpu.memory_space<hbm>>)
        tpu.yield
      }) : () -> ()
    } else {
    }
    %parallel_loop3A = arith.constant 0 : i32
    %parallel_loop3A_14 = arith.constant 100000 : i32
    %parallel_loop3A_15 = arith.constant 16 : i32
    scf.for %parallel_loop3A_21 = %parallel_loop3A to %parallel_loop3A_14 step %parallel_loop3A_15  : i32 {
      %parallel_loop3A_22 = arith.constant 0.000000e+00 : f32
      %parallel_loop3A_23 = vector.broadcast %parallel_loop3A_22 : f32 to vector<16xf32>
      %parallel_loop3A_24 = arith.index_cast %parallel_loop3A_21 : i32 to index
      %parallel_loop3A_25 = tpu.vector_load %arg8[%parallel_loop3A_24] {strides = array<i32>} : memref<100000xf32, #tpu.memory_space<vmem>>, vector<16xf32>,
      tpu.vector_store %arg8[%parallel_loop3A_24], %parallel_loop3A_23 {strides = array<i32>} : memref<100000xf32, #tpu.memory_space<vmem>>, vector<16xf32>,
    } {sc.loop_unroll_factor = 1 : i64, sc.parallel_access}
    "tpu.region"() ({
      %run_scoped3A = memref.alloca() : memref<2x22x2x128xi32, #tpu.memory_space<vmem>>
      %run_scoped3A_21 = tpu.sem_alloc : memref<2x!tpu.dma_semaphore, #tpu.memory_space<semaphore_mem>>
      %run_scoped3A_22 = memref.alloca() : memref<5632xf32, #tpu.memory_space<vmem>>
      %run_scoped3A_23 = tpu.sem_alloc : memref<2x!tpu.dma_semaphore, #tpu.memory_space<semaphore_mem>>
      %select_n3A = arith.constant true
      %select_n3A_24 = arith.constant 0 : i32
      %select_n3A_25 = arith.constant -1 : i32
      %select_n3A_26 = arith.select %select_n3A, %select_n3A_25, %select_n3A_24 : i32
      %eq3A = arith.constant -1 : i32
      %eq3A_27 = arith.cmpi eq, %select_n3A_26, %eq3A : i32
      %select_n3A_28 = arith.constant 70 : i32
      %select_n3A_29 = arith.select %eq3A_27, %select_n3A_28, %select_n3A_26 : i32
      %add3A_30 = arith.constant 0 : i32
      %add3A_31 = arith.addi %select_n3A_29, %add3A_30 : i32
      %select_n3A_32 = arith.constant true
      %select_n3A_33 = arith.constant 0 : i32
      %select_n3A_34 = arith.constant 1 : i32
      %select_n3A_35 = arith.select %select_n3A_32, %select_n3A_34, %select_n3A_33 : i32
      %eq3A_36 = arith.constant 71 : i32
      %eq3A_37 = arith.cmpi eq, %select_n3A_35, %eq3A_36 : i32
      %select_n3A_38 = arith.constant 0 : i32
      %select_n3A_39 = arith.select %eq3A_37, %select_n3A_38, %select_n3A_35 : i32
      %add3A_40 = arith.constant 0 : i32
      %add3A_41 = arith.addi %select_n3A_39, %add3A_40 : i32
      %add3A_42 = arith.constant 1 : i32
      %add3A_43 = arith.addi %select_n3A_39, %add3A_42 : i32
      %select_n3A_44 = arith.constant true
      %select_n3A_45 = arith.select %select_n3A_44, %add3A_43, %select_n3A_39 : i32
      %eq3A_46 = arith.constant 71 : i32
      %eq3A_47 = arith.cmpi eq, %select_n3A_45, %eq3A_46 : i32
      %select_n3A_48 = arith.constant 0 : i32
      %select_n3A_49 = arith.select %eq3A_47, %select_n3A_48, %select_n3A_45 : i32
      %add3A_50 = arith.constant 0 : i32
      %add3A_51 = arith.addi %select_n3A_49, %add3A_50 : i32
      "tpu.trace_start"() <{level = 10 : i32, message = "ep_initialize_0"}> : () -> ()
      %rem3A = arith.constant 0 : i32
      %rem3A_52 = arith.constant 2 : i32
      %rem3A_53 = arith.remui %rem3A, %rem3A_52 : i32
      %mul3A_54 = arith.constant 71 : i32
      %mul3A_55 = arith.muli %add3A, %mul3A_54 : i32
      %add3A_56 = arith.constant 0 : i32
      %add3A_57 = arith.addi %mul3A_55, %add3A_56 : i32
      %mul3A_58 = arith.constant 22 : i32
      %mul3A_59 = arith.muli %mul3A_58, %add3A_57 : i32
      %eq3A_60 = arith.constant 2272 : i32
      %eq3A_61 = arith.cmpi eq, %add3A_57, %eq3A_60 : i32
      %jit3A = arith.constant 16 : i32
      %jit3A_62 = arith.constant 22 : i32
      %select_n3A_63 = arith.select %eq3A_61, %jit3A, %jit3A_62 : i32
      %multiple_of3A = tpu.assume_multiple %select_n3A_63, 1 : i32
      %mul3A_64 = arith.constant 22 : i32
      %mul3A_65 = arith.muli %add3A_57, %mul3A_64 : i32
      %dma_start3A = arith.constant 0 : i32
      %dma_start3A_66 = arith.constant 0 : i32
      %dma_start3A_67 = arith.constant 0 : i32
      %dma_start3A_68 = tpu.memref_slice %run_scoped3A[%rem3A_53, %dma_start3A, %dma_start3A_66, %dma_start3A_67] <%multiple_of3A> : memref<2x22x2x128xi32, #tpu.memory_space<vmem>> -> memref<1x?x2x128xi32, #tpu.memory_space<vmem>>
      %dma_start3A_69 = tpu.memref_squeeze %dma_start3A_68 : memref<1x?x2x128xi32, #tpu.memory_space<vmem>> -> memref<?x2x128xi32, #tpu.memory_space<vmem>>
      %dma_start3A_70 = arith.constant 0 : i32
      %dma_start3A_71 = arith.constant 0 : i32
      %dma_start3A_72 = tpu.memref_slice %arg3[%mul3A_65, %dma_start3A_70, %dma_start3A_71] <%multiple_of3A> : memref<50000x2x128xi32, #tpu.memory_space<hbm>> -> memref<?x2x128xi32, #tpu.memory_space<hbm>>
      %dma_start3A_73 = tpu.memref_slice %run_scoped3A_21[%rem3A_53] : memref<2x!tpu.dma_semaphore, #tpu.memory_space<semaphore_mem>> -> memref<1x!tpu.dma_semaphore, #tpu.memory_space<semaphore_mem>>
      %dma_start3A_74 = tpu.memref_squeeze %dma_start3A_73 : memref<1x!tpu.dma_semaphore, #tpu.memory_space<semaphore_mem>> -> memref<!tpu.dma_semaphore, #tpu.memory_space<semaphore_mem>>
      %dma_start3A_75 = arith.constant 0 : i32
      %dma_start3A_76 = arith.constant 0 : i32
      %dma_start3A_77 = arith.constant 0 : i32
      %dma_start3A_78 = tpu.memref_slice %run_scoped3A[%rem3A_53, %dma_start3A_75, %dma_start3A_76, %dma_start3A_77] <%multiple_of3A> : memref<2x22x2x128xi32, #tpu.memory_space<vmem>> -> memref<1x?x2x128xi32, #tpu.memory_space<vmem>>
      %dma_start3A_79 = tpu.memref_squeeze %dma_start3A_78 : memref<1x?x2x128xi32, #tpu.memory_space<vmem>> -> memref<?x2x128xi32, #tpu.memory_space<vmem>>
      %dma_start3A_80 = arith.constant 0 : i32
      %dma_start3A_81 = arith.constant 0 : i32
      %dma_start3A_82 = tpu.memref_slice %arg3[%mul3A_65, %dma_start3A_80, %dma_start3A_81] <%multiple_of3A> : memref<50000x2x128xi32, #tpu.memory_space<hbm>> -> memref<?x2x128xi32, #tpu.memory_space<hbm>>
      tpu.enqueue_dma source(%dma_start3A_82 : memref<?x2x128xi32, #tpu.memory_space<hbm>>) target(%dma_start3A_79 : memref<?x2x128xi32, #tpu.memory_space<vmem>>) target_semaphore(%dma_start3A_74 : memref<!tpu.dma_semaphore, #tpu.memory_space<semaphore_mem>>)
      %add3A_83 = arith.constant 0 : i32
      %add3A_84 = arith.constant 1 : i32
      %add3A_85 = arith.addi %add3A_83, %add3A_84 : i32
      %select_n3A_86 = arith.constant true
      %select_n3A_87 = arith.constant 0 : i32
      %select_n3A_88 = arith.select %select_n3A_86, %add3A_85, %select_n3A_87 : i32
      %rem3A_89 = arith.constant 0 : i32
      %rem3A_90 = arith.constant 2 : i32
      %rem3A_91 = arith.remui %rem3A_89, %rem3A_90 : i32
      %mul3A_92 = arith.constant 71 : i32
      %mul3A_93 = arith.muli %add3A, %mul3A_92 : i32
      %add3A_94 = arith.constant 0 : i32
      %add3A_95 = arith.addi %mul3A_93, %add3A_94 : i32
      %mul3A_96 = arith.constant 2816 : i32
      %mul3A_97 = arith.muli %mul3A_96, %add3A_95 : i32
      %eq3A_98 = arith.constant 2272 : i32
      %eq3A_99 = arith.cmpi eq, %add3A_95, %eq3A_98 : i32
      %jit3A_100 = arith.constant 2048 : i32
      %jit3A_101 = arith.constant 2816 : i32
      %select_n3A_102 = arith.select %eq3A_99, %jit3A_100, %jit3A_101 : i32
      %multiple_of3A_103 = tpu.assume_multiple %select_n3A_102, 128 : i32
      %mul3A_104 = arith.constant 2816 : i32
      %mul3A_105 = arith.muli %add3A_95, %mul3A_104 : i32
      %mul3A_106 = arith.constant 2816 : i32
      %mul3A_107 = arith.muli %rem3A_91, %mul3A_106 : i32
      %add3A_108 = arith.constant 0 : i32
      %add3A_109 = arith.addi %mul3A_107, %add3A_108 : i32
      %dma_start3A_110 = tpu.memref_slice %run_scoped3A_22[%add3A_109] <%multiple_of3A_103> : memref<5632xf32, #tpu.memory_space<vmem>> -> memref<?xf32, #tpu.memory_space<vmem>>
      %dma_start3A_111 = tpu.memref_slice %arg6[%mul3A_105] <%multiple_of3A_103> : memref<6400000xf32, #tpu.memory_space<hbm>> -> memref<?xf32, #tpu.memory_space<hbm>>
      %dma_start3A_112 = tpu.memref_slice %run_scoped3A_23[%rem3A_91] : memref<2x!tpu.dma_semaphore, #tpu.memory_space<semaphore_mem>> -> memref<1x!tpu.dma_semaphore, #tpu.memory_space<semaphore_mem>>
      %dma_start3A_113 = tpu.memref_squeeze %dma_start3A_112 : memref<1x!tpu.dma_semaphore, #tpu.memory_space<semaphore_mem>> -> memref<!tpu.dma_semaphore, #tpu.memory_space<semaphore_mem>>
      %dma_start3A_114 = tpu.memref_slice %run_scoped3A_22[%add3A_109] <%multiple_of3A_103> : memref<5632xf32, #tpu.memory_space<vmem>> -> memref<?xf32, #tpu.memory_space<vmem>>
      %dma_start3A_115 = tpu.memref_slice %arg6[%mul3A_105] <%multiple_of3A_103> : memref<6400000xf32, #tpu.memory_space<hbm>> -> memref<?xf32, #tpu.memory_space<hbm>>
      tpu.enqueue_dma source(%dma_start3A_115 : memref<?xf32, #tpu.memory_space<hbm>>) target(%dma_start3A_114 : memref<?xf32, #tpu.memory_space<vmem>>) target_semaphore(%dma_start3A_113 : memref<!tpu.dma_semaphore, #tpu.memory_space<semaphore_mem>>)
      %add3A_116 = arith.constant 0 : i32
      %add3A_117 = arith.constant 1 : i32
      %add3A_118 = arith.addi %add3A_116, %add3A_117 : i32
      %select_n3A_119 = arith.constant true
      %select_n3A_120 = arith.constant 0 : i32
      %select_n3A_121 = arith.select %select_n3A_119, %add3A_118, %select_n3A_120 : i32
      "tpu.trace_stop"() : () -> ()
      %scan3A = arith.constant 0 : i32
      %scan3A_122 = arith.constant 0 : i32
      %scan3A_123 = arith.constant 0 : i32
      %scan3A_124 = arith.constant 0 : i32
      %scan3A_125 = arith.constant 71 : i32
      %scan3A_126 = arith.addi %scan3A_124, %scan3A_125 : i32
      %scan3A_127 = arith.constant 1 : i32
      %scan3A_128:5 = scf.for %scan3A_169 = %scan3A_124 to %scan3A_126 step %scan3A_127 iter_args(%scan3A_170 = %select_n3A_88, %scan3A_171 = %scan3A, %scan3A_172 = %select_n3A_121, %scan3A_173 = %scan3A_122, %scan3A_174 = %scan3A_123) -> (i32, i32, i32, i32, i32)  : i32 {
        %eq3A_175 = arith.constant 0 : i32
        %eq3A_176 = arith.cmpi eq, %scan3A_169, %eq3A_175 : i32
        %eq3A_177 = arith.constant 70 : i32
        %eq3A_178 = arith.cmpi eq, %scan3A_169, %eq3A_177 : i32
        %add3A_179 = arith.constant 0 : i32
        %add3A_180 = arith.addi %scan3A_174, %add3A_179 : i32
        %sub3A_181 = arith.constant 1 : i32
        %sub3A_182 = arith.subi %scan3A_174, %sub3A_181 : i32
        %select_n3A_183 = arith.constant true
        %select_n3A_184 = arith.select %select_n3A_183, %sub3A_182, %scan3A_174 : i32
        %eq3A_185 = arith.constant -1 : i32
        %eq3A_186 = arith.cmpi eq, %select_n3A_184, %eq3A_185 : i32
        %select_n3A_187 = arith.constant 70 : i32
        %select_n3A_188 = arith.select %eq3A_186, %select_n3A_187, %select_n3A_184 : i32
        %add3A_189 = arith.constant 0 : i32
        %add3A_190 = arith.addi %select_n3A_188, %add3A_189 : i32
        %add3A_191 = arith.constant 1 : i32
        %add3A_192 = arith.addi %scan3A_174, %add3A_191 : i32
        %select_n3A_193 = arith.constant true
        %select_n3A_194 = arith.select %select_n3A_193, %add3A_192, %scan3A_174 : i32
        %eq3A_195 = arith.constant 71 : i32
        %eq3A_196 = arith.cmpi eq, %select_n3A_194, %eq3A_195 : i32
        %select_n3A_197 = arith.constant 0 : i32
        %select_n3A_198 = arith.select %eq3A_196, %select_n3A_197, %select_n3A_194 : i32
        %add3A_199 = arith.constant 0 : i32
        %add3A_200 = arith.addi %select_n3A_198, %add3A_199 : i32
        %add3A_201 = arith.constant 1 : i32
        %add3A_202 = arith.addi %select_n3A_198, %add3A_201 : i32
        %select_n3A_203 = arith.constant true
        %select_n3A_204 = arith.select %select_n3A_203, %add3A_202, %select_n3A_198 : i32
        %eq3A_205 = arith.constant 71 : i32
        %eq3A_206 = arith.cmpi eq, %select_n3A_204, %eq3A_205 : i32
        %select_n3A_207 = arith.constant 0 : i32
        %select_n3A_208 = arith.select %eq3A_206, %select_n3A_207, %select_n3A_204 : i32
        %add3A_209 = arith.constant 0 : i32
        %add3A_210 = arith.addi %select_n3A_208, %add3A_209 : i32
        %mul3A_211 = arith.constant 71 : i32
        %mul3A_212 = arith.muli %add3A, %mul3A_211 : i32
        %add3A_213 = arith.addi %mul3A_212, %add3A_180 : i32
        %mul3A_214 = arith.constant 71 : i32
        %mul3A_215 = arith.muli %add3A, %mul3A_214 : i32
        %add3A_216 = arith.addi %mul3A_215, %add3A_200 : i32
        %ne3A = arith.cmpi ne, %add3A_213, %add3A_216 : i32
        %or3A = arith.constant false
        %or3A_217 = arith.ori %or3A, %ne3A : i1
        %or3A_218 = arith.constant false
        %or3A_219 = arith.ori %or3A_217, %or3A_218 : i1
        %or3A_220 = arith.constant false
        %or3A_221 = arith.ori %or3A_219, %or3A_220 : i1
        %ge3A_222 = arith.constant 70 : i32
        %ge3A_223 = arith.cmpi sge, %scan3A_169, %ge3A_222 : i32
        %not3A = arith.constant true
        %not3A_224 = arith.xori %ge3A_223, %not3A : i1
        %and3A = arith.andi %or3A_221, %not3A_224 : i1
        %convert_element_type3A_225 = arith.extui %and3A : i1 to i32
        %cond3A_226 = arith.constant 0 : i32
        %cond3A_227 = arith.cmpi ne, %convert_element_type3A_225, %cond3A_226 : i32
        scf.if %cond3A_227 {
          "tpu.trace_start"() <{level = 10 : i32, message = "ep_copy_in"}> : () -> ()
          %rem3A_404 = arith.constant 2 : i32
          %rem3A_405 = arith.remui %scan3A_170, %rem3A_404 : i32
          %mul3A_406 = arith.constant 71 : i32
          %mul3A_407 = arith.muli %add3A, %mul3A_406 : i32
          %add3A_408 = arith.addi %mul3A_407, %add3A_200 : i32
          %mul3A_409 = arith.constant 22 : i32
          %mul3A_410 = arith.muli %mul3A_409, %add3A_408 : i32
          %eq3A_411 = arith.constant 2272 : i32
          %eq3A_412 = arith.cmpi eq, %add3A_408, %eq3A_411 : i32
          %jit3A_413 = arith.constant 16 : i32
          %jit3A_414 = arith.constant 22 : i32
          %select_n3A_415 = arith.select %eq3A_412, %jit3A_413, %jit3A_414 : i32
          %multiple_of3A_416 = tpu.assume_multiple %select_n3A_415, 1 : i32
          %mul3A_417 = arith.constant 22 : i32
          %mul3A_418 = arith.muli %add3A_408, %mul3A_417 : i32
          %dma_start3A_419 = arith.constant 0 : i32
          %dma_start3A_420 = arith.constant 0 : i32
          %dma_start3A_421 = arith.constant 0 : i32
          %dma_start3A_422 = tpu.memref_slice %run_scoped3A[%rem3A_405, %dma_start3A_419, %dma_start3A_420, %dma_start3A_421] <%multiple_of3A_416> : memref<2x22x2x128xi32, #tpu.memory_space<vmem>> -> memref<1x?x2x128xi32, #tpu.memory_space<vmem>>
          %dma_start3A_423 = tpu.memref_squeeze %dma_start3A_422 : memref<1x?x2x128xi32, #tpu.memory_space<vmem>> -> memref<?x2x128xi32, #tpu.memory_space<vmem>>
          %dma_start3A_424 = arith.constant 0 : i32
          %dma_start3A_425 = arith.constant 0 : i32
          %dma_start3A_426 = tpu.memref_slice %arg3[%mul3A_418, %dma_start3A_424, %dma_start3A_425] <%multiple_of3A_416> : memref<50000x2x128xi32, #tpu.memory_space<hbm>> -> memref<?x2x128xi32, #tpu.memory_space<hbm>>
          %dma_start3A_427 = tpu.memref_slice %run_scoped3A_21[%rem3A_405] : memref<2x!tpu.dma_semaphore, #tpu.memory_space<semaphore_mem>> -> memref<1x!tpu.dma_semaphore, #tpu.memory_space<semaphore_mem>>
          %dma_start3A_428 = tpu.memref_squeeze %dma_start3A_427 : memref<1x!tpu.dma_semaphore, #tpu.memory_space<semaphore_mem>> -> memref<!tpu.dma_semaphore, #tpu.memory_space<semaphore_mem>>
          %dma_start3A_429 = arith.constant 0 : i32
          %dma_start3A_430 = arith.constant 0 : i32
          %dma_start3A_431 = arith.constant 0 : i32
          %dma_start3A_432 = tpu.memref_slice %run_scoped3A[%rem3A_405, %dma_start3A_429, %dma_start3A_430, %dma_start3A_431] <%multiple_of3A_416> : memref<2x22x2x128xi32, #tpu.memory_space<vmem>> -> memref<1x?x2x128xi32, #tpu.memory_space<vmem>>
          %dma_start3A_433 = tpu.memref_squeeze %dma_start3A_432 : memref<1x?x2x128xi32, #tpu.memory_space<vmem>> -> memref<?x2x128xi32, #tpu.memory_space<vmem>>
          %dma_start3A_434 = arith.constant 0 : i32
          %dma_start3A_435 = arith.constant 0 : i32
          %dma_start3A_436 = tpu.memref_slice %arg3[%mul3A_418, %dma_start3A_434, %dma_start3A_435] <%multiple_of3A_416> : memref<50000x2x128xi32, #tpu.memory_space<hbm>> -> memref<?x2x128xi32, #tpu.memory_space<hbm>>
          tpu.enqueue_dma source(%dma_start3A_436 : memref<?x2x128xi32, #tpu.memory_space<hbm>>) target(%dma_start3A_433 : memref<?x2x128xi32, #tpu.memory_space<vmem>>) target_semaphore(%dma_start3A_428 : memref<!tpu.dma_semaphore, #tpu.memory_space<semaphore_mem>>)
          "tpu.trace_stop"() : () -> ()
        } else {
        }
        %and3A_228 = arith.constant true
        %and3A_229 = arith.andi %and3A, %and3A_228 : i1
        %add3A_230 = arith.constant 1 : i32
        %add3A_231 = arith.addi %scan3A_170, %add3A_230 : i32
        %select_n3A_232 = arith.select %and3A_229, %add3A_231, %scan3A_170 : i32
        %mul3A_233 = arith.constant 71 : i32
        %mul3A_234 = arith.muli %add3A, %mul3A_233 : i32
        %add3A_235 = arith.addi %mul3A_234, %add3A_180 : i32
        %mul3A_236 = arith.constant 71 : i32
        %mul3A_237 = arith.muli %add3A, %mul3A_236 : i32
        %add3A_238 = arith.addi %mul3A_237, %add3A_200 : i32
        %ne3A_239 = arith.cmpi ne, %add3A_235, %add3A_238 : i32
        %or3A_240 = arith.constant false
        %or3A_241 = arith.ori %or3A_240, %ne3A_239 : i1
        %ge3A_242 = arith.constant 70 : i32
        %ge3A_243 = arith.cmpi sge, %scan3A_169, %ge3A_242 : i32
        %not3A_244 = arith.constant true
        %not3A_245 = arith.xori %ge3A_243, %not3A_244 : i1
        %and3A_246 = arith.andi %or3A_241, %not3A_245 : i1
        %convert_element_type3A_247 = arith.extui %and3A_246 : i1 to i32
        %cond3A_248 = arith.constant 0 : i32
        %cond3A_249 = arith.cmpi ne, %convert_element_type3A_247, %cond3A_248 : i32
        scf.if %cond3A_249 {
          "tpu.trace_start"() <{level = 10 : i32, message = "ep_copy_in"}> : () -> ()
          %rem3A_404 = arith.constant 2 : i32
          %rem3A_405 = arith.remui %scan3A_172, %rem3A_404 : i32
          %mul3A_406 = arith.constant 71 : i32
          %mul3A_407 = arith.muli %add3A, %mul3A_406 : i32
          %add3A_408 = arith.addi %mul3A_407, %add3A_200 : i32
          %mul3A_409 = arith.constant 2816 : i32
          %mul3A_410 = arith.muli %mul3A_409, %add3A_408 : i32
          %eq3A_411 = arith.constant 2272 : i32
          %eq3A_412 = arith.cmpi eq, %add3A_408, %eq3A_411 : i32
          %jit3A_413 = arith.constant 2048 : i32
          %jit3A_414 = arith.constant 2816 : i32
          %select_n3A_415 = arith.select %eq3A_412, %jit3A_413, %jit3A_414 : i32
          %multiple_of3A_416 = tpu.assume_multiple %select_n3A_415, 128 : i32
          %mul3A_417 = arith.constant 2816 : i32
          %mul3A_418 = arith.muli %add3A_408, %mul3A_417 : i32
          %mul3A_419 = arith.constant 2816 : i32
          %mul3A_420 = arith.muli %rem3A_405, %mul3A_419 : i32
          %add3A_421 = arith.constant 0 : i32
          %add3A_422 = arith.addi %mul3A_420, %add3A_421 : i32
          %dma_start3A_423 = tpu.memref_slice %run_scoped3A_22[%add3A_422] <%multiple_of3A_416> : memref<5632xf32, #tpu.memory_space<vmem>> -> memref<?xf32, #tpu.memory_space<vmem>>
          %dma_start3A_424 = tpu.memref_slice %arg6[%mul3A_418] <%multiple_of3A_416> : memref<6400000xf32, #tpu.memory_space<hbm>> -> memref<?xf32, #tpu.memory_space<hbm>>
          %dma_start3A_425 = tpu.memref_slice %run_scoped3A_23[%rem3A_405] : memref<2x!tpu.dma_semaphore, #tpu.memory_space<semaphore_mem>> -> memref<1x!tpu.dma_semaphore, #tpu.memory_space<semaphore_mem>>
          %dma_start3A_426 = tpu.memref_squeeze %dma_start3A_425 : memref<1x!tpu.dma_semaphore, #tpu.memory_space<semaphore_mem>> -> memref<!tpu.dma_semaphore, #tpu.memory_space<semaphore_mem>>
          %dma_start3A_427 = tpu.memref_slice %run_scoped3A_22[%add3A_422] <%multiple_of3A_416> : memref<5632xf32, #tpu.memory_space<vmem>> -> memref<?xf32, #tpu.memory_space<vmem>>
          %dma_start3A_428 = tpu.memref_slice %arg6[%mul3A_418] <%multiple_of3A_416> : memref<6400000xf32, #tpu.memory_space<hbm>> -> memref<?xf32, #tpu.memory_space<hbm>>
          tpu.enqueue_dma source(%dma_start3A_428 : memref<?xf32, #tpu.memory_space<hbm>>) target(%dma_start3A_427 : memref<?xf32, #tpu.memory_space<vmem>>) target_semaphore(%dma_start3A_426 : memref<!tpu.dma_semaphore, #tpu.memory_space<semaphore_mem>>)
          "tpu.trace_stop"() : () -> ()
        } else {
        }
        %and3A_250 = arith.constant true
        %and3A_251 = arith.andi %and3A_246, %and3A_250 : i1
        %add3A_252 = arith.constant 1 : i32
        %add3A_253 = arith.addi %scan3A_172, %add3A_252 : i32
        %select_n3A_254 = arith.select %and3A_251, %add3A_253, %scan3A_172 : i32
        %mul3A_255 = arith.constant 71 : i32
        %mul3A_256 = arith.muli %add3A, %mul3A_255 : i32
        %add3A_257 = arith.addi %mul3A_256, %add3A_180 : i32
        %mul3A_258 = arith.constant 71 : i32
        %mul3A_259 = arith.muli %add3A, %mul3A_258 : i32
        %add3A_260 = arith.addi %mul3A_259, %add3A_190 : i32
        %ne3A_261 = arith.cmpi ne, %add3A_257, %add3A_260 : i32
        %or3A_262 = arith.constant false
        %or3A_263 = arith.ori %or3A_262, %ne3A_261 : i1
        %or3A_264 = arith.constant false
        %or3A_265 = arith.ori %or3A_263, %or3A_264 : i1
        %or3A_266 = arith.constant false
        %or3A_267 = arith.ori %or3A_265, %or3A_266 : i1
        %or3A_268 = arith.ori %or3A_267, %eq3A_176 : i1
        %convert_element_type3A_269 = arith.extui %or3A_268 : i1 to i32
        %cond3A_270 = arith.constant 0 : i32
        %cond3A_271 = arith.cmpi ne, %convert_element_type3A_269, %cond3A_270 : i32
        scf.if %cond3A_271 {
          "tpu.trace_start"() <{level = 10 : i32, message = "ep_wait_in"}> : () -> ()
          %mul3A_404 = arith.constant 71 : i32
          %mul3A_405 = arith.muli %add3A, %mul3A_404 : i32
          %add3A_406 = arith.addi %mul3A_405, %add3A_180 : i32
          %mul3A_407 = arith.constant 22 : i32
          %mul3A_408 = arith.muli %mul3A_407, %add3A_406 : i32
          %eq3A_409 = arith.constant 2272 : i32
          %eq3A_410 = arith.cmpi eq, %add3A_406, %eq3A_409 : i32
          %jit3A_411 = arith.constant 16 : i32
          %jit3A_412 = arith.constant 22 : i32
          %select_n3A_413 = arith.select %eq3A_410, %jit3A_411, %jit3A_412 : i32
          %multiple_of3A_414 = tpu.assume_multiple %select_n3A_413, 1 : i32
          %mul3A_415 = arith.constant 22 : i32
          %mul3A_416 = arith.muli %add3A_406, %mul3A_415 : i32
          %rem3A_417 = arith.constant 2 : i32
          %rem3A_418 = arith.remui %scan3A_171, %rem3A_417 : i32
          %dma_wait3A = arith.constant 0 : i32
          %dma_wait3A_419 = arith.constant 0 : i32
          %dma_wait3A_420 = arith.constant 0 : i32
          %dma_wait3A_421 = tpu.memref_slice %run_scoped3A[%rem3A_418, %dma_wait3A, %dma_wait3A_419, %dma_wait3A_420] <%multiple_of3A_414> : memref<2x22x2x128xi32, #tpu.memory_space<vmem>> -> memref<1x?x2x128xi32, #tpu.memory_space<vmem>>
          %dma_wait3A_422 = tpu.memref_squeeze %dma_wait3A_421 : memref<1x?x2x128xi32, #tpu.memory_space<vmem>> -> memref<?x2x128xi32, #tpu.memory_space<vmem>>
          %dma_wait3A_423 = arith.constant 0 : i32
          %dma_wait3A_424 = arith.constant 0 : i32
          %dma_wait3A_425 = tpu.memref_slice %arg3[%mul3A_416, %dma_wait3A_423, %dma_wait3A_424] <%multiple_of3A_414> : memref<50000x2x128xi32, #tpu.memory_space<hbm>> -> memref<?x2x128xi32, #tpu.memory_space<hbm>>
          %dma_wait3A_426 = tpu.memref_slice %run_scoped3A_21[%rem3A_418] : memref<2x!tpu.dma_semaphore, #tpu.memory_space<semaphore_mem>> -> memref<1x!tpu.dma_semaphore, #tpu.memory_space<semaphore_mem>>
          %dma_wait3A_427 = tpu.memref_squeeze %dma_wait3A_426 : memref<1x!tpu.dma_semaphore, #tpu.memory_space<semaphore_mem>> -> memref<!tpu.dma_semaphore, #tpu.memory_space<semaphore_mem>>
          %dma_wait3A_428 = arith.constant 0 : i32
          %dma_wait3A_429 = arith.constant 0 : i32
          %dma_wait3A_430 = arith.constant 0 : i32
          %dma_wait3A_431 = tpu.memref_slice %run_scoped3A[%rem3A_418, %dma_wait3A_428, %dma_wait3A_429, %dma_wait3A_430] <%multiple_of3A_414> : memref<2x22x2x128xi32, #tpu.memory_space<vmem>> -> memref<1x?x2x128xi32, #tpu.memory_space<vmem>>
          %dma_wait3A_432 = tpu.memref_squeeze %dma_wait3A_431 : memref<1x?x2x128xi32, #tpu.memory_space<vmem>> -> memref<?x2x128xi32, #tpu.memory_space<vmem>>
          %dma_wait3A_433 = arith.constant 0 : i32
          %dma_wait3A_434 = arith.constant 0 : i32
          %dma_wait3A_435 = tpu.memref_slice %arg3[%mul3A_416, %dma_wait3A_433, %dma_wait3A_434] <%multiple_of3A_414> : memref<50000x2x128xi32, #tpu.memory_space<hbm>> -> memref<?x2x128xi32, #tpu.memory_space<hbm>>
          tpu.wait_dma2 semaphore(%dma_wait3A_427 : memref<!tpu.dma_semaphore, #tpu.memory_space<semaphore_mem>>) src(%dma_wait3A_435 : memref<?x2x128xi32, #tpu.memory_space<hbm>>) dst(%dma_wait3A_432 : memref<?x2x128xi32, #tpu.memory_space<vmem>>)
          "tpu.trace_stop"() : () -> ()
        } else {
        }
        %mul3A_272 = arith.constant 71 : i32
        %mul3A_273 = arith.muli %add3A, %mul3A_272 : i32
        %add3A_274 = arith.addi %mul3A_273, %add3A_180 : i32
        %mul3A_275 = arith.constant 71 : i32
        %mul3A_276 = arith.muli %add3A, %mul3A_275 : i32
        %add3A_277 = arith.addi %mul3A_276, %add3A_190 : i32
        %ne3A_278 = arith.cmpi ne, %add3A_274, %add3A_277 : i32
        %or3A_279 = arith.constant false
        %or3A_280 = arith.ori %or3A_279, %ne3A_278 : i1
        %or3A_281 = arith.ori %or3A_280, %eq3A_176 : i1
        %convert_element_type3A_282 = arith.extui %or3A_281 : i1 to i32
        %cond3A_283 = arith.constant 0 : i32
        %cond3A_284 = arith.cmpi ne, %convert_element_type3A_282, %cond3A_283 : i32
        scf.if %cond3A_284 {
          "tpu.trace_start"() <{level = 10 : i32, message = "ep_wait_in"}> : () -> ()
          %mul3A_404 = arith.constant 71 : i32
          %mul3A_405 = arith.muli %add3A, %mul3A_404 : i32
          %add3A_406 = arith.addi %mul3A_405, %add3A_180 : i32
          %mul3A_407 = arith.constant 2816 : i32
          %mul3A_408 = arith.muli %mul3A_407, %add3A_406 : i32
          %eq3A_409 = arith.constant 2272 : i32
          %eq3A_410 = arith.cmpi eq, %add3A_406, %eq3A_409 : i32
          %jit3A_411 = arith.constant 2048 : i32
          %jit3A_412 = arith.constant 2816 : i32
          %select_n3A_413 = arith.select %eq3A_410, %jit3A_411, %jit3A_412 : i32
          %multiple_of3A_414 = tpu.assume_multiple %select_n3A_413, 128 : i32
          %mul3A_415 = arith.constant 2816 : i32
          %mul3A_416 = arith.muli %add3A_406, %mul3A_415 : i32
          %rem3A_417 = arith.constant 2 : i32
          %rem3A_418 = arith.remui %scan3A_173, %rem3A_417 : i32
          %mul3A_419 = arith.constant 2816 : i32
          %mul3A_420 = arith.muli %rem3A_418, %mul3A_419 : i32
          %add3A_421 = arith.constant 0 : i32
          %add3A_422 = arith.addi %mul3A_420, %add3A_421 : i32
          %dma_wait3A = tpu.memref_slice %run_scoped3A_22[%add3A_422] <%multiple_of3A_414> : memref<5632xf32, #tpu.memory_space<vmem>> -> memref<?xf32, #tpu.memory_space<vmem>>
          %dma_wait3A_423 = tpu.memref_slice %arg6[%mul3A_416] <%multiple_of3A_414> : memref<6400000xf32, #tpu.memory_space<hbm>> -> memref<?xf32, #tpu.memory_space<hbm>>
          %dma_wait3A_424 = tpu.memref_slice %run_scoped3A_23[%rem3A_418] : memref<2x!tpu.dma_semaphore, #tpu.memory_space<semaphore_mem>> -> memref<1x!tpu.dma_semaphore, #tpu.memory_space<semaphore_mem>>
          %dma_wait3A_425 = tpu.memref_squeeze %dma_wait3A_424 : memref<1x!tpu.dma_semaphore, #tpu.memory_space<semaphore_mem>> -> memref<!tpu.dma_semaphore, #tpu.memory_space<semaphore_mem>>
          %dma_wait3A_426 = tpu.memref_slice %run_scoped3A_22[%add3A_422] <%multiple_of3A_414> : memref<5632xf32, #tpu.memory_space<vmem>> -> memref<?xf32, #tpu.memory_space<vmem>>
          %dma_wait3A_427 = tpu.memref_slice %arg6[%mul3A_416] <%multiple_of3A_414> : memref<6400000xf32, #tpu.memory_space<hbm>> -> memref<?xf32, #tpu.memory_space<hbm>>
          tpu.wait_dma2 semaphore(%dma_wait3A_425 : memref<!tpu.dma_semaphore, #tpu.memory_space<semaphore_mem>>) src(%dma_wait3A_427 : memref<?xf32, #tpu.memory_space<hbm>>) dst(%dma_wait3A_426 : memref<?xf32, #tpu.memory_space<vmem>>)
          "tpu.trace_stop"() : () -> ()
        } else {
        }
        %rem3A_285 = arith.constant 2 : i32
        %rem3A_286 = arith.remui %scan3A_171, %rem3A_285 : i32
        %rem3A_287 = arith.constant 2 : i32
        %rem3A_288 = arith.remui %scan3A_173, %rem3A_287 : i32
        %mul3A_289 = arith.constant 2816 : i32
        %mul3A_290 = arith.muli %rem3A_288, %mul3A_289 : i32
        %parallel_loop3A_291 = arith.constant 0 : i32
        %parallel_loop3A_292 = arith.constant 2816 : i32
        %parallel_loop3A_293 = arith.constant 16 : i32
        "tpu.trace_start"() <{level = 10 : i32, message = "ep_run_kernel"}> : () -> ()
        scf.for %parallel_loop3A_404 = %parallel_loop3A_291 to %parallel_loop3A_292 step %parallel_loop3A_293  : i32 {
          %parallel_loop3A_405 = arith.constant 128 : i32
          %parallel_loop3A_406 = arith.divsi %parallel_loop3A_404, %parallel_loop3A_405 : i32
          %parallel_loop3A_407 = arith.constant 0 : i32
          %parallel_loop3A_408 = arith.cmpi sgt, %parallel_loop3A_404, %parallel_loop3A_407 : i32
          %parallel_loop3A_409 = arith.extui %parallel_loop3A_408 : i1 to i32
          %parallel_loop3A_410 = arith.constant 0 : i32
          %parallel_loop3A_411 = arith.cmpi slt, %parallel_loop3A_404, %parallel_loop3A_410 : i32
          %parallel_loop3A_412 = arith.extui %parallel_loop3A_411 : i1 to i32
          %parallel_loop3A_413 = arith.subi %parallel_loop3A_409, %parallel_loop3A_412 : i32
          %parallel_loop3A_414 = arith.constant 0 : i32
          %parallel_loop3A_415 = arith.cmpi sgt, %parallel_loop3A_405, %parallel_loop3A_414 : i32
          %parallel_loop3A_416 = arith.extui %parallel_loop3A_415 : i1 to i32
          %parallel_loop3A_417 = arith.constant 0 : i32
          %parallel_loop3A_418 = arith.cmpi slt, %parallel_loop3A_405, %parallel_loop3A_417 : i32
          %parallel_loop3A_419 = arith.extui %parallel_loop3A_418 : i1 to i32
          %parallel_loop3A_420 = arith.subi %parallel_loop3A_416, %parallel_loop3A_419 : i32
          %parallel_loop3A_421 = arith.cmpi ne, %parallel_loop3A_413, %parallel_loop3A_420 : i32
          %parallel_loop3A_422 = arith.remsi %parallel_loop3A_404, %parallel_loop3A_405 : i32
          %parallel_loop3A_423 = arith.constant 0 : i32
          %parallel_loop3A_424 = arith.cmpi ne, %parallel_loop3A_422, %parallel_loop3A_423 : i32
          %parallel_loop3A_425 = arith.andi %parallel_loop3A_421, %parallel_loop3A_424 : i1
          %parallel_loop3A_426 = arith.constant 1 : i32
          %parallel_loop3A_427 = arith.subi %parallel_loop3A_406, %parallel_loop3A_426 : i32
          %parallel_loop3A_428 = arith.select %parallel_loop3A_425, %parallel_loop3A_427, %parallel_loop3A_406 : i32
          %parallel_loop3A_429 = arith.constant 128 : i32
          %parallel_loop3A_430 = arith.constant 0 : i32
          %parallel_loop3A_431 = arith.cmpi eq, %parallel_loop3A_429, %parallel_loop3A_430 : i32
          %parallel_loop3A_432 = arith.constant 1 : i32
          %parallel_loop3A_433 = arith.select %parallel_loop3A_431, %parallel_loop3A_432, %parallel_loop3A_429 : i32
          %parallel_loop3A_434 = arith.remsi %parallel_loop3A_404, %parallel_loop3A_433 : i32
          %parallel_loop3A_435 = arith.constant 0 : i32
          %parallel_loop3A_436 = arith.cmpi ne, %parallel_loop3A_434, %parallel_loop3A_435 : i32
          %parallel_loop3A_437 = arith.constant 0 : i32
          %parallel_loop3A_438 = arith.cmpi slt, %parallel_loop3A_434, %parallel_loop3A_437 : i32
          %parallel_loop3A_439 = arith.constant 0 : i32
          %parallel_loop3A_440 = arith.cmpi slt, %parallel_loop3A_433, %parallel_loop3A_439 : i32
          %parallel_loop3A_441 = arith.xori %parallel_loop3A_438, %parallel_loop3A_440 : i1
          %parallel_loop3A_442 = arith.andi %parallel_loop3A_441, %parallel_loop3A_436 : i1
          %parallel_loop3A_443 = arith.addi %parallel_loop3A_434, %parallel_loop3A_433 : i32
          %parallel_loop3A_444 = arith.select %parallel_loop3A_442, %parallel_loop3A_443, %parallel_loop3A_434 : i32
          %parallel_loop3A_445 = arith.constant 1 : i32
          %parallel_loop3A_446 = arith.constant 0 : i32
          %parallel_loop3A_447 = arith.constant 0 : i32
          %parallel_loop3A_448 = arith.constant 0 : i32
          %parallel_loop3A_449 = tpu.memref_slice %run_scoped3A[%rem3A_286, %parallel_loop3A_446, %parallel_loop3A_447, %parallel_loop3A_448] : memref<2x22x2x128xi32, #tpu.memory_space<vmem>> -> memref<1x22x2x128xi32, #tpu.memory_space<vmem>>
          %parallel_loop3A_450 = tpu.memref_squeeze %parallel_loop3A_449 : memref<1x22x2x128xi32, #tpu.memory_space<vmem>> -> memref<22x2x128xi32, #tpu.memory_space<vmem>>
          %parallel_loop3A_451 = arith.index_cast %parallel_loop3A_428 : i32 to index
          %parallel_loop3A_452 = arith.index_cast %parallel_loop3A_445 : i32 to index
          %parallel_loop3A_453 = arith.index_cast %parallel_loop3A_444 : i32 to index
          %parallel_loop3A_454 = tpu.vector_load %parallel_loop3A_450[%parallel_loop3A_451, %parallel_loop3A_452, %parallel_loop3A_453] {strides = array<i32>} : memref<22x2x128xi32, #tpu.memory_space<vmem>>, vector<16xi32>,
          %parallel_loop3A_455 = tpu.memref_slice %run_scoped3A_22[%mul3A_290] : memref<5632xf32, #tpu.memory_space<vmem>> -> memref<2816xf32, #tpu.memory_space<vmem>>
          %parallel_loop3A_456 = arith.index_cast %parallel_loop3A_404 : i32 to index
          %parallel_loop3A_457 = tpu.vector_load %parallel_loop3A_455[%parallel_loop3A_456] {strides = array<i32>} : memref<2816xf32, #tpu.memory_space<vmem>>, vector<16xf32>,
          tpu.vector_store_idx %arg8[%parallel_loop3A_454], %parallel_loop3A_457 {add = true} : memref<100000xf32, #tpu.memory_space<vmem>>[vector<16xi32>], vector<16xf32>,
        } {sc.loop_unroll_factor = 16 : i64, sc.parallel_access}
        "tpu.trace_stop"() : () -> ()
        %mul3A_294 = arith.constant 71 : i32
        %mul3A_295 = arith.muli %add3A, %mul3A_294 : i32
        %add3A_296 = arith.addi %mul3A_295, %add3A_180 : i32
        %mul3A_297 = arith.constant 71 : i32
        %mul3A_298 = arith.muli %add3A, %mul3A_297 : i32
        %add3A_299 = arith.addi %mul3A_298, %add3A_200 : i32
        %ne3A_300 = arith.cmpi ne, %add3A_296, %add3A_299 : i32
        %or3A_301 = arith.constant false
        %or3A_302 = arith.ori %or3A_301, %ne3A_300 : i1
        %or3A_303 = arith.constant false
        %or3A_304 = arith.ori %or3A_302, %or3A_303 : i1
        %or3A_305 = arith.constant false
        %or3A_306 = arith.ori %or3A_304, %or3A_305 : i1
        %or3A_307 = arith.ori %or3A_306, %eq3A_178 : i1
        %convert_element_type3A_308 = arith.extui %or3A_307 : i1 to i32
        %cond3A_309 = arith.constant 0 : i32
        %cond3A_310 = arith.cmpi ne, %convert_element_type3A_308, %cond3A_309 : i32
        scf.if %cond3A_310 {
        } else {
        }
        %and3A_311 = arith.constant false
        %and3A_312 = arith.andi %or3A_307, %and3A_311 : i1
        %mul3A_313 = arith.constant 71 : i32
        %mul3A_314 = arith.muli %add3A, %mul3A_313 : i32
        %add3A_315 = arith.addi %mul3A_314, %add3A_180 : i32
        %mul3A_316 = arith.constant 71 : i32
        %mul3A_317 = arith.muli %add3A, %mul3A_316 : i32
        %add3A_318 = arith.addi %mul3A_317, %add3A_200 : i32
        %ne3A_319 = arith.cmpi ne, %add3A_315, %add3A_318 : i32
        %or3A_320 = arith.constant false
        %or3A_321 = arith.ori %or3A_320, %ne3A_319 : i1
        %or3A_322 = arith.ori %or3A_321, %eq3A_178 : i1
        %convert_element_type3A_323 = arith.extui %or3A_322 : i1 to i32
        %cond3A_324 = arith.constant 0 : i32
        %cond3A_325 = arith.cmpi ne, %convert_element_type3A_323, %cond3A_324 : i32
        scf.if %cond3A_325 {
        } else {
        }
        %and3A_326 = arith.constant false
        %and3A_327 = arith.andi %or3A_322, %and3A_326 : i1
        %mul3A_328 = arith.constant 71 : i32
        %mul3A_329 = arith.muli %add3A, %mul3A_328 : i32
        %add3A_330 = arith.addi %mul3A_329, %add3A_180 : i32
        %mul3A_331 = arith.constant 71 : i32
        %mul3A_332 = arith.muli %add3A, %mul3A_331 : i32
        %add3A_333 = arith.addi %mul3A_332, %add3A_190 : i32
        %ne3A_334 = arith.cmpi ne, %add3A_330, %add3A_333 : i32
        %or3A_335 = arith.constant false
        %or3A_336 = arith.ori %or3A_335, %ne3A_334 : i1
        %or3A_337 = arith.constant false
        %or3A_338 = arith.ori %or3A_336, %or3A_337 : i1
        %or3A_339 = arith.constant false
        %or3A_340 = arith.ori %or3A_338, %or3A_339 : i1
        %not3A_341 = arith.constant true
        %not3A_342 = arith.xori %eq3A_176, %not3A_341 : i1
        %and3A_343 = arith.andi %or3A_340, %not3A_342 : i1
        %convert_element_type3A_344 = arith.extui %and3A_343 : i1 to i32
        %cond3A_345 = arith.constant 0 : i32
        %cond3A_346 = arith.cmpi ne, %convert_element_type3A_344, %cond3A_345 : i32
        scf.if %cond3A_346 {
        } else {
        }
        %and3A_347 = arith.constant false
        %and3A_348 = arith.andi %and3A_343, %and3A_347 : i1
        %mul3A_349 = arith.constant 71 : i32
        %mul3A_350 = arith.muli %add3A, %mul3A_349 : i32
        %add3A_351 = arith.addi %mul3A_350, %add3A_180 : i32
        %mul3A_352 = arith.constant 71 : i32
        %mul3A_353 = arith.muli %add3A, %mul3A_352 : i32
        %add3A_354 = arith.addi %mul3A_353, %add3A_190 : i32
        %ne3A_355 = arith.cmpi ne, %add3A_351, %add3A_354 : i32
        %or3A_356 = arith.constant false
        %or3A_357 = arith.ori %or3A_356, %ne3A_355 : i1
        %not3A_358 = arith.constant true
        %not3A_359 = arith.xori %eq3A_176, %not3A_358 : i1
        %and3A_360 = arith.andi %or3A_357, %not3A_359 : i1
        %convert_element_type3A_361 = arith.extui %and3A_360 : i1 to i32
        %cond3A_362 = arith.constant 0 : i32
        %cond3A_363 = arith.cmpi ne, %convert_element_type3A_361, %cond3A_362 : i32
        scf.if %cond3A_363 {
        } else {
        }
        %and3A_364 = arith.constant false
        %and3A_365 = arith.andi %and3A_360, %and3A_364 : i1
        %mul3A_366 = arith.constant 71 : i32
        %mul3A_367 = arith.muli %add3A, %mul3A_366 : i32
        %add3A_368 = arith.addi %mul3A_367, %add3A_180 : i32
        %mul3A_369 = arith.constant 71 : i32
        %mul3A_370 = arith.muli %add3A, %mul3A_369 : i32
        %add3A_371 = arith.addi %mul3A_370, %add3A_200 : i32
        %ne3A_372 = arith.cmpi ne, %add3A_368, %add3A_371 : i32
        %or3A_373 = arith.constant false
        %or3A_374 = arith.ori %or3A_373, %ne3A_372 : i1
        %or3A_375 = arith.constant false
        %or3A_376 = arith.ori %or3A_374, %or3A_375 : i1
        %or3A_377 = arith.constant false
        %or3A_378 = arith.ori %or3A_376, %or3A_377 : i1
        %or3A_379 = arith.ori %or3A_378, %eq3A_178 : i1
        %add3A_380 = arith.constant 1 : i32
        %add3A_381 = arith.addi %scan3A_171, %add3A_380 : i32
        %select_n3A_382 = arith.select %or3A_379, %add3A_381, %scan3A_171 : i32
        %mul3A_383 = arith.constant 71 : i32
        %mul3A_384 = arith.muli %add3A, %mul3A_383 : i32
        %add3A_385 = arith.addi %mul3A_384, %add3A_180 : i32
        %mul3A_386 = arith.constant 71 : i32
        %mul3A_387 = arith.muli %add3A, %mul3A_386 : i32
        %add3A_388 = arith.addi %mul3A_387, %add3A_200 : i32
        %ne3A_389 = arith.cmpi ne, %add3A_385, %add3A_388 : i32
        %or3A_390 = arith.constant false
        %or3A_391 = arith.ori %or3A_390, %ne3A_389 : i1
        %or3A_392 = arith.ori %or3A_391, %eq3A_178 : i1
        %add3A_393 = arith.constant 1 : i32
        %add3A_394 = arith.addi %scan3A_173, %add3A_393 : i32
        %select_n3A_395 = arith.select %or3A_392, %add3A_394, %scan3A_173 : i32
        %add3A_396 = arith.constant 1 : i32
        %add3A_397 = arith.addi %scan3A_174, %add3A_396 : i32
        %select_n3A_398 = arith.constant true
        %select_n3A_399 = arith.select %select_n3A_398, %add3A_397, %scan3A_174 : i32
        %eq3A_400 = arith.constant 71 : i32
        %eq3A_401 = arith.cmpi eq, %select_n3A_399, %eq3A_400 : i32
        %select_n3A_402 = arith.constant 0 : i32
        %select_n3A_403 = arith.select %eq3A_401, %select_n3A_402, %select_n3A_399 : i32
        scf.yield %select_n3A_232, %select_n3A_382, %select_n3A_254, %select_n3A_395, %select_n3A_403 : i32, i32, i32, i32, i32
      }
      %scan3A_129 = arith.constant 71 : i32
      %sub3A = arith.constant 1 : i32
      %sub3A_130 = arith.subi %scan3A_128#4, %sub3A : i32
      %select_n3A_131 = arith.constant true
      %select_n3A_132 = arith.select %select_n3A_131, %sub3A_130, %scan3A_128#4 : i32
      %eq3A_133 = arith.constant -1 : i32
      %eq3A_134 = arith.cmpi eq, %select_n3A_132, %eq3A_133 : i32
      %select_n3A_135 = arith.constant 70 : i32
      %select_n3A_136 = arith.select %eq3A_134, %select_n3A_135, %select_n3A_132 : i32
      %add3A_137 = arith.constant 0 : i32
      %add3A_138 = arith.addi %select_n3A_136, %add3A_137 : i32
      %sub3A_139 = arith.constant 1 : i32
      %sub3A_140 = arith.subi %select_n3A_136, %sub3A_139 : i32
      %select_n3A_141 = arith.constant true
      %select_n3A_142 = arith.select %select_n3A_141, %sub3A_140, %select_n3A_136 : i32
      %eq3A_143 = arith.constant -1 : i32
      %eq3A_144 = arith.cmpi eq, %select_n3A_142, %eq3A_143 : i32
      %select_n3A_145 = arith.constant 70 : i32
      %select_n3A_146 = arith.select %eq3A_144, %select_n3A_145, %select_n3A_142 : i32
      %add3A_147 = arith.constant 0 : i32
      %add3A_148 = arith.addi %select_n3A_146, %add3A_147 : i32
      %add3A_149 = arith.constant 1 : i32
      %add3A_150 = arith.addi %select_n3A_136, %add3A_149 : i32
      %select_n3A_151 = arith.constant true
      %select_n3A_152 = arith.select %select_n3A_151, %add3A_150, %select_n3A_136 : i32
      %eq3A_153 = arith.constant 71 : i32
      %eq3A_154 = arith.cmpi eq, %select_n3A_152, %eq3A_153 : i32
      %select_n3A_155 = arith.constant 0 : i32
      %select_n3A_156 = arith.select %eq3A_154, %select_n3A_155, %select_n3A_152 : i32
      %add3A_157 = arith.constant 0 : i32
      %add3A_158 = arith.addi %select_n3A_156, %add3A_157 : i32
      %add3A_159 = arith.constant 1 : i32
      %add3A_160 = arith.addi %select_n3A_156, %add3A_159 : i32
      %select_n3A_161 = arith.constant true
      %select_n3A_162 = arith.select %select_n3A_161, %add3A_160, %select_n3A_156 : i32
      %eq3A_163 = arith.constant 71 : i32
      %eq3A_164 = arith.cmpi eq, %select_n3A_162, %eq3A_163 : i32
      %select_n3A_165 = arith.constant 0 : i32
      %select_n3A_166 = arith.select %eq3A_164, %select_n3A_165, %select_n3A_162 : i32
      %add3A_167 = arith.constant 0 : i32
      %add3A_168 = arith.addi %select_n3A_166, %add3A_167 : i32
      tpu.yield
    }) : () -> ()
    %ge3A_16 = arith.constant 16 : i32
    %ge3A_17 = arith.cmpi sge, %add3A, %ge3A_16 : i32
    %convert_element_type3A_18 = arith.extui %ge3A_17 : i1 to i32
    %cond3A_19 = arith.constant 0 : i32
    %cond3A_20 = arith.cmpi ne, %convert_element_type3A_18, %cond3A_19 : i32
    scf.if %cond3A_20 {
      %sub3A = arith.constant 16 : i32
      %sub3A_21 = arith.subi %add3A, %sub3A : i32
      %add3A_22 = arith.constant 49984 : i32
      %add3A_23 = arith.addi %add3A_22, %sub3A_21 : i32
      "tpu.region"() ({
        %run_scoped3A = tpu.sem_alloc : memref<!tpu.dma_semaphore, #tpu.memory_space<semaphore_mem>>
        %dma_start3A = arith.constant 0 : i32
        %dma_start3A_74 = arith.constant 0 : i32
        %dma_start3A_75 = tpu.memref_slice %arg3[%add3A_23, %dma_start3A, %dma_start3A_74] : memref<50000x2x128xi32, #tpu.memory_space<hbm>> -> memref<1x2x128xi32, #tpu.memory_space<hbm>>
        %dma_start3A_76 = tpu.memref_squeeze %dma_start3A_75 : memref<1x2x128xi32, #tpu.memory_space<hbm>> -> memref<2x128xi32, #tpu.memory_space<hbm>>
        %dma_start3A_77 = arith.constant 0 : i32
        %dma_start3A_78 = arith.constant 0 : i32
        %dma_start3A_79 = tpu.memref_slice %arg3[%add3A_23, %dma_start3A_77, %dma_start3A_78] : memref<50000x2x128xi32, #tpu.memory_space<hbm>> -> memref<1x2x128xi32, #tpu.memory_space<hbm>>
        %dma_start3A_80 = tpu.memref_squeeze %dma_start3A_79 : memref<1x2x128xi32, #tpu.memory_space<hbm>> -> memref<2x128xi32, #tpu.memory_space<hbm>>
        tpu.enqueue_dma source(%dma_start3A_80 : memref<2x128xi32, #tpu.memory_space<hbm>>) target(%arg10 : memref<2x128xi32, #tpu.memory_space<vmem>>) target_semaphore(%run_scoped3A : memref<!tpu.dma_semaphore, #tpu.memory_space<semaphore_mem>>)
        %dma_wait3A = arith.constant 0 : i32
        %dma_wait3A_81 = arith.constant 0 : i32
        %dma_wait3A_82 = tpu.memref_slice %arg3[%add3A_23, %dma_wait3A, %dma_wait3A_81] : memref<50000x2x128xi32, #tpu.memory_space<hbm>> -> memref<1x2x128xi32, #tpu.memory_space<hbm>>
        %dma_wait3A_83 = tpu.memref_squeeze %dma_wait3A_82 : memref<1x2x128xi32, #tpu.memory_space<hbm>> -> memref<2x128xi32, #tpu.memory_space<hbm>>
        %dma_wait3A_84 = arith.constant 0 : i32
        %dma_wait3A_85 = arith.constant 0 : i32
        %dma_wait3A_86 = tpu.memref_slice %arg3[%add3A_23, %dma_wait3A_84, %dma_wait3A_85] : memref<50000x2x128xi32, #tpu.memory_space<hbm>> -> memref<1x2x128xi32, #tpu.memory_space<hbm>>
        %dma_wait3A_87 = tpu.memref_squeeze %dma_wait3A_86 : memref<1x2x128xi32, #tpu.memory_space<hbm>> -> memref<2x128xi32, #tpu.memory_space<hbm>>
        tpu.wait_dma2 semaphore(%run_scoped3A : memref<!tpu.dma_semaphore, #tpu.memory_space<semaphore_mem>>) src(%dma_wait3A_87 : memref<2x128xi32, #tpu.memory_space<hbm>>) dst(%arg10 : memref<2x128xi32, #tpu.memory_space<vmem>>)
        tpu.yield
      }) : () -> ()
      %mul3A_24 = arith.constant 128 : i32
      %mul3A_25 = arith.muli %add3A_23, %mul3A_24 : i32
      "tpu.region"() ({
        %run_scoped3A = tpu.sem_alloc : memref<!tpu.dma_semaphore, #tpu.memory_space<semaphore_mem>>
        %dma_start3A = tpu.memref_slice %arg6[%mul3A_25] : memref<6400000xf32, #tpu.memory_space<hbm>> -> memref<128xf32, #tpu.memory_space<hbm>>
        %dma_start3A_74 = tpu.memref_slice %arg6[%mul3A_25] : memref<6400000xf32, #tpu.memory_space<hbm>> -> memref<128xf32, #tpu.memory_space<hbm>>
        tpu.enqueue_dma source(%dma_start3A_74 : memref<128xf32, #tpu.memory_space<hbm>>) target(%arg12 : memref<128xf32, #tpu.memory_space<vmem>>) target_semaphore(%run_scoped3A : memref<!tpu.dma_semaphore, #tpu.memory_space<semaphore_mem>>)
        %dma_wait3A = tpu.memref_slice %arg6[%mul3A_25] : memref<6400000xf32, #tpu.memory_space<hbm>> -> memref<128xf32, #tpu.memory_space<hbm>>
        %dma_wait3A_75 = tpu.memref_slice %arg6[%mul3A_25] : memref<6400000xf32, #tpu.memory_space<hbm>> -> memref<128xf32, #tpu.memory_space<hbm>>
        tpu.wait_dma2 semaphore(%run_scoped3A : memref<!tpu.dma_semaphore, #tpu.memory_space<semaphore_mem>>) src(%dma_wait3A_75 : memref<128xf32, #tpu.memory_space<hbm>>) dst(%arg12 : memref<128xf32, #tpu.memory_space<vmem>>)
        tpu.yield
      }) : () -> ()
      %get3A_26 = arith.constant 1 : i32
      %get3A_27 = arith.index_cast %get3A_26 : i32 to index
      %get3A_28 = arith.constant 0 : index
      %get3A_29 = tpu.vector_load %arg10[%get3A_27, %get3A_28] {strides = array<i32>} : memref<2x128xi32, #tpu.memory_space<vmem>>, vector<16xi32>,
      %get3A_30 = arith.constant 0 : index
      %get3A_31 = tpu.vector_load %arg12[%get3A_30] {strides = array<i32>} : memref<128xf32, #tpu.memory_space<vmem>>, vector<16xf32>,
      tpu.vector_store_idx %arg8[%get3A_29], %get3A_31 {add = true} : memref<100000xf32, #tpu.memory_space<vmem>>[vector<16xi32>], vector<16xf32>,
      %get3A_32 = arith.constant 1 : i32
      %get3A_33 = arith.index_cast %get3A_32 : i32 to index
      %get3A_34 = arith.constant 16 : index
      %get3A_35 = tpu.vector_load %arg10[%get3A_33, %get3A_34] {strides = array<i32>} : memref<2x128xi32, #tpu.memory_space<vmem>>, vector<16xi32>,
      %get3A_36 = arith.constant 16 : index
      %get3A_37 = tpu.vector_load %arg12[%get3A_36] {strides = array<i32>} : memref<128xf32, #tpu.memory_space<vmem>>, vector<16xf32>,
      tpu.vector_store_idx %arg8[%get3A_35], %get3A_37 {add = true} : memref<100000xf32, #tpu.memory_space<vmem>>[vector<16xi32>], vector<16xf32>,
      %get3A_38 = arith.constant 1 : i32
      %get3A_39 = arith.index_cast %get3A_38 : i32 to index
      %get3A_40 = arith.constant 32 : index
      %get3A_41 = tpu.vector_load %arg10[%get3A_39, %get3A_40] {strides = array<i32>} : memref<2x128xi32, #tpu.memory_space<vmem>>, vector<16xi32>,
      %get3A_42 = arith.constant 32 : index
      %get3A_43 = tpu.vector_load %arg12[%get3A_42] {strides = array<i32>} : memref<128xf32, #tpu.memory_space<vmem>>, vector<16xf32>,
      tpu.vector_store_idx %arg8[%get3A_41], %get3A_43 {add = true} : memref<100000xf32, #tpu.memory_space<vmem>>[vector<16xi32>], vector<16xf32>,
      %get3A_44 = arith.constant 1 : i32
      %get3A_45 = arith.index_cast %get3A_44 : i32 to index
      %get3A_46 = arith.constant 48 : index
      %get3A_47 = tpu.vector_load %arg10[%get3A_45, %get3A_46] {strides = array<i32>} : memref<2x128xi32, #tpu.memory_space<vmem>>, vector<16xi32>,
      %get3A_48 = arith.constant 48 : index
      %get3A_49 = tpu.vector_load %arg12[%get3A_48] {strides = array<i32>} : memref<128xf32, #tpu.memory_space<vmem>>, vector<16xf32>,
      tpu.vector_store_idx %arg8[%get3A_47], %get3A_49 {add = true} : memref<100000xf32, #tpu.memory_space<vmem>>[vector<16xi32>], vector<16xf32>,
      %get3A_50 = arith.constant 1 : i32
      %get3A_51 = arith.index_cast %get3A_50 : i32 to index
      %get3A_52 = arith.constant 64 : index
      %get3A_53 = tpu.vector_load %arg10[%get3A_51, %get3A_52] {strides = array<i32>} : memref<2x128xi32, #tpu.memory_space<vmem>>, vector<16xi32>,
      %get3A_54 = arith.constant 64 : index
      %get3A_55 = tpu.vector_load %arg12[%get3A_54] {strides = array<i32>} : memref<128xf32, #tpu.memory_space<vmem>>, vector<16xf32>,
      tpu.vector_store_idx %arg8[%get3A_53], %get3A_55 {add = true} : memref<100000xf32, #tpu.memory_space<vmem>>[vector<16xi32>], vector<16xf32>,
      %get3A_56 = arith.constant 1 : i32
      %get3A_57 = arith.index_cast %get3A_56 : i32 to index
      %get3A_58 = arith.constant 80 : index
      %get3A_59 = tpu.vector_load %arg10[%get3A_57, %get3A_58] {strides = array<i32>} : memref<2x128xi32, #tpu.memory_space<vmem>>, vector<16xi32>,
      %get3A_60 = arith.constant 80 : index
      %get3A_61 = tpu.vector_load %arg12[%get3A_60] {strides = array<i32>} : memref<128xf32, #tpu.memory_space<vmem>>, vector<16xf32>,
      tpu.vector_store_idx %arg8[%get3A_59], %get3A_61 {add = true} : memref<100000xf32, #tpu.memory_space<vmem>>[vector<16xi32>], vector<16xf32>,
      %get3A_62 = arith.constant 1 : i32
      %get3A_63 = arith.index_cast %get3A_62 : i32 to index
      %get3A_64 = arith.constant 96 : index
      %get3A_65 = tpu.vector_load %arg10[%get3A_63, %get3A_64] {strides = array<i32>} : memref<2x128xi32, #tpu.memory_space<vmem>>, vector<16xi32>,
      %get3A_66 = arith.constant 96 : index
      %get3A_67 = tpu.vector_load %arg12[%get3A_66] {strides = array<i32>} : memref<128xf32, #tpu.memory_space<vmem>>, vector<16xf32>,
      tpu.vector_store_idx %arg8[%get3A_65], %get3A_67 {add = true} : memref<100000xf32, #tpu.memory_space<vmem>>[vector<16xi32>], vector<16xf32>,
      %get3A_68 = arith.constant 1 : i32
      %get3A_69 = arith.index_cast %get3A_68 : i32 to index
      %get3A_70 = arith.constant 112 : index
      %get3A_71 = tpu.vector_load %arg10[%get3A_69, %get3A_70] {strides = array<i32>} : memref<2x128xi32, #tpu.memory_space<vmem>>, vector<16xi32>,
      %get3A_72 = arith.constant 112 : index
      %get3A_73 = tpu.vector_load %arg12[%get3A_72] {strides = array<i32>} : memref<128xf32, #tpu.memory_space<vmem>>, vector<16xf32>,
      tpu.vector_store_idx %arg8[%get3A_71], %get3A_73 {add = true} : memref<100000xf32, #tpu.memory_space<vmem>>[vector<16xi32>], vector<16xf32>,
    } else {
    }
    "tpu.region"() ({
      %run_scoped3A = tpu.sem_alloc : memref<!tpu.dma_semaphore, #tpu.memory_space<semaphore_mem>>
      %dma_start3A = arith.constant 0 : i32
      %dma_start3A_21 = tpu.memref_slice %arg7[%add3A, %dma_start3A] : memref<32x100000xf32, #tpu.memory_space<hbm>> -> memref<1x100000xf32, #tpu.memory_space<hbm>>
      %dma_start3A_22 = tpu.memref_squeeze %dma_start3A_21 : memref<1x100000xf32, #tpu.memory_space<hbm>> -> memref<100000xf32, #tpu.memory_space<hbm>>
      %dma_start3A_23 = arith.constant 0 : i32
      %dma_start3A_24 = tpu.memref_slice %arg7[%add3A, %dma_start3A_23] : memref<32x100000xf32, #tpu.memory_space<hbm>> -> memref<1x100000xf32, #tpu.memory_space<hbm>>
      %dma_start3A_25 = tpu.memref_squeeze %dma_start3A_24 : memref<1x100000xf32, #tpu.memory_space<hbm>> -> memref<100000xf32, #tpu.memory_space<hbm>>
      tpu.enqueue_dma source(%arg8 : memref<100000xf32, #tpu.memory_space<vmem>>) target(%dma_start3A_25 : memref<100000xf32, #tpu.memory_space<hbm>>) target_semaphore(%run_scoped3A : memref<!tpu.dma_semaphore, #tpu.memory_space<semaphore_mem>>)
      %dma_wait3A = arith.constant 0 : i32
      %dma_wait3A_26 = tpu.memref_slice %arg7[%add3A, %dma_wait3A] : memref<32x100000xf32, #tpu.memory_space<hbm>> -> memref<1x100000xf32, #tpu.memory_space<hbm>>
      %dma_wait3A_27 = tpu.memref_squeeze %dma_wait3A_26 : memref<1x100000xf32, #tpu.memory_space<hbm>> -> memref<100000xf32, #tpu.memory_space<hbm>>
      %dma_wait3A_28 = arith.constant 0 : i32
      %dma_wait3A_29 = tpu.memref_slice %arg7[%add3A, %dma_wait3A_28] : memref<32x100000xf32, #tpu.memory_space<hbm>> -> memref<1x100000xf32, #tpu.memory_space<hbm>>
      %dma_wait3A_30 = tpu.memref_squeeze %dma_wait3A_29 : memref<1x100000xf32, #tpu.memory_space<hbm>> -> memref<100000xf32, #tpu.memory_space<hbm>>
      tpu.wait_dma2 semaphore(%run_scoped3A : memref<!tpu.dma_semaphore, #tpu.memory_space<semaphore_mem>>) src(%arg8 : memref<100000xf32, #tpu.memory_space<vmem>>) dst(%dma_wait3A_30 : memref<100000xf32, #tpu.memory_space<hbm>>)
      tpu.yield
    }) : () -> ()
    return
  }
}

module attributes {stable_mosaic.version = 14 : i64} {
  func.func @_reduce_body(%arg0: memref<32x100000xf32, #tpu.memory_space<vmem>>, %arg1: memref<100000xf32, #tpu.memory_space<vmem>>) attributes {dimension_semantics = [], scalar_prefetch = 0 : i64, scratch_operands = 0 : i64, tpu.core_type = #tpu.core_type<tc>} {
    %get3A = arith.constant 0 : index
    %get3A_0 = arith.constant 0 : index
    %get3A_1 = vector.load %arg0[%get3A, %get3A_0] : memref<32x100000xf32, #tpu.memory_space<vmem>>, vector<32x100000xf32>
    %reduce_sum3A = arith.constant dense<0.000000e+00> : vector<100000xf32>
    %reduce_sum3A_2 = vector.multi_reduction <add>, %get3A_1, %reduce_sum3A [0] : vector<32x100000xf32> to vector<100000xf32>
    %swap3A = arith.constant 0 : index
    %swap3A_3 = vector.load %arg1[%swap3A] : memref<100000xf32, #tpu.memory_space<vmem>>, vector<100000xf32>
    tpu.vector_store %arg1[%swap3A], %reduce_sum3A_2 {strides = array<i32>} : memref<100000xf32, #tpu.memory_space<vmem>>, vector<100000xf32>,
    return
  }
}

</mosaic_0001>

<sc_bundles>
// kernel: kernel.4.cloned.1.call-start
scs
__scs_entry_jumppad:
0x0: {  	(pc) =	sbr.rel $0x88, $3  }
0x1: {  	(tag) =	ssettag $0x0;
	lr =	simm.s32 $0x1  }
0x2: {  	[smem:$0x3F9A] =	sst lr;
	_ =	strace $0xD0000000  }
0x3: {  	_ = 	snop  }
0x4: {  	_ = 	snop  }
0x5: {  	_ = 	snop  }
0x6: {  	_ = 	snop  }
0x7: {  	_ = 	snop  }
__scs_overlays_trampoline_lowered:
0x8: {  	[smem:$0x3FA9] =	sst s0  }
0x9: {  	[smem:$0x3FAA] =	sst s1  }
0xa: {  	[smem:$0x3FAB] =	sst s2  }
0xb: {  	[smem:$0x3FAC] =	sst s3  }
0xc: {  	[smem:$0x3FAD] =	sst s4  }
0xd: {  	[smem:$0x3FAE] =	sst s5  }
0xe: {  	[smem:$0x3FAF] =	sst s6  }
0xf: {  	[smem:$0x3FB0] =	sst s7  }
0x10: {  	[smem:$0x3FB1] =	sst s8  }
0x11: {  	[smem:$0x3FB2] =	sst s9;
	s0 =	simm.s32 @!p0 $0x0  }
0x12: {  	s1 =	sld [smem:$0x3F98];
	s0 =	simm.s32 @p0 $0x1  }
0x13: {  	[smem:$0x3FB3] =	sst s0;
	s0 =	simm.s32 @!p1 $0x0  }
0x14: {  	s2 =	sld [smem:$0x3F97];
	s0 =	simm.s32 @p1 $0x1  }
0x15: {  	[smem:$0x3FB4] =	sst s0;
	s0 =	simm.s32 @!p2 $0x0  }
0x16: {  	s3 =	sld [smem:$0x3FDB];
	s0 =	simm.s32 @p2 $0x1  }
0x17: {  	s4 =	simm.s32 $0x1BF5;
	[smem:$0x3FB6] =	sst s0  }
0x18: {  	s0 =	sld [smem:$0x3F99];
	_ =	swait.ge [sflag:s4], $0x0  }
0x19: {  	s7 =	sld [smem:$0x3F9A]  }
0x1a: {  	s8 =	sadd.s32 $0xFFFFE003, lr  }
0x1b: {  	s9 =	sadd.s32 $0xFFFFFEF7, lr;
	s5 =	simm.s32 $0xFFFFFFFF;
	p2 =	slt.u32 s8, $0xFFFFF086  }
0x1c: {  	p1 =	slt.u32 s9, $0xF7A;
	s5 =	simm.s32 @!p2 $0x0  }
0x1d: {  	s5 =	simm.s32 @p1 $0x1;
	p0 =	seq.s32 s7, s2  }
0x1e: {  	s7 =	smul.u32 @!p0 $0xF7A, s2;
	p2 =	seq.s32 @!p0 s5, $0x0  }
0x1f: {  	s9 =	smul.u32 $0xF7A, s1;
	s8 =	simm.s32 @!p0 $0x1BF5;
	p2 =	por !p2, p0  }
0x20: {  	[sflag:s8] =	ssyncset.s32 @!p0 $0xFFFFF086;
	s6 =	sadd.s32 @!p0 s3, s7;
	s7 =	simm.s32 @!p0 $0x108  }
0x21: {  	s3 =	sadd.s32 s3, s9;
	s6 =	sadd.s32 @!p0 $0x88, s6;
	s7 =	simm.s32 @p2 $0x1082  }
0x22: {  	[simem:s7], [sflag:s8] =	dma.local @!p0 [hbm:s6], $0xF7A  }
0x23: {  	s9 =	sor.u32 $0xD0000000, s2;
	s6 =	simm.s32 $0x108;
	_ =	swait.ge @!p0 [sflag:s8], $0x0  }
0x24: {  	s3 =	sadd.s32 $0x88, s3;
	s6 =	simm.s32 @!p1 $0x1082;
	[sflag:s4] =	ssyncset.s32 $0xFFFFF086  }
0x25: {  	[simem:s6], [sflag:s4] =	dma.local [hbm:s3], $0xF7A  }
0x26: {  	[smem:$0x3F9A] =	sst s1;
	(tag) =	ssettag s2;
	_ =	strace s9  }
0x27: {  	s1 =	sld [smem:$0x3FAA]  }
0x28: {  	s2 =	sld [smem:$0x3FAB]  }
0x29: {  	s4 =	sld [smem:$0x3FAD]  }
0x2a: {  	p0 =	seq.s32 s5, $0x0;
	s5 =	sld [smem:$0x3FAE]  }
0x2b: {  	s6 =	sld [smem:$0x3FAF]  }
0x2c: {  	s7 =	sld [smem:$0x3FB0]  }
0x2d: {  	s3 =	simm.s32 $0x108;
	s8 =	sld [smem:$0x3FB1]  }
0x2e: {  	s3 =	simm.s32 @!p0 $0x1082;
	s9 =	sld [smem:$0x3FB2]  }
0x2f: {  	lr =	sadd.s32 s0, s3;
	s0 =	sld [smem:$0x3FA9]  }
0x30: {  	s3 =	sld [smem:$0x3FAC]  }
0x31: {  	[smem:$0x3FB5] =	sst s10  }
0x32: {  	s10 =	sld [smem:$0x3FB3];
	_ =	sdelay $0x3  }
0x33: {  	p0 =	seq.s32 s10, $0x1;
	s10 =	sld [smem:$0x3FB5];
	_ =	sdelay $0x3  }
0x34: {  	[smem:$0x3FB5] =	sst s10  }
0x35: {  	s10 =	sld [smem:$0x3FB4];
	_ =	sdelay $0x3  }
0x36: {  	p1 =	seq.s32 s10, $0x1;
	s10 =	sld [smem:$0x3FB5];
	_ =	sdelay $0x3  }
0x37: {  	[smem:$0x3FB5] =	sst s10  }
0x38: {  	s10 =	sld [smem:$0x3FB6]  }
0x39: {  	_ = 	snop;
	(pc) =	sbr.ind lr, $3  }
0x3a: {  	_ = 	snop  }
0x3b: {  	_ = 	snop  }
0x3c: {  	p2 =	seq.s32 s10, $0x1;
	s10 =	sld [smem:$0x3FB5]  }
0x3d: {  	_ =	shalt  }
0x3e: {  	_ =	shalt  }
0x3f: {  	_ =	shalt  }
0x40: {  	_ =	shalt  }
0x41: {  	_ =	shalt  }
0x42: {  	_ =	shalt  }
0x43: {  	_ =	shalt  }
0x44: {  	_ =	shalt  }
0x45: {  	_ =	shalt  }
0x46: {  	_ =	shalt  }
0x47: {  	_ =	shalt  }
0x48: {  	_ =	shalt  }
0x49: {  	_ =	shalt  }
0x4a: {  	_ =	shalt  }
0x4b: {  	_ =	shalt  }
0x4c: {  	_ =	shalt  }
0x4d: {  	_ =	shalt  }
0x4e: {  	_ =	shalt  }
0x4f: {  	_ =	shalt  }
0x50: {  	_ =	shalt  }
0x51: {  	_ =	shalt  }
0x52: {  	_ =	shalt  }
0x53: {  	_ =	shalt  }
0x54: {  	_ =	shalt  }
0x55: {  	_ =	shalt  }
0x56: {  	_ =	shalt  }
0x57: {  	_ =	shalt  }
0x58: {  	_ =	shalt  }
0x59: {  	_ =	shalt  }
0x5a: {  	_ =	shalt  }
0x5b: {  	_ =	shalt  }
0x5c: {  	_ =	shalt  }
0x5d: {  	_ =	shalt  }
0x5e: {  	_ =	shalt  }
0x5f: {  	_ =	shalt  }
0x60: {  	_ =	shalt  }
0x61: {  	_ =	shalt  }
0x62: {  	_ =	shalt  }
0x63: {  	_ =	shalt  }
0x64: {  	_ =	shalt  }
0x65: {  	_ =	shalt  }
0x66: {  	_ =	shalt  }
0x67: {  	_ =	shalt  }
0x68: {  	_ =	shalt  }
0x69: {  	_ =	shalt  }
0x6a: {  	_ =	shalt  }
0x6b: {  	_ =	shalt  }
0x6c: {  	_ =	shalt  }
0x6d: {  	_ =	shalt  }
0x6e: {  	_ =	shalt  }
0x6f: {  	_ =	shalt  }
0x70: {  	_ =	shalt  }
0x71: {  	_ =	shalt  }
0x72: {  	_ =	shalt  }
0x73: {  	_ =	shalt  }
0x74: {  	_ =	shalt  }
0x75: {  	_ =	shalt  }
0x76: {  	_ =	shalt  }
0x77: {  	_ =	shalt  }
0x78: {  	_ =	shalt  }
0x79: {  	_ =	shalt  }
0x7a: {  	_ =	shalt  }
0x7b: {  	_ =	shalt  }
0x7c: {  	_ =	shalt  }
0x7d: {  	_ =	shalt  }
0x7e: {  	_ =	shalt  }
0x7f: {  	_ =	shalt  }
0x80: {  	_ =	shalt  }
0x81: {  	_ =	shalt  }
0x82: {  	_ =	shalt  }
0x83: {  	_ =	shalt  }
0x84: {  	_ =	shalt  }
0x85: {  	_ =	shalt  }
0x86: {  	_ =	shalt  }
0x87: {  	_ =	shalt  }
.Lfunc_end0:
.L_simem_size_0:
called_computation_lowered:
.L_overlay_start_0:
0x88: {  	s2 =	sld [smem:$0x3FD9]  }
0x89: {  	s3 =	sld [smem:$0x3FFE];
	_ =	sdelay $0x1  }
0x8a: {  	s1 =	srdreg.scid  }
0x8b: {  	s0 =	sand.u32 $0x1, s1  }
0x8c: {  	s17 =	sshll.u32 s0, $0xA;
	s2 =	sadd.s32 s3, s2  }
0x8d: {  	s2 =	sadd.s32 s2, s17  }
0x8e: {  	[smem:$0x3FC1] =	sst s2  }
0x8f: {  	_ = 	snop  }
0x90: {  	s2 =	sld [smem:$0x3FC9]  }
0x91: {  	s18 =	sld [smem:$0x3FC8]  }
0x92: {  	s4 =	sld [smem:$0x3FC7]  }
0x93: {  	s5 =	sld [smem:$0x3FD0];
	(tm) =	ssettm $0x1  }
0x94: {  	s6 =	sld [smem:$0x3FFB];
	_ =	sdelay $0x3  }
0x95: {  	_ =	strace s6  }
0x96: {  	s6 =	sld [smem:$0x3FFC];
	_ =	sdelay $0x3  }
0x97: {  	_ =	strace s6  }
0x98: {  	s6 =	sld [smem:$0x3FFD];
	_ =	sdelay $0x3  }
0x99: {  	_ =	strace s6  }
0x9a: {  	_ =	strace $0x8FFFFFFF  }
0x9b: {  	s19 =	sld [smem:$0x3FDB];
	_ =	sdelay $0x1  }
0x9c: {  	s7 =	simm.s32 $_scs_section_size  }
0x9d: {  	s8 =	simm.s32 $_size__tile_overlayer_lowered;
	s9 =	simm.s32 $_tile_overlayer_lowered  }
0x9e: {  	s22 =	simm.s32 $0x1BFF;
	s21 =	sshll.u32 s9, $0x1;
	s6 =	sadd.s32 s7, s19  }
0x9f: {  	s10 =	simm.s32 $0x0;
	s20 =	sshll.u32 s8, $0x1;
	s8 =	sadd.s32 s21, s6  }
0xa0: {  	[timem:s10], [sflag:s22] =	dma.local [hbm:s8], s20  }
0xa1: {  	_ =	swait.ge [sflag:s22], s20  }
0xa2: {  	s7 =	ssub.s32 $0x0, s20;
	[sflag:s22] =	ssyncset.done $0x0  }
0xa3: {  	[sflag:s22] =	ssyncadd.s32 s7;
	_ =	sdelay $0x1  }
0xa4: {  	s23 =	simm.s32 $0x1B8B  }
0xa5: {  	_ =	swait.ge [sflag:s23], $0x1  }
0xa6: {  	[sflag:s23] =	ssyncset.done $0x0  }
0xa7: {  	s25 =	simm.s32 $0x1B8E;
	s24 =	sld [smem:$0x3FFE];
	[sflag:s23] =	ssyncadd.s32 $0xFFFFFFFF  }
0xa8: {  	s26 =	simm.s32 $execute0_lowered;
	[smem:$0x3FD2] =	sst s25  }
0xa9: {  	s8 =	sshll.u32 s26, $0x1;
	_ =	strace $0x80000046;
	[dreg:$0x1] =	wrdreg $0xFFFFFFFF  }
0xaa: {  	s28 =	simm.s32 $_size_execute0_lowered;
	s6 =	sadd.s32 s6, s8;
	[dreg:$0x0] =	wrdreg $0x0  }
0xab: {  	s8 =	sshll.u32 s28, $0x1;
	[dreg:$0x2] =	wrdreg s6  }
0xac: {  	[dreg:$0x3] =	wrdreg s8  }
0xad: {  	[dreg:$0x4] =	wrdreg $0xC0  }
0xae: {  	_ =	task [dreg:s10], $0x5FFFF  }
0xaf: {  	[dreg:$0x1] =	wrdreg $0xFFFFFFFF  }
0xb0: {  	[dreg:$0x0] =	wrdreg $0x60  }
0xb1: {  	[dreg:$0x2] =	wrdreg s2  }
0xb2: {  	[dreg:$0x3] =	wrdreg s18  }
0xb3: {  	[dreg:$0x4] =	wrdreg s4  }
0xb4: {  	[dreg:$0x5] =	wrdreg s5  }
0xb5: {  	[dreg:$0x6] =	wrdreg s24  }
0xb6: {  	[dreg:$0x7] =	wrdreg $0x9  }
0xb7: {  	_ =	task.clear_ibuf [dreg:s10], $0x8FFFF;
	_ =	strace $0x90000046  }
0xb8: {  	s29 =	simm.s32 $0x9;
	_ =	strace $0x80000057  }
0xb9: {  	_ =	swait.ge [sflag:s29], $0x1  }
0xba: {  	[sflag:s29] =	ssyncadd.s32 $0xFFFFFFFF  }
0xbb: {  	_ =	strace $0x90000057  }
0xbc: {  	_ =	sfence  }
0xbd: {  	s30 =	sld [smem:$0x0];
	_ =	sdelay $0x2  }
0xbe: {  	s31 =	sshll.u32 s1, $0xD;
	s1 =	sshrl.u32 s1, $0x2  }
0xbf: {  	s3 =	sand.u32 $0x4000, s31;
	s1 =	sadd.s32 s1, s30  }
0xc0: {  	s0 =	sor.u32 s3, s0;
	s1 =	sshll.u32 s1, $0x11  }
0xc1: {  	s0 =	sor.u32 s1, s0  }
0xc2: {  	s0 =	sadd.s32 $0x8F2B, s0  }
0xc3: {  	[sflag:s0] =	ssyncadd.remote.s32 $0x1  }
0xc4: {  	_ =	sfence.sel $0xFFFF  }
0xc5: {  	[dreg:$0x0] =	wrdreg $0xFFFFFFFF;
	(pc) =	sbr.abs _section_cstart, $3  }
0xc6: {  	[dreg:$0x1] =	wrdreg $0xFFFFFFFF  }
0xc7: {  	_ =	task.clear_ibuf [dreg:s10], $0x2FFFF;
	_ =	strace $0x9FFFFFFF  }
0xc8: {  	(tm) =	ssettm $0x7FFFFFFF  }
0xc9: {  	_ =	shalt  }
tec
execute0_lowered:
.L_overlay_start_1:
0x0: {  	(tag) =	ssettag $0x1  }
0x1: {  	s15 =	rddreg [dreg:$0x1]  }
0x2: {  	s8 =	rddreg [dreg:$0x2]  }
0x3: {  	s0 =	rddreg [dreg:$0x4]  }
0x4: {  	s1 =	srdreg.scid;
	s7 =	stileid.u32;
	s6 =	simm.s32 $0x0  }
0x5: {  	s1 =	sand.u32 $0x1, s1;
	s2 =	sshll.u32 s7, $0x1;
	s3 =	sshrl.u32 s7, $0x2  }
0x6: {  	s19 =	simm.s32 $0x18980;
	s2 =	sor.u32 s1, s2;
	s3 =	smul.u32 $0xC3800, s3  }
0x7: {  	s20 =	simm.s32 $0x1B580;
	[smem:$0x7FF] =	sst s6;
	s5 =	smul.u32 $0xC340, s2  }
0x8: {  	s16 =	sadd.s32 $0xA00, s0;
	_ =	strace $0x80000047;
	s25 =	smul.u32 $0x61A0, s2  }
0x9: {  	s4 =	sshll.u32 s2, $0x7;
	s17 =	smul.u32 $0x47, s2;
	s2 =	sadd.s32 $0xC330, s2  }
0xa: {  	[dreg:$0x6] =	wrdreg s16;
	s4 =	sand.u32 $0x380, s4;
	s28 =	sshll.u32 s2, $0x5  }
0xb: {  	s2 =	sshll.u32 s2, $0x4;
	s26 =	sadd.s32 s8, s25;
	[dreg:$0x7] =	wrdreg s17  }
0xc: {  	s3 =	sor.u32 s3, s4;
	s4 =	sadd.s32 s15, s28;
	[dreg:$0x9] =	wrdreg s26  }
0xd: {  	s1 =	ssub.s32 $0x2, s1;
	s29 =	sadd.s32 s8, s2;
	[dreg:$0xa] =	wrdreg s4  }
0xe: {  	s24 =	sshrl.u32 s1, $0x1;
	s2 =	sadd.s32 s16, s2;
	[dreg:$0xb] =	wrdreg s29  }
0xf: {  	s1 =	ssub.s32 s1, s24;
	s30 =	sadd.s32 s16, s25;
	[dreg:$0xc] =	wrdreg s2  }
0x10: {  	s31 =	smax.u32 s1, $0x1;
	s3 =	sshrl.u32 s3, $0x3;
	[dreg:$0xd] =	wrdreg s30  }
0x11: {  	s18 =	sadd.s32 s15, s5;
	[dreg:$0xf] =	wrdreg s31;
	s0 =	sadd.s32 s3, s0  }
0x12: {  	s21 =	simm.s32 $0x1;
	[dreg:$0x8] =	wrdreg s18;
	s0 =	sadd.s32 $0xC4000, s0  }
0x13: {  	p0 =	slt.u32 s7, $0x8;
	s1 =	simm.s32 $0x0;
	[dreg:$0xe] =	wrdreg s0  }
.LBB2_1:
0x14: {  	[dreg:$0x10] =	wrdreg s1  }
0x15: {  	s0 =	rddreg [dreg:$0x0]  }
0x16: {  	[tilespmem:s6], [sflag:$0x1] =	stream.linear.gather [hbm4b:s0+s6], $0x18700, $0x38;
	[tilespmem:$0x1E180] =	vst v63  }
0x17: {  	_ =	swait.ge [sflag:s21], $0x18700  }
0x18: {  	[sflag:s21] =	ssyncset.done $0x0  }
0x19: {  	[sflag:s21] =	ssyncadd.s32 $0xFFFE7900  }
0x1a: {  	s30 =	simm.s32 $0x18700;
	s29 =	rddreg [dreg:$0x3]  }
0x1b: {  	[tilespmem:s30], [sflag:$0x1] =	stream.linear.gather [hbm4b:s29+s6], $0x80, $0x38;
	[tilespmem:$0x1E180] =	vst v63  }
0x1c: {  	_ =	swait.ge [sflag:s21], $0x80  }
0x1d: {  	[sflag:s21] =	ssyncset.done $0x0  }
0x1e: {  	[sflag:s21] =	ssyncadd.s32 $0xFFFFFF80  }
0x1f: {  	v5 =	vld [tilespmem:$0x18700]  }
0x20: {  	v6 =	vld [tilespmem:$0x18710]  }
0x21: {  	v4 =	vld [tilespmem:$0x18720]  }
0x22: {  	v2 =	vld [tilespmem:$0x18730]  }
0x23: {  	s4 =	simm.s32 $0x0;
	s13 =	simm.s32 $0x0;
	v1 =	vld [tilespmem:$0x18740]  }
0x24: {  	s1 =	simm.s32 $0x0;
	s10 =	simm.s32 $0x1;
	v3 =	vld [tilespmem:$0x18750];
	_ =	strace $0x80000048  }
0x25: {  	[tilespmem:s19], [sflag:$0x1] =	stream.linear.gather [hbm4b:s18+s6], $0x1600, $0x200038;
	[tilespmem:$0x1E180] =	vst v63  }
0x26: {  	s3 =	simm.s32 $0x0;
	s5 =	simm.s32 $0x0;
	s31 =	rddreg [dreg:$0x9]  }
0x27: {  	[tilespmem:s20], [sflag:$0x3] =	stream.linear.gather [hbm4b:s31+s6], $0xB00, $0x200038;
	[tilespmem:$0x1E180] =	vst v63  }
0x28: {  	s19 =	simm.s32 $0x1;
	s20 =	simm.s32 $0x0;
	_ =	strace $0x90000048  }
.LBB2_2:
0x29: {  	[dreg:$0x11] =	wrdreg s4;
	s0 =	sadd.s32 $0x1, s20  }
0x2a: {  	[dreg:$0x17] =	wrdreg s5;
	s11 =	sadd.s32 s17, s20;
	p1 =	seq.s32 s0, $0x47  }
0x2b: {  	s12 =	sand.u32 $0x1, s3;
	s0 =	simm.s32 @p1 $0x0;
	p1 =	seq.s32 s5, $0x46  }
0x2c: {  	s26 =	simm.s32 $0x19F80;
	s18 =	simm.s32 $0x90;
	p2 =	seq.s32 @!p1 s20, s0  }
0x2d: {  	s24 =	simm.s32 $0x0;
	s25 =	simm.s32 $0x80;
	p3 =	por p2, p1  }
0x2e: {  	s28 =	simm.s32 $0x0;
	[dreg:$0x18] =	wrdreg s0;
	s2 =	sand.u32 @!p3 $0x1, s19  }
0x2f: {  	s5 =	sadd.s32 @!p3 s17, s0;
	_ =	strace @!p3 $0x80000049;
	s4 =	smul.u32 @!p3 $0x5800, s2  }
0x30: {  	s8 =	simm.s32 @!p3 $0x1000;
	p4 =	seq.s32 @!p3 s5, $0x8E0;
	s7 =	smul.u32 @!p3 $0x1600, s5  }
0x31: {  	s9 =	simm.s32 @!p3 $0x0;
	s2 =	sadd.s32 @!p3 $0x1, s2;
	p4 =	por @!p1 !p4, p2  }
0x32: {  	s4 =	sshrl.u32 @!p3 s4, $0x2;
	s7 =	sshrl.u32 @!p3 s7, $0x3;
	p4 =	por !p4, p1  }
0x33: {  	s4 =	sadd.s32 @!p3 $0x18980, s4;
	s7 =	sadd.s32 @!p3 s15, s7;
	s8 =	simm.s32 @!p4 $0x1600  }
0x34: {  	[tilespmem:s4], [sflag:s2] =	stream.linear.gather @!p3 [hbm4b:s7+s9], s8, $0x200038;
	[tilespmem:$0x1E180] =	vst v63  }
0x35: {  	[dreg:$0x14] =	wrdreg s10;
	s5 =	smul.u32 @!p3 $0xB00, s5;
	s2 =	sand.u32 @!p3 $0x1, s10  }
0x36: {  	s29 =	simm.s32 $0x20;
	s4 =	smul.u32 @!p3 $0x2C00, s2;
	_ =	strace @!p3 $0x90000049  }
0x37: {  	s5 =	sshrl.u32 @!p3 s5, $0x3;
	s7 =	simm.s32 @!p3 $0x800;
	_ =	strace @!p3 $0x8000004A  }
0x38: {  	s2 =	sadd.s32 @!p3 $0x3, s2;
	s4 =	sshrl.u32 @!p3 s4, $0x2;
	s0 =	rddreg [dreg:$0x2]  }
0x39: {  	s7 =	simm.s32 @!p4 $0xB00;
	s4 =	sadd.s32 @!p3 $0x1B580, s4;
	s5 =	sadd.s32 @!p3 s0, s5  }
0x3a: {  	[tilespmem:s4], [sflag:s2] =	stream.linear.gather @!p3 [hbm4b:s5+s9], s7, $0x200038;
	[tilespmem:$0x1E180] =	vst v63  }
0x3b: {  	s14 =	sadd.s32 $0x1, s12;
	_ =	strace @!p3 $0x9000004A;
	[dreg:$0x1a] =	wrdreg s11  }
0x3c: {  	p4 =	seq.s32 s11, $0x8E0;
	s4 =	simm.s32 $0x1000;
	[dreg:$0x15] =	wrdreg s3  }
0x3d: {  	s22 =	sand.u32 $0x70, s18;
	s4 =	simm.s32 @!p4 $0x1600;
	_ =	strace $0x8000004B  }
0x3e: {  	s17 =	simm.s32 $0x120;
	s7 =	simm.s32 $0xFFFFF000;
	_ =	swait.ge [sflag:s14], s4  }
0x3f: {  	s15 =	sand.u32 $0x1, s1;
	s7 =	simm.s32 @!p4 $0xFFFFEA00;
	[sflag:s14] =	ssyncset.done $0x0  }
0x40: {  	s16 =	sadd.s32 $0x3, s15;
	s0 =	simm.s32 $0x800;
	[sflag:s14] =	ssyncadd.s32 s7  }
0x41: {  	s0 =	simm.s32 @!p4 $0xB00;
	_ =	strace $0x9000004B;
	[dreg:$0x13] =	wrdreg s1  }
0x42: {  	s2 =	sand.u32 $0x3F00, s17;
	_ =	strace $0x8000004C;
	[dreg:$0x1b] =	wrdreg s0  }
0x43: {  	s5 =	simm.s32 $0xB00;
	s7 =	simm.s32 $0xFFFFF800;
	_ =	swait.ge [sflag:s16], s0  }
0x44: {  	s7 =	simm.s32 @!p4 $0xFFFFF500;
	p4 =	seq.s32 s12, $0x1;
	[sflag:s16] =	ssyncset.done $0x0  }
0x45: {  	s26 =	simm.s32 @!p4 $0x18980;
	p4 =	seq.s32 s15, $0x1;
	[sflag:s16] =	ssyncadd.s32 s7  }
0x46: {  	s2 =	sadd.s32 s2, s26;
	s5 =	simm.s32 @!p4 $0x0;
	_ =	strace $0x9000004C  }
0x47: {  	s2 =	sadd.s32 s22, s2;
	s23 =	sadd.s32 $0x1B580, s5;
	_ =	strace $0x8000004D  }
0x48: {  	s30 =	simm.s32 $0x10;
	s3 =	simm.s32 $0x30;
	v17 =	vmov s23;
	s7 =	sand.u32 $0x3F00, s29;
	v7 =	vld [tilespmem:s2+$0x0]  }
0x49: {  	s9 =	sadd.s32 $0x1B5D0, s5;
	s5 =	sand.u32 $0x70, s30;
	s7 =	sadd.s32 s7, s26;
	v8 =	vld [tilespmem:s2+$0x80]  }
0x4a: {  	s10 =	sand.u32 $0x70, s3;
	s1 =	simm.s32 $0x60;
	s5 =	sadd.s32 s5, s7;
	v11 =	vld [tilespmem:s9+$0x40]  }
0x4b: {  	s4 =	sand.u32 $0x1F80, s25;
	s7 =	sand.u32 $0x3F00, s1;
	s2 =	sand.u32 $0x70, s24;
	v12 =	vld [tilespmem:s5+$0x0]  }
0x4c: {  	s15 =	simm.s32 $0xA0;
	v13 =	vld [tilespmem:s5+$0x80];
	s7 =	sadd.s32 s7, s26;
	s25 =	sor.u32 s2, s4  }
0x4d: {  	s16 =	simm.s32 $0x50;
	s4 =	sand.u32 $0x1F00, s28;
	s5 =	sadd.s32 s10, s7;
	v10 =	vld.idx.msk [tilespmem:v17+s25+$0x0 ss:$0x1], $0xffff  }
0x4e: {  	s17 =	sand.u32 $0x70, s16;
	s7 =	sand.u32 $0x3F00, s15;
	s4 =	sadd.s32 s4, s26;
	v20 =	vld [tilespmem:s5+$0x0]  }
0x4f: {  	s24 =	simm.s32 $0xE0;
	v21 =	vld [tilespmem:s5+$0x80];
	s7 =	sadd.s32 s7, s26;
	s4 =	sadd.s32 s2, s4  }
0x50: {  	s28 =	simm.s32 $0x70;
	s5 =	sadd.s32 s17, s7;
	s7 =	sand.u32 $0x3F00, s24;
	v9 =	vld [tilespmem:s4+$0x80]  }
0x51: {  	s29 =	sand.u32 $0x70, s28;
	v24 =	vld [tilespmem:s5+$0x0];
	s7 =	sadd.s32 s7, s26  }
0x52: {  	v25 =	vld [tilespmem:s5+$0x80];
	s5 =	sadd.s32 s29, s7  }
0x53: {  	v28 =	vld [tilespmem:s5+$0x0]  }
0x54: {  	v29 =	vld [tilespmem:s5+$0x80]  }
0x55: {  	s31 =	simm.s32 $0x40;
	v18 =	vld.idx.msk [tilespmem:v7+s6+$0x0], $0xffff  }
0x56: {  	s8 =	sand.u32 $0x3F00, s31;
	s0 =	simm.s32 $0x20;
	v7 =	vld.idx.msk [tilespmem:v8+s6+$0x0], $0xffff  }
0x57: {  	s11 =	simm.s32 $0x80;
	s8 =	sadd.s32 s8, s26;
	v8 =	vld [tilespmem:s4+$0x0];
	s4 =	sand.u32 $0x70, s0  }
0x58: {  	s12 =	simm.s32 $0x40;
	v13 =	vld.idx.msk [tilespmem:v13+s6+$0x0], $0xffff;
	s4 =	sadd.s32 s4, s8;
	s8 =	sand.u32 $0x3F00, s11  }
0x59: {  	s14 =	sand.u32 $0x70, s12;
	v14 =	vld [tilespmem:s4+$0x0];
	s8 =	sadd.s32 s8, s26  }
0x5a: {  	v19 =	vld [tilespmem:s4+$0x80];
	s4 =	sadd.s32 s14, s8  }
0x5b: {  	s18 =	simm.s32 $0xC0;
	v22 =	vld [tilespmem:s4+$0x0]  }
0x5c: {  	s22 =	simm.s32 $0x60;
	s8 =	sand.u32 $0x3F00, s18;
	v23 =	vld [tilespmem:s4+$0x80]  }
0x5d: {  	s23 =	sand.u32 $0x70, s22;
	s8 =	sadd.s32 s8, s26;
	v34 =	vld.idx.msk [tilespmem:v9+s6+$0x0], $0xffff  }
0x5e: {  	s30 =	simm.s32 $0x100;
	v63 =	vld.idx.msk [tilespmem:v24+s6+$0x0], $0xffff;
	s4 =	sadd.s32 s23, s8  }
0x5f: {  	s8 =	sand.u32 $0x3F00, s30;
	v26 =	vld [tilespmem:s4+$0x0]  }
0x60: {  	s31 =	simm.s32 $0x140;
	v27 =	vld [tilespmem:s4+$0x80];
	s0 =	sadd.s32 s8, s26  }
0x61: {  	s1 =	simm.s32 $0xA0;
	s4 =	sand.u32 $0x3F00, s31;
	v62 =	vld.idx.msk [tilespmem:v28+s6+$0x0], $0xffff;
	s2 =	sadd.s32 s2, s0  }
0x62: {  	s3 =	sand.u32 $0x70, s1;
	v15 =	vmul.f32 v18, v5;
	v7 =	vmul.f32 v7, v6;
	s4 =	sadd.s32 s4, s26;
	v30 =	vld [tilespmem:s2+$0x0]  }
0x63: {  	s4 =	sadd.s32 s3, s4;
	v31 =	vld [tilespmem:s2+$0x80]  }
0x64: {  	v7 =	vadd.f32 v7, v15;
	v15 =	vmul.f32 v11, v4;
	v32 =	vld [tilespmem:s4+$0x0]  }
0x65: {  	v33 =	vld [tilespmem:s4+$0x80]  }
0x66: {  	v7 =	vadd.f32 v7, v15;
	v9 =	vld.idx.msk [tilespmem:v14+s6+$0x0], $0xffff  }
0x67: {  	v35 =	vld.idx.msk [tilespmem:v19+s6+$0x0], $0xffff  }
0x68: {  	v7 =	vadd.f32 v7, v2;
	v0 =	vld.idx.msk [tilespmem:v22+s6+$0x0], $0xffff  }
0x69: {  	v22 =	vld.idx.msk [tilespmem:v25+s6+$0x0], $0xffff  }
0x6a: {  	v15 =	vmul.f32 $9.999999770e-03, v7;
	v61 =	vld.idx.msk [tilespmem:v26+s6+$0x0], $0xffff  }
0x6b: {  	v26 =	vld.idx.msk [tilespmem:v29+s6+$0x0], $0xffff  }
0x6c: {  	v7 =	vmax.f32 v7, v15;
	v15 =	vld.idx.msk [tilespmem:v8+s6+$0x0], $0xffff  }
0x6d: {  	v8 =	vld.idx.msk [tilespmem:v20+s6+$0x0], $0xffff  }
0x6e: {  	v11 =	vmul.f32 v11, v3;
	v20 =	vld.idx.msk [tilespmem:v21+s6+$0x0], $0xffff  }
0x6f: {  	v24 =	vmul.f32 v10, v4;
	v21 =	vld.idx.msk [tilespmem:v23+s6+$0x0], $0xffff  }
0x70: {  	v59 =	vmul.f32 v63, v5;
	v19 =	vmul.f32 v10, v3;
	v23 =	vld.idx.msk [tilespmem:v27+s6+$0x0], $0xffff;
	v7 =	vadd.f32 v7, v11  }
0x71: {  	v37 =	vmul.f32 v62, v5;
	v27 =	vmul.f32 v34, v6;
	v11 =	vld.idx.msk [tilespmem:v12+s6+$0x0], $0xffff  }
0x72: {  	v57 =	vmul.f32 v9, v5;
	v10 =	vld.idx.msk [tilespmem:v30+s6+$0x0], $0xffff;
	v30 =	vmul.f32 v13, v6;
	[tilespmem:$0x1FFC0] =	vst v9;
	v7 =	vsub.f32 $0.0e+00, v7  }
0x73: {  	v31 =	vld.idx.msk [tilespmem:v31+s6+$0x0], $0xffff;
	v22 =	vmul.f32 v22, v6;
	v26 =	vmul.f32 v26, v6;
	[tilespmem:$0x1FFD0] =	vst v8  }
0x74: {  	v7 =	vmul.f32 $1.442695020e+00, v7;
	v25 =	vmul.f32 v15, v5;
	v34 =	vld [tilespmem:s9+$0xFFFFFFC0]  }
0x75: {  	v58 =	vmul.f32 v8, v5;
	v20 =	vmul.f32 v20, v6;
	v60 =	vld [tilespmem:s9+$0xFFFFFFD0]  }
0x76: {  	v28 =	vmul.f32 v11, v5;
	v36 =	vld [tilespmem:s9+$0xFFFFFFE0];
	(erf) = vpow2.f32 v7  }
0x77: {  	v22 =	vadd.f32 v22, v59;
	v21 =	vmul.f32 v21, v6;
	v51 =	vmul.f32 v10, v5;
	v40 =	vld [tilespmem:s9+$0x10]  }
0x78: {  	v31 =	vmul.f32 v31, v6;
	v28 =	vadd.f32 v30, v28;
	v30 =	vmul.f32 v0, v5  }
0x79: {  	v23 =	vmul.f32 v23, v6;
	v25 =	vadd.f32 v27, v25;
	v27 =	vmul.f32 v35, v6;
	v7 =	vld.idx.msk [tilespmem:v32+s6+$0x0], $0xffff  }
0x7a: {  	v32 =	vld [tilespmem:s9+$0xFFFFFFB0];
	v31 =	vadd.f32 v31, v51;
	v21 =	vadd.f32 v21, v30;
	v30 =	vmul.f32 v61, v5  }
0x7b: {  	v27 =	vadd.f32 v27, v57;
	v53 =	vmul.f32 v34, v4;
	v41 =	vmul.f32 v60, v4  }
0x7c: {  	v24 =	vadd.f32 v31, v24;
	v31 =	vmul.f32 v36, v4;
	v57 =	vmul.f32 v40, v4  }
0x7d: {  	s4 =	simm.s32 $0x280;
	v39 =	vld [tilespmem:s9+$0x0];
	v26 =	vadd.f32 v26, v37;
	v34 =	vmul.f32 v34, v3;
	v35 =	vmul.f32 v60, v3  }
0x7e: {  	s5 =	simm.s32 $0x140;
	s2 =	sand.u32 $0x3F00, s4;
	v54 =	vld [tilespmem:s9+$0x50];
	v20 =	vadd.f32 v20, v58;
	v36 =	vmul.f32 v36, v3;
	v40 =	vmul.f32 v40, v3  }
0x7f: {  	s4 =	sand.u32 $0x70, s5;
	s2 =	sadd.s32 s2, s26;
	v23 =	vadd.f32 v23, v30;
	v30 =	vld [tilespmem:s9+$0xFFFFFFF0];
	v52 =	vmul.f32 v32, v4;
	v28 =	vadd.f32 v28, v53;
	v29 =	vpop (erf)  }
0x80: {  	s2 =	sadd.s32 s4, s2;
	v42 =	vld [tilespmem:s9+$0x20];
	v38 =	vmul.f32 v7, v5;
	v20 =	vadd.f32 v20, v31;
	v29 =	vadd.f32 $1.000000000e+00, v29  }
0x81: {  	v58 =	vld [tilespmem:s2+$0x80];
	v32 =	vmul.f32 v32, v3;
	v56 =	vadd.f32 v24, v2;
	v25 =	vadd.f32 v25, v52  }
0x82: {  	v43 =	vadd.f32 v20, v2;
	v20 =	vadd.f32 v23, v57;
	(erf) = vrcp.f32 v29;
	v29 =	vld.idx.msk [tilespmem:v33+s6+$0x0], $0xffff  }
0x83: {  	v31 =	vld [tilespmem:s2+$0x0];
	v23 =	vmul.f32 v54, v4;
	v24 =	vadd.f32 v25, v2;
	v25 =	vmul.f32 v39, v4  }
0x84: {  	v27 =	vadd.f32 v27, v41;
	v39 =	vmul.f32 v39, v3;
	v55 =	vmul.f32 v30, v4  }
0x85: {  	v28 =	vadd.f32 v28, v2;
	v46 =	vmul.f32 $9.999999770e-03, v43;
	v30 =	vmul.f32 v30, v3  }
0x86: {  	v22 =	vadd.f32 v22, v25;
	v25 =	vmul.f32 v42, v4;
	v21 =	vadd.f32 v21, v55  }
0x87: {  	s7 =	simm.s32 $0x130;
	s18 =	simm.s32 $0xB0;
	v27 =	vadd.f32 v27, v2;
	v59 =	vmul.f32 $9.999999770e-03, v24;
	v29 =	vmul.f32 v29, v6  }
0x88: {  	s14 =	simm.s32 $0x180;
	s10 =	sand.u32 $0x70, s18;
	s8 =	simm.s32 $0x160;
	v42 =	vmul.f32 v42, v3;
	[tilespmem:$0x1FFE0] =	vst v17;
	v43 =	vmax.f32 v43, v46;
	v44 =	vadd.f32 v21, v2  }
0x89: {  	s5 =	sand.u32 $0x3F00, s14;
	s14 =	sadd.s32 $0xB0, s9;
	s2 =	sand.u32 $0x1F80, s7;
	v37 =	vmax.f32 v24, v59;
	v41 =	vld.idx.msk [tilespmem:v58+s6+$0x0], $0xffff;
	v21 =	vadd.f32 v26, v25;
	v29 =	vadd.f32 v29, v38  }
0x8a: {  	s12 =	sor.u32 s10, s2;
	s2 =	sand.u32 $0x1F00, s8;
	v33 =	vmul.f32 v54, v3;
	v60 =	vld [tilespmem:s14+$0x40];
	v26 =	vadd.f32 v22, v2;
	v32 =	vadd.f32 v37, v32  }
0x8b: {  	s11 =	simm.s32 $0xC0;
	s2 =	sadd.s32 s2, s26;
	v25 =	vmul.f32 $9.999999770e-03, v28;
	v22 =	vadd.f32 v29, v23;
	v29 =	vadd.f32 v20, v2;
	v20 =	vld.idx.msk [tilespmem:v31+s6+$0x0], $0xffff  }
0x8c: {  	s5 =	sadd.s32 s5, s26;
	s4 =	sand.u32 $0x70, s11;
	s2 =	sadd.s32 s10, s2;
	v54 =	vadd.f32 v43, v36;
	v45 =	vadd.f32 v21, v2;
	v47 =	vmul.f32 $9.999999770e-03, v44  }
0x8d: {  	s4 =	sadd.s32 s4, s5;
	v24 =	vld [tilespmem:s2+$0x80];
	v49 =	vmul.f32 $9.999999770e-03, v26;
	v25 =	vmax.f32 v28, v25;
	v32 =	vsub.f32 $0.0e+00, v32  }
0x8e: {  	s22 =	simm.s32 $0xE0;
	s17 =	simm.s32 $0x1C0;
	v52 =	vld [tilespmem:s4+$0x80];
	v25 =	vadd.f32 v25, v34;
	v28 =	vmul.f32 $9.999999770e-03, v45;
	v44 =	vmax.f32 v44, v47  }
0x8f: {  	s16 =	simm.s32 $0xD0;
	s15 =	simm.s32 $0x1A0;
	s5 =	sand.u32 $0x3F00, s17;
	v21 =	vld.idx.msk [tilespmem:v17+s12+$0x0 ss:$0x1], $0xffff;
	v26 =	vmax.f32 v26, v49;
	v41 =	vmul.f32 v41, v6;
	v55 =	vmul.f32 v60, v4  }
0x90: {  	s23 =	sand.u32 $0x70, s22;
	s5 =	sadd.s32 s5, s26;
	s7 =	sand.u32 $0x3F00, s15;
	v47 =	vld [tilespmem:s4+$0x0];
	v32 =	vmul.f32 $1.442695020e+00, v32;
	v30 =	vadd.f32 v44, v30;
	v53 =	vmul.f32 v20, v5  }
0x91: {  	s7 =	sadd.s32 s7, s26;
	s4 =	sadd.s32 s23, s5;
	v46 =	vmul.f32 v60, v3;
	v26 =	vadd.f32 v26, v39;
	v48 =	vadd.f32 v22, v2;
	v22 =	vld [tilespmem:s2+$0x0];
	s2 =	sand.u32 $0x70, s16  }
0x92: {  	s24 =	simm.s32 $0x1E0;
	v43 =	vld [tilespmem:s4+$0x0];
	v25 =	vsub.f32 $0.0e+00, v25;
	v50 =	vmul.f32 $9.999999770e-03, v29;
	s2 =	sadd.s32 s2, s7;
	v41 =	vadd.f32 v41, v53  }
0x93: {  	s1 =	simm.s32 $0x220;
	s28 =	simm.s32 $0xF0;
	v28 =	vmax.f32 v45, v28;
	v23 =	vmul.f32 $9.999999770e-03, v27;
	v31 =	vmul.f32 $9.999999770e-03, v56;
	s7 =	sand.u32 $0x3F00, s24;
	v34 =	vld [tilespmem:s2+$0x0]  }
0x94: {  	s29 =	sand.u32 $0x70, s28;
	s30 =	simm.s32 $0x200;
	v28 =	vadd.f32 v28, v42;
	v29 =	vmax.f32 v29, v50;
	v36 =	vld [tilespmem:s2+$0x80];
	s7 =	sadd.s32 s7, s26;
	v57 =	vadd.f32 v41, v55  }
0x95: {  	s31 =	simm.s32 $0x100;
	s5 =	sand.u32 $0x3F00, s30;
	v25 =	vmul.f32 $1.442695020e+00, v25;
	v23 =	vmax.f32 v27, v23;
	s2 =	sadd.s32 s29, s7;
	v29 =	vadd.f32 v29, v40;
	v40 =	vld [tilespmem:s4+$0x80]  }
0x96: {  	s22 =	simm.s32 $0x150;
	s0 =	sand.u32 $0x70, s31;
	s5 =	sadd.s32 s5, s26;
	v31 =	vmax.f32 v56, v31;
	v23 =	vadd.f32 v23, v35;
	v56 =	vld [tilespmem:s2+$0x0];
	v39 =	vadd.f32 v57, v2  }
0x97: {  	s3 =	simm.s32 $0x110;
	(erf) = vpow2.f32 v32;
	v30 =	vsub.f32 $0.0e+00, v30;
	v26 =	vsub.f32 $0.0e+00, v26;
	s7 =	sand.u32 $0x3F00, s1;
	s4 =	sadd.s32 s0, s5;
	v58 =	vld [tilespmem:s2+$0x80]  }
0x98: {  	s9 =	simm.s32 $0x240;
	s8 =	sand.u32 $0x70, s3;
	(erf) = vpow2.f32 v25;
	v23 =	vsub.f32 $0.0e+00, v23;
	s7 =	sadd.s32 s7, s26;
	v42 =	vld [tilespmem:s4+$0x0];
	v59 =	vmul.f32 $9.999999770e-03, v39  }
0x99: {  	s11 =	simm.s32 $0x120;
	v25 =	vmul.f32 $1.442695020e+00, v30;
	v26 =	vmul.f32 $1.442695020e+00, v26;
	v35 =	vsub.f32 $0.0e+00, v54;
	s5 =	sand.u32 $0x3F00, s9;
	v44 =	vld [tilespmem:s4+$0x80];
	s2 =	sadd.s32 s8, s7  }
0x9a: {  	s15 =	sand.u32 $0x70, s11;
	s11 =	simm.s32 $0x2A0;
	v27 =	vmul.f32 $9.999999770e-03, v48;
	s5 =	sadd.s32 s5, s26;
	v23 =	vmul.f32 $1.442695020e+00, v23;
	v45 =	vld [tilespmem:s2+$0x0];
	v39 =	vmax.f32 v39, v59  }
0x9b: {  	s23 =	sand.u32 $0x3F00, s11;
	s16 =	simm.s32 $0x260;
	v60 =	vmul.f32 $1.442695020e+00, v35;
	s4 =	sadd.s32 s15, s5;
	v29 =	vsub.f32 $0.0e+00, v29;
	v49 =	vld [tilespmem:s2+$0x80];
	v30 =	vadd.f32 v39, v46  }
0x9c: {  	s28 =	sadd.s32 s23, s26;
	s24 =	sand.u32 $0x70, s22;
	v27 =	vmax.f32 v48, v27;
	s7 =	sand.u32 $0x3F00, s16;
	v35 =	vld [tilespmem:s4+$0x0];
	(erf) = vpow2.f32 v23;
	v23 =	vsub.f32 $0.0e+00, v28  }
0x9d: {  	s17 =	sadd.s32 s7, s26;
	v48 =	vld [tilespmem:s4+$0x80];
	s4 =	sadd.s32 s24, s28;
	v29 =	vmul.f32 $1.442695020e+00, v29;
	(erf) = vpow2.f32 v60;
	v30 =	vsub.f32 $0.0e+00, v30  }
0x9e: {  	v19 =	vadd.f32 v31, v19;
	s2 =	sadd.s32 s10, s17;
	v31 =	vld [tilespmem:s4+$0x0];
	(erf) = vpow2.f32 v25;
	v25 =	vmul.f32 $1.442695020e+00, v23  }
0x9f: {  	v28 =	vld [tilespmem:s2+$0x0];
	(erf) = vpow2.f32 v26;
	v26 =	vadd.f32 v27, v33;
	v27 =	vmul.f32 $1.442695020e+00, v30  }
0xa0: {  	v19 =	vsub.f32 $0.0e+00, v19;
	v23 =	vld.idx.msk [tilespmem:v22+s6+$0x0], $0xffff;
	v22 =	vpop (erf);
	(erf) = vpow2.f32 v29  }
0xa1: {  	v32 =	vld [tilespmem:s2+$0x80];
	v22 =	vmul.f32 v22, v1;
	(erf) = vpow2.f32 v25;
	v25 =	vsub.f32 $0.0e+00, v26  }
0xa2: {  	v19 =	vmul.f32 $1.442695020e+00, v19;
	v33 =	vld [tilespmem:s4+$0x80]  }
0xa3: {  	v29 =	vld.idx.msk [tilespmem:v52+s6+$0x0], $0xffff;
	v25 =	vmul.f32 $1.442695020e+00, v25;
	(erf) = vpow2.f32 v27;
	v27 =	vpop (erf)  }
0xa4: {  	v55 =	vld.idx.msk [tilespmem:v40+s6+$0x0], $0xffff;
	v53 =	vmul.f32 v22, v18;
	v50 =	vpop (erf);
	(erf) = vpow2.f32 v19;
	v18 =	vadd.f32 $1.000000000e+00, v27  }
0xa5: {  	v26 =	vld.idx.msk [tilespmem:v24+s6+$0x0], $0xffff;
	v22 =	vpop (erf);
	(erf) = vpow2.f32 v25;
	v25 =	vadd.f32 $1.000000000e+00, v50  }
0xa6: {  	v24 =	vld.idx.msk [tilespmem:v47+s6+$0x0], $0xffff  }
0xa7: {  	v39 =	vmul.f32 v21, v4;
	v30 =	vmul.f32 v21, v3;
	v21 =	vld.idx.msk [tilespmem:v43+s6+$0x0], $0xffff;
	v54 =	vpop (erf)  }
0xa8: {  	v19 =	vld.idx.msk [tilespmem:v34+s6+$0x0], $0xffff;
	v22 =	vadd.f32 $1.000000000e+00, v22;
	(erf) = vrcp.f32 v18;
	v18 =	vpop (erf)  }
0xa9: {  	v27 =	vld.idx.msk [tilespmem:v36+s6+$0x0], $0xffff;
	(erf) = vrcp.f32 v25;
	v25 =	vpop (erf)  }
0xaa: {  	s29 =	sand.u32 $0x1, s13;
	v40 =	vmul.f32 v26, v6;
	v34 =	vadd.f32 $1.000000000e+00, v54;
	(erf) = vrcp.f32 v22;
	v22 =	vld.idx.msk [tilespmem:v56+s6+$0x0], $0xffff;
	v26 =	vpop (erf)  }
0xab: {  	s30 =	smul.u32 $0x2C00, s29;
	v29 =	vmul.f32 v29, v6;
	v37 =	vmul.f32 v55, v6;
	v18 =	vadd.f32 $1.000000000e+00, v18;
	v56 =	vld.idx.msk [tilespmem:v58+s6+$0x0], $0xffff;
	v57 =	vpop (erf)  }
0xac: {  	v38 =	vmul.f32 v24, v5;
	(erf) = vrcp.f32 v34;
	v58 =	vadd.f32 $1.000000000e+00, v25;
	v25 =	vld.idx.msk [tilespmem:v42+s6+$0x0], $0xffff;
	[dreg:$0x12] =	wrdreg s13;
	v59 =	vpop (erf)  }
0xad: {  	s2 =	sshrl.u32 s30, $0x2;
	v36 =	vmul.f32 v23, v5;
	(erf) = vrcp.f32 v18;
	v44 =	vld.idx.msk [tilespmem:v44+s6+$0x0], $0xffff;
	[dreg:$0x1c] =	wrdreg s29;
	v18 =	vadd.f32 $1.000000000e+00, v59  }
0xae: {  	s31 =	sadd.s32 $0x1CB80, s2;
	v51 =	vmul.f32 v21, v5;
	v46 =	vmul.f32 v19, v5;
	v60 =	vadd.f32 $1.000000000e+00, v26;
	v26 =	vld.idx.msk [tilespmem:v45+s6+$0x0], $0xffff  }
0xaf: {  	v13 =	vmovc v0;
	v0 =	vmov s31;
	v50 =	vmul.f32 v27, v6;
	(erf) = vrcp.f32 v58;
	v43 =	vld.idx.msk [tilespmem:v49+s6+$0x0], $0xffff  }
0xb0: {  	v41 =	vadd.f32 $1.000000000e+00, v57;
	v42 =	vld.idx.msk [tilespmem:v48+s6+$0x0], $0xffff;
	v27 =	vpop (erf);
	v52 =	vmul.f32 v22, v5;
	(erf) = vrcp.f32 v18  }
0xb1: {  	v49 =	vadd.f32 $1.000000000e+00, v27;
	v27 =	vld.idx.msk [tilespmem:v35+s6+$0x0], $0xffff;
	v34 =	vmul.f32 v56, v6;
	[dreg:$0x1d] =	wrdreg s31;
	[tilespmem:$0x1FFF0] =	vst v0;
	v18 =	vpop (erf);
	(erf) = vrcp.f32 v60  }
0xb2: {  	v16 =	vmovc v15;
	v47 =	vadd.f32 v29, v38;
	v54 =	vmul.f32 v25, v5;
	v28 =	vld.idx.msk [tilespmem:v28+s6+$0x0], $0xffff;
	(erf) = vrcp.f32 v41  }
0xb3: {  	v45 =	vadd.f32 v40, v36;
	v55 =	vld.idx.msk [tilespmem:v32+s6+$0x0], $0xffff;
	v44 =	vmul.f32 v44, v6;
	v38 =	vmul.f32 v26, v5;
	v58 =	vpop (erf)  }
0xb4: {  	v43 =	vmul.f32 v43, v6;
	v57 =	vadd.f32 $1.000000000e+00, v18;
	(erf) = vrcp.f32 v49;
	v59 =	vpop (erf)  }
0xb5: {  	v29 =	vld.idx.msk [tilespmem:v31+s6+$0x0], $0xffff;
	v36 =	vmul.f32 v58, v1;
	v49 =	vadd.f32 v50, v46;
	v50 =	vadd.f32 v37, v51;
	v32 =	vpop (erf)  }
0xb6: {  	s21 =	smov.u32 s19;
	p2 =	por !p2, p1;
	v48 =	vld.idx.msk [tilespmem:v33+s6+$0x0], $0xffff;
	v56 =	vmul.f32 v27, v5;
	v51 =	vadd.f32 v34, v52;
	v34 =	vmul.f32 v42, v6;
	v60 =	vpop (erf)  }
0xb7: {  	v14 =	vmov v11;
	s0 =	sadd.s32 $0xFFFFFFFF, s20;
	s4 =	sadd.s32 @!p3 $0x1, s19;
	p3 =	seq.s32 s20, $0x0;
	v40 =	vld [tilespmem:s14+$0xFFFFFFB0];
	(erf) = vrcp.f32 v57;
	v35 =	vmul.f32 v59, v1;
	v33 =	vpop (erf)  }
0xb8: {  	s19 =	smov.u32 @p2 s4;
	s0 =	simm.s32 @p3 $0x46;
	v41 =	vld [tilespmem:s14+$0xFFFFFFC0];
	[dreg:$0x19] =	wrdreg s20;
	v52 =	vadd.f32 v44, v54;
	v57 =	vmul.f32 v28, v5;
	v58 =	vmul.f32 v55, v6;
	v59 =	vpop (erf)  }
0xb9: {  	s16 =	simm.s32 $0x0;
	s19 =	smov.u32 @p1 s21;
	v42 =	vld [tilespmem:s14+$0xFFFFFFD0];
	[dreg:$0x1e] =	wrdreg s0;
	v54 =	vadd.f32 v43, v38;
	v31 =	vmul.f32 v32, v1;
	v32 =	vmul.f32 v60, v1;
	v60 =	vpop (erf)  }
0xba: {  	s16 =	simm.s32 @p2 $0x1;
	s13 =	sadd.s32 $0x1CBD0, s2;
	v43 =	vld [tilespmem:s14+$0xFFFFFFE0];
	[dreg:$0x16] =	wrdreg s19;
	v55 =	vadd.f32 v34, v56;
	v56 =	vmul.f32 v29, v5;
	v33 =	vmul.f32 v33, v1;
	v37 =	vpop (erf)  }
0xbb: {  	v15 =	vmov v7;
	s16 =	simm.s32 @p1 $0x0;
	s21 =	smov.u32 s13;
	[tilespmem:s13+$0x40] =	vst v53;
	v44 =	vld [tilespmem:s14+$0xFFFFFFF0];
	v34 =	vmul.f32 v59, v1;
	v46 =	vmul.f32 v60, v1;
	v38 =	vpop (erf)  }
.LBB2_3:
0xbc: {  	s2 =	sadd.s32 $0x130, s18;
	v53 =	vld [tilespmem:s14+$0x0];
	s10 =	smov.u32 s18;
	s18 =	sadd.s32 $0xB0, s18;
	v37 =	vmul.f32 v37, v1;
	v38 =	vmul.f32 v38, v1  }
0xbd: {  	v9 =	vmovc v61;
	v61 =	vld [tilespmem:s14+$0x10];
	s13 =	sadd.s32 $0xB0, s13;
	s11 =	sadd.s32 $0x160, s11;
	v57 =	vadd.f32 v58, v57;
	v20 =	vmul.f32 v46, v20;
	s4 =	sadd.s32 $0xC0, s10;
	v58 =	vmul.f32 v48, v6  }
0xbe: {  	v12 =	vmovc v10;
	v10 =	vmov v62;
	s5 =	sadd.s32 $0xD0, s10;
	s7 =	sadd.s32 $0xE0, s10;
	s8 =	sadd.s32 $0xF0, s10;
	v59 =	vmul.f32 v40, v4;
	v60 =	vmul.f32 v41, v4  }
0xbf: {  	s9 =	sadd.s32 $0x100, s10;
	s28 =	sadd.s32 $0x110, s10;
	s17 =	sadd.s32 $0x120, s10;
	v39 =	vadd.f32 v57, v39;
	[tilespmem:s13+$0x40] =	vst v20;
	v57 =	vld [tilespmem:s14+$0x50];
	v62 =	vmul.f32 v42, v4;
	v20 =	vadd.f32 v58, v56  }
0xc0: {  	s29 =	sadd.s32 $0x150, s10;
	s20 =	sand.u32 $0x70, s18;
	s30 =	sand.u32 $0x1F80, s2;
	v45 =	vadd.f32 v45, v59;
	v47 =	vadd.f32 v47, v60;
	v60 =	vmul.f32 v44, v4  }
0xc1: {  	s15 =	sadd.s32 $0xFFFFFFE0, s11;
	s10 =	sadd.s32 $0x140, s10;
	s22 =	sand.u32 $0x70, s5;
	v56 =	vmul.f32 v43, v4;
	v49 =	vadd.f32 v49, v62;
	v59 =	vadd.f32 v39, v2  }
0xc2: {  	s5 =	sand.u32 $0x70, s9;
	s9 =	sor.u32 s20, s30;
	s30 =	sand.u32 $0x3F00, s15;
	v62 =	vmul.f32 v53, v4;
	v51 =	vadd.f32 v51, v60;
	v60 =	vmul.f32 v61, v4  }
0xc3: {  	v11 =	vmovc v63;
	v35 =	vmul.f32 v35, v14;
	s10 =	sand.u32 $0x70, s10;
	s30 =	sadd.s32 s30, s26;
	v39 =	vadd.f32 v45, v2;
	v45 =	vadd.f32 v50, v56  }
0xc4: {  	v63 =	vld [tilespmem:s14+$0x20];
	v46 =	vpop (erf);
	s10 =	sadd.s32 s10, s30;
	v50 =	vadd.f32 v52, v62;
	v54 =	vadd.f32 v54, v60;
	v60 =	vmul.f32 v57, v4  }
0xc5: {  	v46 =	vmul.f32 v46, v1;
	v40 =	vmul.f32 v40, v3;
	v18 =	vld [tilespmem:s10+$0x80]  }
0xc6: {  	v48 =	vpop (erf);
	v41 =	vmul.f32 v41, v3;
	v50 =	vadd.f32 v50, v2;
	v20 =	vadd.f32 v20, v60  }
0xc7: {  	s23 =	sadd.s32 $0xFFFFFEE0, s11;
	v42 =	vmul.f32 v42, v3;
	v48 =	vmul.f32 v48, v1  }
0xc8: {  	s4 =	sand.u32 $0x70, s4;
	s19 =	sand.u32 $0x70, s7;
	s2 =	sand.u32 $0x70, s8;
	v43 =	vmul.f32 v43, v3;
	v17 =	vadd.f32 v20, v2;
	v20 =	vmul.f32 $9.999999770e-03, v50  }
0xc9: {  	s8 =	sand.u32 $0x70, s28;
	s7 =	sand.u32 $0x70, s29;
	s29 =	sand.u32 $0x3F00, s23;
	v47 =	vadd.f32 v47, v2;
	v62 =	vmul.f32 v63, v4;
	v8 =	vmul.f32 $9.999999770e-03, v59  }
0xca: {  	s28 =	sand.u32 $0x70, s17;
	s17 =	sadd.s32 $0xFFFFFEC0, s11;
	s29 =	sadd.s32 s29, s26;
	v44 =	vmul.f32 v44, v3;
	v49 =	vadd.f32 v49, v2;
	v50 =	vmax.f32 v50, v20;
	v20 =	vld [tilespmem:$0x1FFE0]  }
0xcb: {  	s3 =	sadd.s32 $0xFFFFFF40, s11;
	s17 =	sand.u32 $0x1F00, s17;
	s29 =	sadd.s32 s4, s29;
	v52 =	vadd.f32 v55, v62;
	v55 =	vmul.f32 $9.999999770e-03, v47;
	v8 =	vmax.f32 v59, v8;
	v60 =	vld [tilespmem:s10+$0x0]  }
0xcc: {  	s15 =	sadd.s32 $0xFFFFFF60, s11;
	s30 =	sadd.s32 $0xFFFFFF80, s11;
	s17 =	sadd.s32 s17, s26;
	v56 =	vmul.f32 $9.999999770e-03, v49;
	v8 =	vadd.f32 v8, v30;
	v30 =	vmul.f32 v36, v16;
	v36 =	vld [tilespmem:s29+$0x80]  }
0xcd: {  	s23 =	sand.u32 $0x3F00, s15;
	s15 =	sand.u32 $0x3F00, s30;
	s17 =	sadd.s32 s20, s17;
	v58 =	vmul.f32 $9.999999770e-03, v39;
	v51 =	vadd.f32 v51, v2;
	v47 =	vmax.f32 v47, v55;
	v18 =	vld.idx.msk [tilespmem:v18+s6+$0x0], $0xffff  }
0xce: {  	s3 =	sand.u32 $0x3F00, s3;
	s14 =	sadd.s32 $0xB0, s14;
	s15 =	sadd.s32 s15, s26;
	v45 =	vadd.f32 v45, v2;
	v49 =	vmax.f32 v49, v56;
	v41 =	vadd.f32 v47, v41;
	v47 =	vld [tilespmem:s17+$0x0]  }
0xcf: {  	s3 =	sadd.s32 s3, s26;
	s8 =	sadd.s32 s8, s15;
	v0 =	vmul.f32 $9.999999770e-03, v51;
	v58 =	vmax.f32 v39, v58;
	v42 =	vadd.f32 v49, v42;
	v49 =	vld [tilespmem:s14+$0x40]  }
0xd0: {  	s4 =	sadd.s32 s2, s3;
	v63 =	vmul.f32 v63, v3;
	v54 =	vadd.f32 v54, v2;
	v40 =	vadd.f32 v58, v40;
	v58 =	vld [tilespmem:s8+$0x80]  }
0xd1: {  	s31 =	sadd.s32 $0xFFFFFF00, s11;
	v62 =	vmul.f32 $9.999999770e-03, v45;
	v0 =	vmax.f32 v51, v0;
	v51 =	vmul.f32 v53, v3;
	v53 =	vld [tilespmem:s4+$0x0]  }
0xd2: {  	s1 =	sadd.s32 $0xFFFFFF20, s11;
	s31 =	sand.u32 $0x3F00, s31;
	v57 =	vmul.f32 v57, v3;
	v52 =	vadd.f32 v52, v2;
	v8 =	vsub.f32 $0.0e+00, v8;
	v39 =	vld.idx.msk [tilespmem:v20+s9+$0x0 ss:$0x1], $0xffff  }
0xd3: {  	s1 =	sand.u32 $0x3F00, s1;
	s31 =	sadd.s32 s31, s26;
	v16 =	vmovc v23;
	v7 =	vmul.f32 $9.999999770e-03, v54;
	v45 =	vmax.f32 v45, v62;
	v23 =	vsub.f32 $0.0e+00, v40;
	v20 =	vld.idx.msk [tilespmem:v60+s6+$0x0], $0xffff  }
0xd4: {  	s1 =	sadd.s32 s1, s26;
	s31 =	sadd.s32 s22, s31;
	v55 =	vmul.f32 $9.999999770e-03, v52;
	v62 =	vmul.f32 v61, v3;
	v43 =	vadd.f32 v45, v43;
	v45 =	vld [tilespmem:s17+$0x80]  }
0xd5: {  	s1 =	sadd.s32 s19, s1;
	v0 =	vadd.f32 v0, v44;
	v61 =	vsub.f32 $0.0e+00, v41;
	v41 =	vld [tilespmem:s31+$0x0];
	v23 =	vmul.f32 $1.442695020e+00, v23  }
0xd6: {  	s23 =	sadd.s32 s23, s26;
	v42 =	vsub.f32 $0.0e+00, v42;
	v44 =	vld [tilespmem:s1+$0x80];
	v8 =	vmul.f32 $1.442695020e+00, v8;
	v56 =	vmul.f32 $9.999999770e-03, v17  }
0xd7: {  	s5 =	sadd.s32 s5, s23;
	v7 =	vmax.f32 v54, v7;
	v59 =	vadd.f32 v50, v51;
	(erf) = vpow2.f32 v23;
	v23 =	vld [tilespmem:$0x1FFC0]  }
0xd8: {  	v14 =	vmovc v24;
	v54 =	vld [tilespmem:s5+$0x0];
	v7 =	vadd.f32 v7, v62;
	v18 =	vmul.f32 v18, v6;
	v24 =	vmul.f32 v20, v5  }
0xd9: {  	[tilespmem:s21+$0xFFFFFFB0] =	vst v30;
	v52 =	vmax.f32 v52, v55;
	v55 =	vld [tilespmem:s5+$0x80];
	v30 =	vsub.f32 $0.0e+00, v43;
	v0 =	vsub.f32 $0.0e+00, v0  }
0xda: {  	s0 =	sadd.s32 $0xFFFFFFA0, s11;
	v51 =	vld [tilespmem:s29+$0x0];
	v17 =	vmax.f32 v17, v56;
	v18 =	vadd.f32 v18, v24;
	v24 =	vmul.f32 v49, v4  }
0xdb: {  	s0 =	sand.u32 $0x3F00, s0;
	[tilespmem:s21+$0xFFFFFFC0] =	vst v35;
	v35 =	vld [tilespmem:s1+$0x0];
	v40 =	vmul.f32 $1.442695020e+00, v61;
	v17 =	vadd.f32 v17, v57;
	v62 =	vsub.f32 $0.0e+00, v59  }
0xdc: {  	s0 =	sadd.s32 s0, s26;
	v7 =	vsub.f32 $0.0e+00, v7;
	v23 =	vmul.f32 v31, v23;
	v31 =	vmovc v19;
	v19 =	vld [tilespmem:$0x1FFD0];
	v18 =	vadd.f32 v18, v24  }
0xdd: {  	s23 =	sadd.s32 s28, s0;
	v56 =	vld [tilespmem:s8+$0x0];
	v30 =	vmul.f32 $1.442695020e+00, v30;
	v0 =	vmul.f32 $1.442695020e+00, v0;
	v17 =	vsub.f32 $0.0e+00, v17  }
0xde: {  	s24 =	sadd.s32 $0xFFFFFFC0, s11;
	v59 =	vld [tilespmem:s23+$0x0];
	(erf) = vpow2.f32 v40;
	v43 =	vmul.f32 $1.442695020e+00, v62;
	v18 =	vadd.f32 v18, v2  }
0xdf: {  	s24 =	sand.u32 $0x3F00, s24;
	v7 =	vmul.f32 $1.442695020e+00, v7;
	v17 =	vmul.f32 $1.442695020e+00, v17;
	v60 =	vadd.f32 v52, v63;
	v52 =	vld [tilespmem:s31+$0x80]  }
0xe0: {  	s24 =	sadd.s32 s24, s26;
	[tilespmem:$0x1FFC0] =	vst v31;
	v31 =	vld [tilespmem:s23+$0x80];
	v24 =	vmul.f32 $1.442695020e+00, v42;
	v63 =	vmul.f32 $9.999999770e-03, v18  }
0xe1: {  	s30 =	sand.u32 $0x3F00, s11;
	s28 =	sadd.s32 s20, s24;
	[tilespmem:s21+$0xFFFFFFD0] =	vst v23;
	v23 =	vld.idx.msk [tilespmem:v47+s6+$0x0], $0xffff;
	v19 =	vmul.f32 v32, v19;
	v49 =	vmul.f32 v49, v3  }
0xe2: {  	s30 =	sadd.s32 s30, s26;
	v50 =	vsub.f32 $0.0e+00, v60;
	v32 =	vld [tilespmem:s28+$0x0];
	(erf) = vpow2.f32 v24;
	v18 =	vmax.f32 v18, v63  }
0xe3: {  	s30 =	sadd.s32 s7, s30;
	[tilespmem:s21+$0xFFFFFFE0] =	vst v19;
	v19 =	vmul.f32 v37, v9;
	v9 =	vld [tilespmem:$0x1FFF0];
	(erf) = vpow2.f32 v30;
	v18 =	vadd.f32 v18, v49  }
0xe4: {  	v37 =	vld [tilespmem:s30+$0x80];
	(erf) = vpow2.f32 v0;
	v0 =	vmul.f32 v34, v11  }
0xe5: {  	v50 =	vmul.f32 $1.442695020e+00, v50;
	v42 =	vld [tilespmem:s4+$0x80];
	[tilespmem:s21+$0x10] =	vst v19;
	v24 =	vmovc v21;
	v21 =	vmul.f32 v33, v13;
	v18 =	vsub.f32 $0.0e+00, v18  }
0xe6: {  	v33 =	vld [tilespmem:s28+$0x80];
	(erf) = vpow2.f32 v43;
	[tilespmem:s21+$0x0] =	vst v0;
	v0 =	vmul.f32 v38, v10  }
0xe7: {  	v34 =	vld [tilespmem:s30+$0x0];
	[tilespmem:$0x1FFD0] =	vst v24;
	(erf) = vpow2.f32 v7;
	v18 =	vmul.f32 $1.442695020e+00, v18  }
0xe8: {  	v19 =	vpop (erf);
	v7 =	vld.idx.msk [tilespmem:v45+s6+$0x0], $0xffff;
	(erf) = vpow2.f32 v50;
	[tilespmem:s21+$0x20] =	vst v0;
	v0 =	vmul.f32 v48, v15  }
0xe9: {  	v61 =	vmovc v26;
	v11 =	vmul.f32 v46, v12;
	[tilespmem:s21+$0xFFFFFFF0] =	vst v21;
	v21 =	vadd.f32 $1.000000000e+00, v19;
	v19 =	vld.idx.msk [tilespmem:v41+s6+$0x0], $0xffff;
	(erf) = vpow2.f32 v18  }
0xea: {  	v62 =	vmov v27;
	v30 =	vmul.f32 v39, v3;
	v13 =	vmov v22;
	v22 =	vpop (erf);
	[tilespmem:s21+$0x50] =	vst v0;
	v0 =	vld.idx.msk [tilespmem:v52+s6+$0x0], $0xffff  }
0xeb: {  	v39 =	vmul.f32 v39, v4;
	v24 =	vld.idx.msk [tilespmem:v51+s6+$0x0], $0xffff;
	[tilespmem:v9+s25+$0x0 ss:$0x1] =	vst.idx.msk $0xffff, v11;
	v9 =	vadd.f32 $1.000000000e+00, v22;
	(erf) = vpow2.f32 v8  }
0xec: {  	v63 =	vmov v25;
	v25 =	vmul.f32 v23, v5;
	v8 =	vld.idx.msk [tilespmem:v36+s6+$0x0], $0xffff;
	(erf) = vpow2.f32 v17;
	v18 =	vpop (erf)  }
0xed: {  	v27 =	vld.idx.msk [tilespmem:v44+s6+$0x0], $0xffff;
	v15 =	vmov v29;
	v7 =	vmul.f32 v7, v6;
	(erf) = vrcp.f32 v21;
	v22 =	vpop (erf)  }
0xee: {  	v52 =	vmul.f32 v19, v5;
	v11 =	vadd.f32 $1.000000000e+00, v18;
	(erf) = vrcp.f32 v9;
	v17 =	vpop (erf)  }
0xef: {  	v45 =	vadd.f32 v7, v25;
	v0 =	vmul.f32 v0, v6;
	v21 =	vld.idx.msk [tilespmem:v35+s6+$0x0], $0xffff;
	v12 =	vadd.f32 $1.000000000e+00, v22;
	v18 =	vpop (erf)  }
0xf0: {  	v9 =	vmul.f32 v24, v5;
	v22 =	vld.idx.msk [tilespmem:v53+s6+$0x0], $0xffff;
	v17 =	vadd.f32 $1.000000000e+00, v17;
	(erf) = vrcp.f32 v11;
	v26 =	vpop (erf)  }
0xf1: {  	v18 =	vadd.f32 $1.000000000e+00, v18;
	v7 =	vmul.f32 v8, v6;
	v8 =	vld.idx.msk [tilespmem:v42+s6+$0x0], $0xffff;
	v29 =	vadd.f32 $1.000000000e+00, v26;
	v26 =	vpop (erf)  }
0xf2: {  	v25 =	vld.idx.msk [tilespmem:v54+s6+$0x0], $0xffff;
	v49 =	vadd.f32 v0, v52;
	v0 =	vmul.f32 v27, v6;
	(erf) = vrcp.f32 v12;
	v53 =	vpop (erf)  }
0xf3: {  	v47 =	vadd.f32 v7, v9;
	v7 =	vld.idx.msk [tilespmem:v55+s6+$0x0], $0xffff;
	(erf) = vrcp.f32 v17;
	v17 =	vadd.f32 $1.000000000e+00, v53  }
0xf4: {  	v10 =	vmov v28;
	v27 =	vld.idx.msk [tilespmem:v59+s6+$0x0], $0xffff;
	v55 =	vmul.f32 v21, v5;
	v28 =	vpop (erf);
	(erf) = vrcp.f32 v18  }
0xf5: {  	v58 =	vld.idx.msk [tilespmem:v58+s6+$0x0], $0xffff;
	v54 =	vadd.f32 $1.000000000e+00, v26;
	v9 =	vmul.f32 v22, v5;
	v18 =	vpop (erf);
	(erf) = vrcp.f32 v17  }
0xf6: {  	v26 =	vld.idx.msk [tilespmem:v56+s6+$0x0], $0xffff;
	v50 =	vadd.f32 v0, v55;
	v0 =	vmul.f32 v8, v6;
	v60 =	vpop (erf);
	(erf) = vrcp.f32 v29  }
0xf7: {  	v43 =	vmul.f32 v25, v5;
	v8 =	vld.idx.msk [tilespmem:v31+s6+$0x0], $0xffff;
	v31 =	vpop (erf);
	(erf) = vrcp.f32 v54  }
0xf8: {  	v57 =	vadd.f32 $1.000000000e+00, v28;
	v28 =	vld.idx.msk [tilespmem:v32+s6+$0x0], $0xffff;
	v51 =	vadd.f32 v0, v9;
	v0 =	vmul.f32 v7, v6  }
0xf9: {  	v18 =	vadd.f32 $1.000000000e+00, v18;
	v7 =	vld.idx.msk [tilespmem:v33+s6+$0x0], $0xffff;
	v36 =	vmul.f32 v60, v1;
	v60 =	vmul.f32 v27, v5  }
0xfa: {  	v29 =	vld.idx.msk [tilespmem:v34+s6+$0x0], $0xffff;
	v44 =	vpop (erf);
	(erf) = vrcp.f32 v57;
	v52 =	vadd.f32 v0, v43;
	v0 =	vmul.f32 v58, v6  }
0xfb: {  	p2 =	slt.u32 s18, $0xA50;
	v40 =	vld [tilespmem:s14+$0xFFFFFFB0];
	v17 =	vpop (erf);
	(erf) = vrcp.f32 v18;
	v18 =	vmul.f32 v26, v5  }
.Ltmp0:
0xfc: {  	v41 =	vld [tilespmem:s14+$0xFFFFFFC0];
	v35 =	vmul.f32 v31, v1;
	v31 =	vmul.f32 v44, v1;
	v46 =	vpop (erf);
	(pc) =	sbr.rel @p2 .LBB2_3-.Ltmp0, $4  }
0xfd: {  	v48 =	vld.idx.msk [tilespmem:v37+s6+$0x0], $0xffff;
	v32 =	vmul.f32 v17, v1;
	v54 =	vadd.f32 v0, v18;
	v0 =	vmul.f32 v8, v6;
	v8 =	vpop (erf)  }
0xfe: {  	v42 =	vld [tilespmem:s14+$0xFFFFFFD0];
	v57 =	vmul.f32 v28, v5;
	v58 =	vmul.f32 v7, v6;
	v17 =	vpop (erf)  }
0xff: {  	v43 =	vld [tilespmem:s14+$0xFFFFFFE0];
	v56 =	vmul.f32 v29, v5;
	v33 =	vmul.f32 v46, v1;
	v37 =	vpop (erf)  }
0x100: {  	s25 =	smov.u32 s12;
	s12 =	smov.u32 s9;
	s21 =	smov.u32 s13;
	v44 =	vld [tilespmem:s14+$0xFFFFFFF0];
	v55 =	vadd.f32 v0, v60;
	v34 =	vmul.f32 v8, v1;
	v46 =	vmul.f32 v17, v1;
	v38 =	vpop (erf)  }
0x101: {  	v0 =	vadd.f32 v58, v57  }
0x102: {  	v17 =	vmul.f32 v40, v4;
	v18 =	vmul.f32 v41, v4  }
0x103: {  	v7 =	vld [tilespmem:s14+$0x0];
	v8 =	vmul.f32 v48, v6;
	v53 =	vmul.f32 v42, v4;
	v0 =	vadd.f32 v0, v39  }
0x104: {  	v48 =	vld [tilespmem:s14+$0x10];
	v17 =	vadd.f32 v45, v17;
	v18 =	vadd.f32 v47, v18  }
0x105: {  	v39 =	vld [tilespmem:s14+$0x20];
	v8 =	vadd.f32 v8, v56;
	v58 =	vmul.f32 v43, v4;
	v49 =	vadd.f32 v49, v53  }
0x106: {  	v47 =	vld [tilespmem:s14+$0x50];
	v59 =	vmul.f32 v44, v4;
	v0 =	vadd.f32 v0, v2;
	v17 =	vadd.f32 v17, v2  }
0x107: {  	v40 =	vmul.f32 v40, v3;
	v18 =	vadd.f32 v18, v2;
	v45 =	vadd.f32 v50, v58  }
0x108: {  	v60 =	vmul.f32 v7, v4;
	v7 =	vmul.f32 v7, v3;
	v51 =	vadd.f32 v51, v59  }
0x109: {  	v9 =	vmul.f32 v48, v4;
	v49 =	vadd.f32 v49, v2;
	v48 =	vmul.f32 v48, v3  }
0x10a: {  	v50 =	vadd.f32 v52, v60;
	v11 =	vmul.f32 v39, v4;
	v45 =	vadd.f32 v45, v2  }
0x10b: {  	v12 =	vmul.f32 v47, v4;
	v60 =	vmul.f32 $9.999999770e-03, v17;
	v53 =	vadd.f32 v54, v9  }
0x10c: {  	v39 =	vmul.f32 v39, v3;
	v51 =	vadd.f32 v51, v2;
	v52 =	vadd.f32 v55, v11  }
0x10d: {  	v55 =	vmul.f32 $9.999999770e-03, v18;
	v50 =	vadd.f32 v50, v2;
	v8 =	vadd.f32 v8, v12  }
0x10e: {  	v12 =	vmul.f32 $9.999999770e-03, v49;
	v57 =	vmul.f32 $9.999999770e-03, v45;
	v17 =	vmax.f32 v17, v60  }
0x10f: {  	v11 =	vmul.f32 v41, v3;
	v53 =	vadd.f32 v53, v2;
	v17 =	vadd.f32 v17, v40  }
0x110: {  	v58 =	vmul.f32 $9.999999770e-03, v51;
	v52 =	vadd.f32 v52, v2;
	v8 =	vadd.f32 v8, v2  }
0x111: {  	v59 =	vmul.f32 $9.999999770e-03, v50;
	v18 =	vmax.f32 v18, v55;
	v55 =	vmul.f32 $9.999999770e-03, v0  }
0x112: {  	v49 =	vmax.f32 v49, v12;
	v12 =	vmul.f32 v42, v3;
	v45 =	vmax.f32 v45, v57  }
0x113: {  	v57 =	vmul.f32 v43, v3;
	v56 =	vmul.f32 $9.999999770e-03, v53;
	v51 =	vmax.f32 v51, v58  }
0x114: {  	v58 =	vmul.f32 v44, v3;
	v18 =	vadd.f32 v18, v11;
	v17 =	vsub.f32 $0.0e+00, v17  }
0x115: {  	v60 =	vmul.f32 $9.999999770e-03, v52;
	v9 =	vmul.f32 $9.999999770e-03, v8;
	v50 =	vmax.f32 v50, v59  }
0x116: {  	v59 =	vmul.f32 v47, v3;
	v12 =	vadd.f32 v49, v12;
	v49 =	vadd.f32 v45, v57  }
0x117: {  	v0 =	vmax.f32 v0, v55;
	v44 =	vadd.f32 v51, v58;
	v7 =	vadd.f32 v50, v7  }
0x118: {  	v53 =	vmax.f32 v53, v56;
	v18 =	vsub.f32 $0.0e+00, v18;
	v0 =	vadd.f32 v0, v30  }
0x119: {  	v17 =	vmul.f32 $1.442695020e+00, v17;
	v52 =	vmax.f32 v52, v60;
	v56 =	vadd.f32 v53, v48  }
0x11a: {  	v8 =	vmax.f32 v8, v9;
	v57 =	vsub.f32 $0.0e+00, v12;
	v58 =	vsub.f32 $0.0e+00, v49  }
0x11b: {  	v39 =	vadd.f32 v52, v39;
	v8 =	vadd.f32 v8, v59  }
0x11c: {  	v18 =	vmul.f32 $1.442695020e+00, v18;
	v59 =	vsub.f32 $0.0e+00, v44;
	(erf) = vpow2.f32 v17  }
0x11d: {  	v7 =	vsub.f32 $0.0e+00, v7;
	v30 =	vmul.f32 $1.442695020e+00, v57;
	v60 =	vmul.f32 $1.442695020e+00, v58  }
0x11e: {  	v0 =	vsub.f32 $0.0e+00, v0;
	(erf) = vpow2.f32 v18;
	v11 =	vmul.f32 $1.442695020e+00, v59  }
0x11f: {  	v9 =	vsub.f32 $0.0e+00, v56;
	v7 =	vmul.f32 $1.442695020e+00, v7;
	(erf) = vpow2.f32 v30  }
0x120: {  	v12 =	vsub.f32 $0.0e+00, v39;
	v0 =	vmul.f32 $1.442695020e+00, v0;
	(erf) = vpow2.f32 v60  }
0x121: {  	v39 =	vmul.f32 $1.442695020e+00, v9;
	(erf) = vpow2.f32 v11  }
0x122: {  	v40 =	vmul.f32 $1.442695020e+00, v12;
	(erf) = vpow2.f32 v7  }
0x123: {  	v7 =	vpop (erf);
	(erf) = vpow2.f32 v39  }
0x124: {  	v41 =	vpop (erf);
	(erf) = vpow2.f32 v40  }
0x125: {  	v8 =	vsub.f32 $0.0e+00, v8;
	(erf) = vpow2.f32 v0;
	v0 =	vpop (erf)  }
0x126: {  	v0 =	vadd.f32 $1.000000000e+00, v0  }
0x127: {  	v8 =	vmul.f32 $1.442695020e+00, v8  }
0x128: {  	v9 =	vmul.f32 v36, v16;
	v42 =	vpop (erf)  }
0x129: {  	(erf) = vpow2.f32 v8;
	v8 =	vmul.f32 v46, v20;
	v45 =	vpop (erf)  }
0x12a: {  	s2 =	sadd.s32 $0xB0, s13;
	[tilespmem:s21+$0xFFFFFFB0] =	vst v9;
	(erf) = vrcp.f32 v0;
	v0 =	vpop (erf)  }
0x12b: {  	v18 =	vadd.f32 $1.000000000e+00, v42;
	[tilespmem:s2+$0x40] =	vst v8;
	v8 =	vmul.f32 v35, v14;
	v0 =	vadd.f32 $1.000000000e+00, v0  }
0x12c: {  	v43 =	vmul.f32 v37, v1;
	v37 =	vadd.f32 $1.000000000e+00, v45;
	v9 =	vld [tilespmem:$0x1FFC0]  }
0x12d: {  	(erf) = vrcp.f32 v18;
	[tilespmem:s21+$0xFFFFFFC0] =	vst v8;
	v46 =	vpop (erf)  }
0x12e: {  	v50 =	vmul.f32 v33, v13;
	(erf) = vrcp.f32 v37;
	v8 =	vld [tilespmem:$0x1FFD0];
	v18 =	vadd.f32 $1.000000000e+00, v46;
	v47 =	vpop (erf)  }
0x12f: {  	v53 =	vmul.f32 v43, v61;
	v11 =	vadd.f32 $1.000000000e+00, v47;
	(erf) = vrcp.f32 v0;
	v0 =	vpop (erf)  }
0x130: {  	v44 =	vmul.f32 v38, v1;
	v0 =	vadd.f32 $1.000000000e+00, v0;
	v48 =	vpop (erf);
	(erf) = vrcp.f32 v18  }
0x131: {  	[tilespmem:s21+$0xFFFFFFF0] =	vst v50;
	v9 =	vmul.f32 v31, v9;
	v49 =	vpop (erf);
	(erf) = vrcp.f32 v11  }
0x132: {  	[tilespmem:s21+$0x10] =	vst v53;
	v52 =	vpop (erf);
	(erf) = vrcp.f32 v0;
	v0 =	vmul.f32 v34, v63  }
0x133: {  	v8 =	vmul.f32 v32, v8;
	[tilespmem:s21+$0xFFFFFFD0] =	vst v9  }
0x134: {  	[tilespmem:s21+$0x0] =	vst v0;
	v0 =	vmul.f32 v44, v62  }
0x135: {  	[tilespmem:s21+$0xFFFFFFE0] =	vst v8  }
0x136: {  	[tilespmem:s21+$0x20] =	vst v0  }
0x137: {  	v57 =	vld [tilespmem:$0x1FFF0]  }
0x138: {  	v7 =	vmul.f32 v7, v1;
	v12 =	vadd.f32 $1.000000000e+00, v48;
	v8 =	vadd.f32 $1.000000000e+00, v52  }
0x139: {  	v17 =	vmul.f32 v41, v1;
	v51 =	vadd.f32 $1.000000000e+00, v49  }
0x13a: {  	v7 =	vmul.f32 v7, v10;
	(erf) = vrcp.f32 v12;
	v54 =	vpop (erf)  }
0x13b: {  	(erf) = vrcp.f32 v51;
	v55 =	vmul.f32 v54, v1  }
0x13c: {  	(erf) = vrcp.f32 v8;
	v0 =	vmul.f32 v17, v15;
	v8 =	vpop (erf)  }
0x13d: {  	v8 =	vmul.f32 v8, v1  }
0x13e: {  	v9 =	vmul.f32 v55, v23;
	v56 =	vpop (erf)  }
0x13f: {  	v10 =	vmul.f32 v56, v1;
	v8 =	vmul.f32 v8, v24;
	[tilespmem:v57+s25+$0x0 ss:$0x1] =	vst.idx.msk $0xffff, v7;
	v7 =	vpop (erf)  }
0x140: {  	[tilespmem:s21+$0x50] =	vst v0;
	v0 =	vpop (erf);
	v7 =	vmul.f32 v7, v1  }
0x141: {  	[tilespmem:s2+$0xFFFFFFB0] =	vst v9;
	v59 =	vmul.f32 v10, v19;
	v58 =	vpop (erf);
	v0 =	vmul.f32 v0, v1  }
0x142: {  	[tilespmem:s2+$0xFFFFFFC0] =	vst v8;
	v60 =	vpop (erf);
	v11 =	vmul.f32 v58, v1;
	v7 =	vmul.f32 v7, v21  }
0x143: {  	[tilespmem:s2+$0xFFFFFFD0] =	vst v59;
	v8 =	vpop (erf);
	v10 =	vmul.f32 v60, v1;
	v0 =	vmul.f32 v0, v22  }
0x144: {  	v8 =	vmul.f32 v8, v1;
	[tilespmem:s2+$0xFFFFFFE0] =	vst v7;
	v7 =	vmul.f32 v11, v25  }
0x145: {  	v61 =	vpop (erf);
	[tilespmem:s2+$0xFFFFFFF0] =	vst v0;
	v0 =	vmul.f32 v10, v26  }
0x146: {  	v62 =	vpop (erf);
	v9 =	vmul.f32 v61, v1;
	[tilespmem:s2+$0x0] =	vst v7;
	v7 =	vmul.f32 v8, v27  }
0x147: {  	v63 =	vmul.f32 v62, v1;
	[tilespmem:s2+$0x10] =	vst v0  }
0x148: {  	v0 =	vmul.f32 v9, v28;
	[tilespmem:s2+$0x20] =	vst v7  }
0x149: {  	v7 =	vmul.f32 v63, v29;
	s7 =	rddreg [dreg:$0x18]  }
0x14a: {  	s0 =	rddreg [dreg:$0x19];
	[tilespmem:v57+s12+$0x0 ss:$0x1] =	vst.idx.msk $0xffff, v0  }
0x14b: {  	p2 =	sne.s32 s0, s7;
	[tilespmem:s2+$0x50] =	vst v7  }
0x14c: {  	p2 =	por p1, p2;
	s0 =	rddreg [dreg:$0x1a];
	_ =	strace $0x9000004D  }
0x14d: {  	s10 =	rddreg [dreg:$0x14];
	_ =	strace @p2 $0x8000004E  }
0x14e: {  	s1 =	rddreg [dreg:$0x1c]  }
0x14f: {  	s10 =	sadd.s32 s10, s16;
	s16 =	rddreg [dreg:$0x6]  }
0x150: {  	s3 =	rddreg [dreg:$0x1b]  }
0x151: {  	s4 =	rddreg [dreg:$0x1d]  }
0x152: {  	s0 =	smul.u32 @p2 $0xB00, s0;
	s17 =	rddreg [dreg:$0x7]  }
0x153: {  	s28 =	rddreg [dreg:$0x1e]  }
0x154: {  	s2 =	simm.s32 @p2 $0x0;
	s5 =	rddreg [dreg:$0x17];
	s0 =	sshrl.u32 @p2 s0, $0x3  }
0x155: {  	s1 =	sadd.s32 @p2 $0x5, s1;
	p1 =	seq.s32 s5, $0x0;
	s0 =	sadd.s32 @p2 s16, s0  }
0x156: {  	[hbm4b:s0+s2] =	stream.linear.scatter @p2 [tilespmem:s4], [sflag:s1], s3, $0x200038;
	[tilespmem:$0x1E180] =	vst v63  }
0x157: {  	s0 =	sadd.s32 s17, s28;
	s1 =	simm.s32 $0x1;
	_ =	strace @p2 $0x9000004E  }
0x158: {  	s1 =	simm.s32 @!p2 $0x0;
	p2 =	seq.s32 @!p1 s0, $0x8E0;
	s4 =	rddreg [dreg:$0x11]  }
0x159: {  	s2 =	simm.s32 @!p1 $0x800;
	p2 =	por !p2, p1;
	s0 =	sand.u32 @!p1 $0x1, s4  }
0x15a: {  	_ =	strace @!p1 $0x8000004F;
	s2 =	simm.s32 @p2 $0xB00;
	s0 =	sadd.s32 @!p1 $0x5, s0  }
0x15b: {  	s3 =	simm.s32 @!p1 $0xFFFFF800;
	s29 =	rddreg [dreg:$0x12];
	_ =	swait.ge @!p1 [sflag:s0], s2  }
0x15c: {  	s3 =	simm.s32 @p2 $0xFFFFF500;
	[sflag:s0] =	ssyncset.done @!p1 $0x0  }
0x15d: {  	p2 =	sne.s32 s5, $0x0;
	s5 =	sadd.s32 $0x1, s5;
	[sflag:s0] =	ssyncadd.s32 @!p1 s3  }
0x15e: {  	_ =	strace @!p1 $0x9000004F;
	p1 =	sne.s32 s5, $0x47  }
.Ltmp1:
0x15f: {  	_ = 	snop;
	(pc) =	sbr.rel @p1 .LBB2_2-.Ltmp1, $4  }
0x160: {  	s0 =	simm.s32 $0x1;
	s30 =	rddreg [dreg:$0x15]  }
0x161: {  	s20 =	smov.u32 s7;
	s0 =	simm.s32 @!p2 $0x0;
	s31 =	rddreg [dreg:$0x13]  }
0x162: {  	s13 =	sadd.s32 s1, s29;
	s4 =	sadd.s32 s0, s4;
	s15 =	rddreg [dreg:$0x1]  }
0x163: {  	s19 =	rddreg [dreg:$0x16];
	s3 =	sadd.s32 s1, s30;
	s1 =	sadd.s32 s1, s31  }
.Ltmp2:
0x164: {  	_ =	strace $0x80000050;
	s0 =	simm.s32 $0x5;
	(pc) =	sbr.rel @p0 .LBB2_7-.Ltmp2, $4  }
0x165: {  	_ =	swait.ge [sflag:s0], $0xB00  }
0x166: {  	[sflag:s0] =	ssyncset.done $0x0  }
0x167: {  	[sflag:s0] =	ssyncadd.s32 $0xFFFFF500  }
0x168: {  	s21 =	simm.s32 $0x1;
	_ =	strace $0x90000050  }
0x169: {  	s0 =	rddreg [dreg:$0xa];
	s1 =	simm.s32 $0x18780  }
0x16a: {  	[tilespmem:s1], [sflag:$0x1] =	stream.linear.gather [hbm4b:s0+s6], $0x100, $0x38;
	[tilespmem:$0x1E180] =	vst v63  }
0x16b: {  	_ =	swait.ge [sflag:s21], $0x100  }
0x16c: {  	[sflag:s21] =	ssyncset.done $0x0  }
0x16d: {  	s29 =	simm.s32 $0x18880;
	s28 =	rddreg [dreg:$0xb];
	[sflag:s21] =	ssyncadd.s32 $0xFFFFFF00  }
0x16e: {  	[tilespmem:s29], [sflag:$0x1] =	stream.linear.gather [hbm4b:s28+s6], $0x80, $0x38;
	[tilespmem:$0x1E180] =	vst v63  }
0x16f: {  	_ =	swait.ge [sflag:s21], $0x80  }
0x170: {  	[sflag:s21] =	ssyncset.done $0x0  }
0x171: {  	[sflag:s21] =	ssyncadd.s32 $0xFFFFFF80  }
0x172: {  	v0 =	vld [tilespmem:$0x18780]  }
0x173: {  	v7 =	vld [tilespmem:$0x18800];
	_ =	sdelay $0x6  }
0x174: {  	v0 =	vld.idx.msk [tilespmem:v0+s6+$0x0], $0xffff  }
0x175: {  	v7 =	vld.idx.msk [tilespmem:v7+s6+$0x0], $0xffff;
	_ =	sdelay $0x1  }
0x176: {  	v8 =	vld [tilespmem:$0x18880];
	_ =	sdelay $0x2  }
0x177: {  	v9 =	vmul.f32 v0, v5;
	v7 =	vmul.f32 v7, v6;
	_ =	sdelay $0x1  }
0x178: {  	v55 =	vmul.f32 v8, v4;
	v7 =	vadd.f32 v7, v9;
	_ =	sdelay $0x1  }
0x179: {  	v7 =	vadd.f32 v7, v55;
	_ =	sdelay $0x1  }
0x17a: {  	v7 =	vadd.f32 v7, v2;
	_ =	sdelay $0x1  }
0x17b: {  	v56 =	vmul.f32 $9.999999770e-03, v7  }
0x17c: {  	v8 =	vmul.f32 v8, v3  }
0x17d: {  	v7 =	vmax.f32 v7, v56  }
0x17e: {  	v7 =	vadd.f32 v7, v8;
	_ =	sdelay $0x1  }
0x17f: {  	v7 =	vsub.f32 $0.0e+00, v7;
	_ =	sdelay $0x1  }
0x180: {  	v7 =	vmul.f32 $1.442695020e+00, v7;
	_ =	sdelay $0x1  }
0x181: {  	(erf) = vpow2.f32 v7;
	_ =	sdelay $0x8  }
0x182: {  	v7 =	vpop (erf)  }
0x183: {  	v7 =	vadd.f32 $1.000000000e+00, v7;
	_ =	sdelay $0x1  }
0x184: {  	(erf) = vrcp.f32 v7;
	_ =	sdelay $0x6  }
0x185: {  	v57 =	vld [tilespmem:$0x18790]  }
0x186: {  	v58 =	vld [tilespmem:$0x18810]  }
0x187: {  	v59 =	vpop (erf)  }
0x188: {  	v9 =	vmul.f32 v59, v1;
	_ =	sdelay $0x1  }
0x189: {  	v0 =	vmul.f32 v9, v0;
	_ =	sdelay $0x1  }
0x18a: {  	[tilespmem:$0x18900] =	vst v0  }
0x18b: {  	v0 =	vld.idx.msk [tilespmem:v57+s6+$0x0], $0xffff  }
0x18c: {  	v60 =	vld.idx.msk [tilespmem:v58+s6+$0x0], $0xffff;
	_ =	sdelay $0x1  }
0x18d: {  	v61 =	vld [tilespmem:$0x18890];
	_ =	sdelay $0x2  }
0x18e: {  	v62 =	vmul.f32 v0, v5;
	v7 =	vmul.f32 v60, v6;
	_ =	sdelay $0x1  }
0x18f: {  	v63 =	vmul.f32 v61, v4;
	v7 =	vadd.f32 v7, v62;
	_ =	sdelay $0x1  }
0x190: {  	v7 =	vadd.f32 v7, v63;
	_ =	sdelay $0x1  }
0x191: {  	v7 =	vadd.f32 v7, v2;
	_ =	sdelay $0x1  }
0x192: {  	v12 =	vmul.f32 $9.999999770e-03, v7  }
0x193: {  	v8 =	vmul.f32 v61, v3  }
0x194: {  	v7 =	vmax.f32 v7, v12  }
0x195: {  	v7 =	vadd.f32 v7, v8;
	_ =	sdelay $0x1  }
0x196: {  	v7 =	vsub.f32 $0.0e+00, v7;
	_ =	sdelay $0x1  }
0x197: {  	v7 =	vmul.f32 $1.442695020e+00, v7;
	_ =	sdelay $0x1  }
0x198: {  	(erf) = vpow2.f32 v7;
	_ =	sdelay $0x8  }
0x199: {  	v7 =	vpop (erf)  }
0x19a: {  	v7 =	vadd.f32 $1.000000000e+00, v7;
	_ =	sdelay $0x1  }
0x19b: {  	(erf) = vrcp.f32 v7;
	_ =	sdelay $0x6  }
0x19c: {  	v13 =	vld [tilespmem:$0x187A0]  }
0x19d: {  	v14 =	vld [tilespmem:$0x18820]  }
0x19e: {  	v15 =	vpop (erf)  }
0x19f: {  	v9 =	vmul.f32 v15, v1;
	_ =	sdelay $0x1  }
0x1a0: {  	v0 =	vmul.f32 v9, v0;
	_ =	sdelay $0x1  }
0x1a1: {  	[tilespmem:$0x18910] =	vst v0  }
0x1a2: {  	v0 =	vld.idx.msk [tilespmem:v13+s6+$0x0], $0xffff  }
0x1a3: {  	v16 =	vld.idx.msk [tilespmem:v14+s6+$0x0], $0xffff;
	_ =	sdelay $0x1  }
0x1a4: {  	v17 =	vld [tilespmem:$0x188A0];
	_ =	sdelay $0x2  }
0x1a5: {  	v18 =	vmul.f32 v0, v5;
	v7 =	vmul.f32 v16, v6;
	_ =	sdelay $0x1  }
0x1a6: {  	v19 =	vmul.f32 v17, v4;
	v7 =	vadd.f32 v7, v18;
	_ =	sdelay $0x1  }
0x1a7: {  	v7 =	vadd.f32 v7, v19;
	_ =	sdelay $0x1  }
0x1a8: {  	v7 =	vadd.f32 v7, v2;
	_ =	sdelay $0x1  }
0x1a9: {  	v20 =	vmul.f32 $9.999999770e-03, v7  }
0x1aa: {  	v8 =	vmul.f32 v17, v3  }
0x1ab: {  	v7 =	vmax.f32 v7, v20  }
0x1ac: {  	v7 =	vadd.f32 v7, v8;
	_ =	sdelay $0x1  }
0x1ad: {  	v7 =	vsub.f32 $0.0e+00, v7;
	_ =	sdelay $0x1  }
0x1ae: {  	v7 =	vmul.f32 $1.442695020e+00, v7;
	_ =	sdelay $0x1  }
0x1af: {  	(erf) = vpow2.f32 v7;
	_ =	sdelay $0x8  }
0x1b0: {  	v7 =	vpop (erf)  }
0x1b1: {  	v7 =	vadd.f32 $1.000000000e+00, v7;
	_ =	sdelay $0x1  }
0x1b2: {  	(erf) = vrcp.f32 v7;
	_ =	sdelay $0x6  }
0x1b3: {  	v21 =	vld [tilespmem:$0x187B0]  }
0x1b4: {  	v22 =	vld [tilespmem:$0x18830]  }
0x1b5: {  	v23 =	vpop (erf)  }
0x1b6: {  	v9 =	vmul.f32 v23, v1;
	_ =	sdelay $0x1  }
0x1b7: {  	v0 =	vmul.f32 v9, v0;
	_ =	sdelay $0x1  }
0x1b8: {  	[tilespmem:$0x18920] =	vst v0  }
0x1b9: {  	v0 =	vld.idx.msk [tilespmem:v21+s6+$0x0], $0xffff  }
0x1ba: {  	v24 =	vld.idx.msk [tilespmem:v22+s6+$0x0], $0xffff;
	_ =	sdelay $0x1  }
0x1bb: {  	v25 =	vld [tilespmem:$0x188B0];
	_ =	sdelay $0x2  }
0x1bc: {  	v26 =	vmul.f32 v0, v5;
	v7 =	vmul.f32 v24, v6;
	_ =	sdelay $0x1  }
0x1bd: {  	v27 =	vmul.f32 v25, v4;
	v7 =	vadd.f32 v7, v26;
	_ =	sdelay $0x1  }
0x1be: {  	v7 =	vadd.f32 v7, v27;
	_ =	sdelay $0x1  }
0x1bf: {  	v7 =	vadd.f32 v7, v2;
	_ =	sdelay $0x1  }
0x1c0: {  	v28 =	vmul.f32 $9.999999770e-03, v7  }
0x1c1: {  	v8 =	vmul.f32 v25, v3  }
0x1c2: {  	v7 =	vmax.f32 v7, v28  }
0x1c3: {  	v7 =	vadd.f32 v7, v8;
	_ =	sdelay $0x1  }
0x1c4: {  	v7 =	vsub.f32 $0.0e+00, v7;
	_ =	sdelay $0x1  }
0x1c5: {  	v7 =	vmul.f32 $1.442695020e+00, v7;
	_ =	sdelay $0x1  }
0x1c6: {  	(erf) = vpow2.f32 v7;
	_ =	sdelay $0x8  }
0x1c7: {  	v7 =	vpop (erf)  }
0x1c8: {  	v7 =	vadd.f32 $1.000000000e+00, v7;
	_ =	sdelay $0x1  }
0x1c9: {  	(erf) = vrcp.f32 v7;
	_ =	sdelay $0x6  }
0x1ca: {  	v29 =	vld [tilespmem:$0x187C0]  }
0x1cb: {  	v30 =	vld [tilespmem:$0x18840]  }
0x1cc: {  	v31 =	vpop (erf)  }
0x1cd: {  	v9 =	vmul.f32 v31, v1;
	_ =	sdelay $0x1  }
0x1ce: {  	v0 =	vmul.f32 v9, v0;
	_ =	sdelay $0x1  }
0x1cf: {  	[tilespmem:$0x18930] =	vst v0  }
0x1d0: {  	v0 =	vld.idx.msk [tilespmem:v29+s6+$0x0], $0xffff  }
0x1d1: {  	v32 =	vld.idx.msk [tilespmem:v30+s6+$0x0], $0xffff;
	_ =	sdelay $0x1  }
0x1d2: {  	v33 =	vld [tilespmem:$0x188C0];
	_ =	sdelay $0x2  }
0x1d3: {  	v34 =	vmul.f32 v0, v5;
	v7 =	vmul.f32 v32, v6;
	_ =	sdelay $0x1  }
0x1d4: {  	v35 =	vmul.f32 v33, v4;
	v7 =	vadd.f32 v7, v34;
	_ =	sdelay $0x1  }
0x1d5: {  	v7 =	vadd.f32 v7, v35;
	_ =	sdelay $0x1  }
0x1d6: {  	v7 =	vadd.f32 v7, v2;
	_ =	sdelay $0x1  }
0x1d7: {  	v36 =	vmul.f32 $9.999999770e-03, v7  }
0x1d8: {  	v8 =	vmul.f32 v33, v3  }
0x1d9: {  	v7 =	vmax.f32 v7, v36  }
0x1da: {  	v7 =	vadd.f32 v7, v8;
	_ =	sdelay $0x1  }
0x1db: {  	v7 =	vsub.f32 $0.0e+00, v7;
	_ =	sdelay $0x1  }
0x1dc: {  	v7 =	vmul.f32 $1.442695020e+00, v7;
	_ =	sdelay $0x1  }
0x1dd: {  	(erf) = vpow2.f32 v7;
	_ =	sdelay $0x8  }
0x1de: {  	v7 =	vpop (erf)  }
0x1df: {  	v7 =	vadd.f32 $1.000000000e+00, v7;
	_ =	sdelay $0x1  }
0x1e0: {  	(erf) = vrcp.f32 v7;
	_ =	sdelay $0x6  }
0x1e1: {  	v37 =	vld [tilespmem:$0x187D0]  }
0x1e2: {  	v38 =	vld [tilespmem:$0x18850]  }
0x1e3: {  	v39 =	vpop (erf)  }
0x1e4: {  	v9 =	vmul.f32 v39, v1;
	_ =	sdelay $0x1  }
0x1e5: {  	v0 =	vmul.f32 v9, v0;
	_ =	sdelay $0x1  }
0x1e6: {  	[tilespmem:$0x18940] =	vst v0  }
0x1e7: {  	v0 =	vld.idx.msk [tilespmem:v37+s6+$0x0], $0xffff  }
0x1e8: {  	v40 =	vld.idx.msk [tilespmem:v38+s6+$0x0], $0xffff;
	_ =	sdelay $0x1  }
0x1e9: {  	v41 =	vld [tilespmem:$0x188D0];
	_ =	sdelay $0x2  }
0x1ea: {  	v42 =	vmul.f32 v0, v5;
	v7 =	vmul.f32 v40, v6;
	_ =	sdelay $0x1  }
0x1eb: {  	v43 =	vmul.f32 v41, v4;
	v7 =	vadd.f32 v7, v42;
	_ =	sdelay $0x1  }
0x1ec: {  	v7 =	vadd.f32 v7, v43;
	_ =	sdelay $0x1  }
0x1ed: {  	v7 =	vadd.f32 v7, v2;
	_ =	sdelay $0x1  }
0x1ee: {  	v44 =	vmul.f32 $9.999999770e-03, v7  }
0x1ef: {  	v8 =	vmul.f32 v41, v3  }
0x1f0: {  	v7 =	vmax.f32 v7, v44  }
0x1f1: {  	v7 =	vadd.f32 v7, v8;
	_ =	sdelay $0x1  }
0x1f2: {  	v7 =	vsub.f32 $0.0e+00, v7;
	_ =	sdelay $0x1  }
0x1f3: {  	v7 =	vmul.f32 $1.442695020e+00, v7;
	_ =	sdelay $0x1  }
0x1f4: {  	(erf) = vpow2.f32 v7;
	_ =	sdelay $0x8  }
0x1f5: {  	v7 =	vpop (erf)  }
0x1f6: {  	v7 =	vadd.f32 $1.000000000e+00, v7;
	_ =	sdelay $0x1  }
0x1f7: {  	(erf) = vrcp.f32 v7;
	_ =	sdelay $0x6  }
0x1f8: {  	v45 =	vld [tilespmem:$0x187E0]  }
0x1f9: {  	v46 =	vld [tilespmem:$0x18860]  }
0x1fa: {  	v47 =	vpop (erf)  }
0x1fb: {  	v9 =	vmul.f32 v47, v1;
	_ =	sdelay $0x1  }
0x1fc: {  	v0 =	vmul.f32 v9, v0;
	_ =	sdelay $0x1  }
0x1fd: {  	[tilespmem:$0x18950] =	vst v0  }
0x1fe: {  	v0 =	vld.idx.msk [tilespmem:v45+s6+$0x0], $0xffff  }
0x1ff: {  	v48 =	vld.idx.msk [tilespmem:v46+s6+$0x0], $0xffff;
	_ =	sdelay $0x1  }
0x200: {  	v49 =	vld [tilespmem:$0x188E0];
	_ =	sdelay $0x2  }
0x201: {  	v50 =	vmul.f32 v0, v5;
	v7 =	vmul.f32 v48, v6;
	_ =	sdelay $0x1  }
0x202: {  	v51 =	vmul.f32 v49, v4;
	v7 =	vadd.f32 v7, v50;
	_ =	sdelay $0x1  }
0x203: {  	v7 =	vadd.f32 v7, v51;
	_ =	sdelay $0x1  }
0x204: {  	v7 =	vadd.f32 v7, v2;
	_ =	sdelay $0x1  }
0x205: {  	v52 =	vmul.f32 $9.999999770e-03, v7  }
0x206: {  	v8 =	vmul.f32 v49, v3  }
0x207: {  	v7 =	vmax.f32 v7, v52  }
0x208: {  	v7 =	vadd.f32 v7, v8;
	_ =	sdelay $0x1  }
0x209: {  	v7 =	vsub.f32 $0.0e+00, v7;
	_ =	sdelay $0x1  }
0x20a: {  	v7 =	vmul.f32 $1.442695020e+00, v7;
	_ =	sdelay $0x1  }
0x20b: {  	(erf) = vpow2.f32 v7;
	_ =	sdelay $0x8  }
0x20c: {  	v7 =	vpop (erf)  }
0x20d: {  	v7 =	vadd.f32 $1.000000000e+00, v7;
	_ =	sdelay $0x1  }
0x20e: {  	(erf) = vrcp.f32 v7;
	_ =	sdelay $0x6  }
0x20f: {  	v53 =	vld [tilespmem:$0x187F0]  }
0x210: {  	v54 =	vld [tilespmem:$0x18870]  }
0x211: {  	v55 =	vpop (erf)  }
0x212: {  	v9 =	vmul.f32 v55, v1;
	_ =	sdelay $0x1  }
0x213: {  	v0 =	vmul.f32 v9, v0;
	_ =	sdelay $0x1  }
0x214: {  	[tilespmem:$0x18960] =	vst v0  }
0x215: {  	v0 =	vld.idx.msk [tilespmem:v53+s6+$0x0], $0xffff  }
0x216: {  	v56 =	vld.idx.msk [tilespmem:v54+s6+$0x0], $0xffff;
	_ =	sdelay $0x1  }
0x217: {  	v57 =	vld [tilespmem:$0x188F0];
	_ =	sdelay $0x2  }
0x218: {  	v58 =	vmul.f32 v0, v5;
	v59 =	vmul.f32 v56, v6;
	_ =	sdelay $0x1  }
0x219: {  	v60 =	vmul.f32 v57, v4;
	v5 =	vadd.f32 v59, v58;
	_ =	sdelay $0x1  }
0x21a: {  	v4 =	vadd.f32 v5, v60;
	_ =	sdelay $0x1  }
0x21b: {  	v61 =	vadd.f32 v4, v2;
	_ =	sdelay $0x1  }
0x21c: {  	v4 =	vmul.f32 $9.999999770e-03, v61  }
0x21d: {  	v62 =	vmul.f32 v57, v3  }
0x21e: {  	v2 =	vmax.f32 v61, v4  }
0x21f: {  	v2 =	vadd.f32 v2, v62;
	_ =	sdelay $0x1  }
0x220: {  	v2 =	vsub.f32 $0.0e+00, v2;
	_ =	sdelay $0x1  }
0x221: {  	v2 =	vmul.f32 $1.442695020e+00, v2;
	_ =	sdelay $0x1  }
0x222: {  	(erf) = vpow2.f32 v2;
	_ =	sdelay $0x8  }
0x223: {  	v2 =	vpop (erf)  }
0x224: {  	v2 =	vadd.f32 $1.000000000e+00, v2;
	_ =	sdelay $0x1  }
0x225: {  	(erf) = vrcp.f32 v2;
	_ =	sdelay $0x8  }
0x226: {  	v2 =	vpop (erf)  }
0x227: {  	v63 =	vmul.f32 v2, v1;
	_ =	sdelay $0x1  }
0x228: {  	v0 =	vmul.f32 v63, v0;
	_ =	sdelay $0x1  }
0x229: {  	s31 =	simm.s32 $0x18900;
	s30 =	rddreg [dreg:$0xc];
	[tilespmem:$0x18970] =	vst v0  }
0x22a: {  	[hbm4b:s30+s6] =	stream.linear.scatter [tilespmem:s31], [sflag:$0x1], $0x80, $0x38;
	[tilespmem:$0x1E180] =	vst v63  }
0x22b: {  	_ =	swait.ge [sflag:s21], $0x80  }
0x22c: {  	[sflag:s21] =	ssyncset.done $0x0  }
0x22d: {  	[sflag:s21] =	ssyncadd.s32 $0xFFFFFF80  }
.LBB2_7:
0x22e: {  	s0 =	simm.s32 $0x0;
	v0 =	vimm.f32 $0.0e+00  }
0x22f: {  	s1 =	simm.s32 $0x0;
	[tilespmem:s0+$0x0] =	vst v0  }
0x230: {  	s19 =	simm.s32 $0x18980;
	s20 =	simm.s32 $0x1B580;
	s18 =	rddreg [dreg:$0x8]  }
.LBB2_8:
0x231: {  	s1 =	sadd.s32 $0x10, s1  }
0x232: {  	p1 =	slt.u32 s1, $0x18690  }
.Ltmp3:
0x233: {  	_ = 	snop;
	(pc) =	sbr.rel @p1 .LBB2_8-.Ltmp3, $3  }
0x234: {  	_ =	sdelay $0x1  }
0x235: {  	s0 =	sadd.s32 $0x10, s0  }
0x236: {  	[tilespmem:s0+$0x0] =	vst v0  }
0x237: {  	_ =	strace $0x80000051;
	s10 =	simm.s32 $0x0;
	s1 =	simm.s32 $0x0  }
0x238: {  	[tilespmem:s19], [sflag:$0x1] =	stream.linear.gather [hbm4b:s18+s10], $0x1600, $0x200038;
	[tilespmem:$0x1E180] =	vst v63  }
0x239: {  	s3 =	simm.s32 $0x1;
	s5 =	simm.s32 $0x0;
	s0 =	rddreg [dreg:$0xd]  }
0x23a: {  	[tilespmem:s20], [sflag:$0x3] =	stream.linear.gather [hbm4b:s0+s10], $0xB00, $0x200038;
	[tilespmem:$0x1E180] =	vst v63  }
0x23b: {  	s9 =	simm.s32 $0x0;
	s0 =	simm.s32 $0x1;
	_ =	strace $0x90000051  }
.LBB2_10:
0x23c: {  	s11 =	sadd.s32 $0x1, s10  }
0x23d: {  	p1 =	seq.s32 s11, $0x47  }
0x23e: {  	s11 =	simm.s32 @p1 $0x0;
	p1 =	seq.s32 s9, $0x46  }
0x23f: {  	p2 =	seq.s32 @!p1 s10, s11  }
0x240: {  	p3 =	por p2, p1  }
0x241: {  	s2 =	sand.u32 @!p3 $0x1, s0;
	s7 =	sadd.s32 @!p3 s17, s11  }
0x242: {  	_ =	strace @!p3 $0x80000052;
	s12 =	simm.s32 @!p3 $0x1000;
	s4 =	smul.u32 @!p3 $0x5800, s2  }
0x243: {  	s13 =	simm.s32 @!p3 $0x0;
	p4 =	seq.s32 @!p3 s7, $0x8E0;
	s8 =	smul.u32 @!p3 $0x1600, s7  }
0x244: {  	s2 =	sadd.s32 @!p3 $0x1, s2;
	s7 =	smul.u32 @!p3 $0xB00, s7;
	p4 =	por @!p1 !p4, p2  }
0x245: {  	s4 =	sshrl.u32 @!p3 s4, $0x2;
	s8 =	sshrl.u32 @!p3 s8, $0x3;
	p4 =	por !p4, p1  }
0x246: {  	s4 =	sadd.s32 @!p3 $0x18980, s4;
	s8 =	sadd.s32 @!p3 s15, s8;
	s12 =	simm.s32 @!p4 $0x1600  }
0x247: {  	[tilespmem:s4], [sflag:s2] =	stream.linear.gather @!p3 [hbm4b:s8+s13], s12, $0x200038;
	[tilespmem:$0x1E180] =	vst v63  }
0x248: {  	s2 =	sand.u32 @!p3 $0x1, s3  }
0x249: {  	s26 =	sadd.s32 s17, s10;
	s7 =	sshrl.u32 @!p3 s7, $0x3;
	s4 =	smul.u32 @!p3 $0x2C00, s2  }
0x24a: {  	s28 =	sand.u32 $0x1, s5;
	s7 =	sadd.s32 @!p3 s16, s7;
	s8 =	simm.s32 @!p3 $0x800  }
0x24b: {  	_ =	strace @!p3 $0x90000052;
	s2 =	sadd.s32 @!p3 $0x3, s2;
	s4 =	sshrl.u32 @!p3 s4, $0x2  }
0x24c: {  	s8 =	simm.s32 @!p4 $0xB00;
	_ =	strace @!p3 $0x80000053;
	s4 =	sadd.s32 @!p3 $0x1B580, s4  }
0x24d: {  	[tilespmem:s4], [sflag:s2] =	stream.linear.gather @!p3 [hbm4b:s7+s13], s8, $0x200038;
	[tilespmem:$0x1E180] =	vst v63  }
0x24e: {  	p4 =	seq.s32 s26, $0x8E0;
	s4 =	simm.s32 $0x1000;
	_ =	strace @!p3 $0x90000053  }
0x24f: {  	s29 =	sadd.s32 $0x1, s28;
	s4 =	simm.s32 @!p4 $0x1600;
	_ =	strace $0x80000054  }
0x250: {  	s8 =	simm.s32 $0xFFFFF000;
	_ =	swait.ge [sflag:s29], s4  }
0x251: {  	s8 =	simm.s32 @!p4 $0xFFFFEA00;
	[sflag:s29] =	ssyncset.done $0x0  }
0x252: {  	[sflag:s29] =	ssyncadd.s32 s8  }
0x253: {  	s30 =	sand.u32 $0x1, s1;
	s7 =	simm.s32 $0x800;
	_ =	strace $0x90000054  }
0x254: {  	s31 =	sadd.s32 $0x3, s30;
	s7 =	simm.s32 @!p4 $0xB00;
	_ =	strace $0x80000055  }
0x255: {  	s12 =	simm.s32 $0xFFFFF800;
	_ =	swait.ge [sflag:s31], s7  }
0x256: {  	s12 =	simm.s32 @!p4 $0xFFFFF500;
	[sflag:s31] =	ssyncset.done $0x0  }
0x257: {  	[sflag:s31] =	ssyncadd.s32 s12  }
0x258: {  	p4 =	seq.s32 s28, $0x1;
	s7 =	simm.s32 $0x1A100;
	_ =	strace $0x90000055  }
0x259: {  	s7 =	simm.s32 @!p4 $0x18B00;
	_ =	strace $0x80000056  }
0x25a: {  	v0 =	vld [tilespmem:s7+$0x70]  }
0x25b: {  	p4 =	seq.s32 s30, $0x1;
	s12 =	simm.s32 $0x1C100;
	v1 =	vld [tilespmem:s7+$0xFFFFFF10]  }
0x25c: {  	s12 =	simm.s32 @!p4 $0x1B600;
	v2 =	vld [tilespmem:s7+$0xFFFFFF20]  }
0x25d: {  	v3 =	vld [tilespmem:s12+$0x70]  }
0x25e: {  	v4 =	vld [tilespmem:s7+$0xFFFFFF30]  }
0x25f: {  	v5 =	vld [tilespmem:s7+$0xFFFFFF40]  }
0x260: {  	v6 =	vld [tilespmem:s7+$0xFFFFFF50]  }
0x261: {  	v7 =	vld [tilespmem:s7+$0xFFFFFF60]  }
0x262: {  	v62 =	vld [tilespmem:s7+$0xFFFFFF70]  }
0x263: {  	v63 =	vld [tilespmem:s7+$0x0]  }
0x264: {  	v8 =	vld [tilespmem:s7+$0x10]  }
0x265: {  	v9 =	vld [tilespmem:s7+$0x20]  }
0x266: {  	v10 =	vld [tilespmem:s7+$0x30]  }
0x267: {  	v11 =	vld [tilespmem:s7+$0x40]  }
0x268: {  	v12 =	vld [tilespmem:s7+$0x50]  }
0x269: {  	v13 =	vld [tilespmem:s7+$0x60]  }
0x26a: {  	v14 =	vld [tilespmem:s7+$0xFFFFFF00]  }
0x26b: {  	v15 =	vld [tilespmem:s12+$0xFFFFFF80]  }
0x26c: {  	v16 =	vld [tilespmem:s12+$0xFFFFFF90]  }
0x26d: {  	v17 =	vld [tilespmem:s12+$0xFFFFFFA0]  }
0x26e: {  	v18 =	vld [tilespmem:s12+$0xFFFFFFB0]  }
0x26f: {  	v19 =	vld [tilespmem:s12+$0xFFFFFFC0]  }
0x270: {  	v20 =	vld [tilespmem:s12+$0xFFFFFFD0]  }
0x271: {  	v21 =	vld [tilespmem:s12+$0xFFFFFFE0]  }
0x272: {  	v22 =	vld [tilespmem:s12+$0xFFFFFFF0]  }
0x273: {  	v23 =	vld [tilespmem:s12+$0x0]  }
0x274: {  	v24 =	vld [tilespmem:s12+$0x10]  }
0x275: {  	v25 =	vld [tilespmem:s12+$0x20]  }
0x276: {  	v26 =	vld [tilespmem:s12+$0x30]  }
0x277: {  	v27 =	vld [tilespmem:s12+$0x40]  }
0x278: {  	v28 =	vld [tilespmem:s12+$0x50]  }
0x279: {  	v29 =	vld [tilespmem:s12+$0x60]  }
0x27a: {  	[tilespmem:v0+s6+$0x0] =	vst.idx.add.f32.msk $0xffff, v3  }
0x27b: {  	[tilespmem:v14+s6+$0x0] =	vst.idx.add.f32.msk $0xffff, v15  }
0x27c: {  	[tilespmem:v1+s6+$0x0] =	vst.idx.add.f32.msk $0xffff, v16  }
0x27d: {  	[tilespmem:v2+s6+$0x0] =	vst.idx.add.f32.msk $0xffff, v17  }
0x27e: {  	[tilespmem:v4+s6+$0x0] =	vst.idx.add.f32.msk $0xffff, v18  }
0x27f: {  	[tilespmem:v5+s6+$0x0] =	vst.idx.add.f32.msk $0xffff, v19  }
0x280: {  	[tilespmem:v6+s6+$0x0] =	vst.idx.add.f32.msk $0xffff, v20  }
0x281: {  	[tilespmem:v7+s6+$0x0] =	vst.idx.add.f32.msk $0xffff, v21  }
0x282: {  	[tilespmem:v62+s6+$0x0] =	vst.idx.add.f32.msk $0xffff, v22  }
0x283: {  	[tilespmem:v63+s6+$0x0] =	vst.idx.add.f32.msk $0xffff, v23  }
0x284: {  	[tilespmem:v8+s6+$0x0] =	vst.idx.add.f32.msk $0xffff, v24  }
0x285: {  	[tilespmem:v9+s6+$0x0] =	vst.idx.add.f32.msk $0xffff, v25  }
0x286: {  	s14 =	smov.u32 s0;
	[tilespmem:v10+s6+$0x0] =	vst.idx.add.f32.msk $0xffff, v26  }
0x287: {  	p2 =	por !p2, p1;
	s2 =	sadd.s32 @!p3 $0x1, s0;
	s13 =	simm.s32 $0x0;
	[tilespmem:v11+s6+$0x0] =	vst.idx.add.f32.msk $0xffff, v27  }
0x288: {  	s0 =	smov.u32 @p2 s2;
	s13 =	simm.s32 @p2 $0x1;
	s2 =	simm.s32 $0x0;
	[tilespmem:v12+s6+$0x0] =	vst.idx.add.f32.msk $0xffff, v28  }
0x289: {  	s0 =	smov.u32 @p1 s14;
	s13 =	simm.s32 @p1 $0x0;
	s4 =	sadd.s32 $0x200, s7;
	[tilespmem:v13+s6+$0x0] =	vst.idx.add.f32.msk $0xffff, v29  }
.LBB2_11:
0x28a: {  	v0 =	vld [tilespmem:s4+$0x70];
	s2 =	sadd.s32 $0x100, s2  }
0x28b: {  	v1 =	vld [tilespmem:s4+$0xFFFFFF10];
	p2 =	slt.u32 s2, $0xA00  }
0x28c: {  	s12 =	sadd.s32 $0x100, s12;
	v2 =	vld [tilespmem:s4+$0xFFFFFF20]  }
0x28d: {  	v3 =	vld [tilespmem:s12+$0x70]  }
0x28e: {  	v4 =	vld [tilespmem:s4+$0xFFFFFF30]  }
0x28f: {  	v5 =	vld [tilespmem:s4+$0xFFFFFF40]  }
0x290: {  	v6 =	vld [tilespmem:s4+$0xFFFFFF50]  }
0x291: {  	v7 =	vld [tilespmem:s4+$0xFFFFFF60]  }
0x292: {  	[tilespmem:v0+s6+$0x0] =	vst.idx.add.f32.msk $0xffff, v3  }
0x293: {  	v0 =	vld [tilespmem:s4+$0xFFFFFF70]  }
0x294: {  	v3 =	vld [tilespmem:s4+$0x0]  }
0x295: {  	v8 =	vld [tilespmem:s4+$0x10]  }
0x296: {  	v9 =	vld [tilespmem:s4+$0x20]  }
0x297: {  	v10 =	vld [tilespmem:s4+$0x30]  }
0x298: {  	v11 =	vld [tilespmem:s4+$0x40]  }
0x299: {  	v12 =	vld [tilespmem:s4+$0x50]  }
0x29a: {  	v13 =	vld [tilespmem:s4+$0x60]  }
0x29b: {  	v14 =	vld [tilespmem:s4+$0xFFFFFF00]  }
0x29c: {  	v15 =	vld [tilespmem:s12+$0xFFFFFF80]  }
0x29d: {  	v16 =	vld [tilespmem:s12+$0xFFFFFF90]  }
0x29e: {  	v17 =	vld [tilespmem:s12+$0xFFFFFFA0]  }
0x29f: {  	v18 =	vld [tilespmem:s12+$0xFFFFFFB0]  }
0x2a0: {  	v19 =	vld [tilespmem:s12+$0xFFFFFFC0]  }
0x2a1: {  	v20 =	vld [tilespmem:s12+$0xFFFFFFD0]  }
0x2a2: {  	v21 =	vld [tilespmem:s12+$0xFFFFFFE0]  }
0x2a3: {  	v22 =	vld [tilespmem:s12+$0xFFFFFFF0]  }
0x2a4: {  	v23 =	vld [tilespmem:s12+$0x0]  }
0x2a5: {  	v24 =	vld [tilespmem:s12+$0x10]  }
0x2a6: {  	v25 =	vld [tilespmem:s12+$0x20]  }
0x2a7: {  	v26 =	vld [tilespmem:s12+$0x30]  }
0x2a8: {  	v27 =	vld [tilespmem:s12+$0x40]  }
0x2a9: {  	v28 =	vld [tilespmem:s12+$0x50]  }
0x2aa: {  	v29 =	vld [tilespmem:s12+$0x60]  }
0x2ab: {  	[tilespmem:v14+s6+$0x0] =	vst.idx.add.f32.msk $0xffff, v15  }
0x2ac: {  	[tilespmem:v1+s6+$0x0] =	vst.idx.add.f32.msk $0xffff, v16  }
0x2ad: {  	[tilespmem:v2+s6+$0x0] =	vst.idx.add.f32.msk $0xffff, v17  }
0x2ae: {  	[tilespmem:v4+s6+$0x0] =	vst.idx.add.f32.msk $0xffff, v18  }
0x2af: {  	[tilespmem:v5+s6+$0x0] =	vst.idx.add.f32.msk $0xffff, v19  }
0x2b0: {  	[tilespmem:v6+s6+$0x0] =	vst.idx.add.f32.msk $0xffff, v20  }
0x2b1: {  	[tilespmem:v7+s6+$0x0] =	vst.idx.add.f32.msk $0xffff, v21  }
0x2b2: {  	[tilespmem:v0+s6+$0x0] =	vst.idx.add.f32.msk $0xffff, v22  }
0x2b3: {  	[tilespmem:v3+s6+$0x0] =	vst.idx.add.f32.msk $0xffff, v23  }
0x2b4: {  	[tilespmem:v8+s6+$0x0] =	vst.idx.add.f32.msk $0xffff, v24  }
.Ltmp4:
0x2b5: {  	[tilespmem:v9+s6+$0x0] =	vst.idx.add.f32.msk $0xffff, v25;
	(pc) =	sbr.rel @p2 .LBB2_11-.Ltmp4, $4  }
0x2b6: {  	[tilespmem:v10+s6+$0x0] =	vst.idx.add.f32.msk $0xffff, v26  }
0x2b7: {  	[tilespmem:v11+s6+$0x0] =	vst.idx.add.f32.msk $0xffff, v27  }
0x2b8: {  	[tilespmem:v12+s6+$0x0] =	vst.idx.add.f32.msk $0xffff, v28  }
0x2b9: {  	s4 =	sadd.s32 $0x200, s4;
	[tilespmem:v13+s6+$0x0] =	vst.idx.add.f32.msk $0xffff, v29  }
0x2ba: {  	p2 =	sne.s32 s10, s11  }
0x2bb: {  	s2 =	simm.s32 $0x1;
	s9 =	sadd.s32 $0x1, s9;
	p1 =	por p1, p2  }
0x2bc: {  	s2 =	simm.s32 @!p1 $0x0;
	p1 =	sne.s32 s9, $0x47  }
.Ltmp5:
0x2bd: {  	_ = 	snop;
	(pc) =	sbr.rel @p1 .LBB2_10-.Ltmp5, $3  }
0x2be: {  	_ =	sdelay $0x1  }
0x2bf: {  	s3 =	sadd.s32 s3, s13;
	_ =	strace $0x90000056  }
0x2c0: {  	s10 =	smov.u32 s11;
	s5 =	sadd.s32 s2, s5;
	s1 =	sadd.s32 s2, s1  }
0x2c1: {  	s0 =	simm.s32 @!p0 $0x0;
	s1 =	simm.s32 @!p0 $0x18780;
	s2 =	rddreg [dreg:$0xa]  }
0x2c2: {  	[tilespmem:s1], [sflag:$0x1] =	stream.linear.gather @!p0 [hbm4b:s2+s0], $0x100, $0x38;
	[tilespmem:$0x1E180] =	vst v63  }
0x2c3: {  	s1 =	simm.s32 @!p0 $0x1  }
0x2c4: {  	_ =	swait.ge @!p0 [sflag:s1], $0x100  }
0x2c5: {  	[sflag:s1] =	ssyncset.done @!p0 $0x0  }
0x2c6: {  	s2 =	simm.s32 @!p0 $0x18900;
	s3 =	rddreg [dreg:$0xc];
	[sflag:s1] =	ssyncadd.s32 @!p0 $0xFFFFFF00  }
0x2c7: {  	[tilespmem:s2], [sflag:$0x1] =	stream.linear.gather @!p0 [hbm4b:s3+s0], $0x80, $0x38;
	[tilespmem:$0x1E180] =	vst v63  }
0x2c8: {  	_ =	swait.ge @!p0 [sflag:s1], $0x80  }
0x2c9: {  	[sflag:s1] =	ssyncset.done @!p0 $0x0  }
0x2ca: {  	[sflag:s1] =	ssyncadd.s32 @!p0 $0xFFFFFF80  }
0x2cb: {  	v0 =	vld @!p0 [tilespmem:$0x18800];
	_ =	sdelay $0x2  }
0x2cc: {  	v1 =	vld @!p0 [tilespmem:$0x18900];
	_ =	sdelay $0x4  }
0x2cd: {  	[tilespmem:v0+s0+$0x0] =	vst.idx.add.f32.msk @!p0 $0xffff, v1  }
0x2ce: {  	v0 =	vld @!p0 [tilespmem:$0x18810];
	_ =	sdelay $0x2  }
0x2cf: {  	v1 =	vld @!p0 [tilespmem:$0x18910];
	_ =	sdelay $0x4  }
0x2d0: {  	[tilespmem:v0+s0+$0x0] =	vst.idx.add.f32.msk @!p0 $0xffff, v1  }
0x2d1: {  	v0 =	vld @!p0 [tilespmem:$0x18820];
	_ =	sdelay $0x2  }
0x2d2: {  	v1 =	vld @!p0 [tilespmem:$0x18920];
	_ =	sdelay $0x4  }
0x2d3: {  	[tilespmem:v0+s0+$0x0] =	vst.idx.add.f32.msk @!p0 $0xffff, v1  }
0x2d4: {  	v0 =	vld @!p0 [tilespmem:$0x18830];
	_ =	sdelay $0x2  }
0x2d5: {  	v1 =	vld @!p0 [tilespmem:$0x18930];
	_ =	sdelay $0x4  }
0x2d6: {  	[tilespmem:v0+s0+$0x0] =	vst.idx.add.f32.msk @!p0 $0xffff, v1  }
0x2d7: {  	v0 =	vld @!p0 [tilespmem:$0x18840];
	_ =	sdelay $0x2  }
0x2d8: {  	v1 =	vld @!p0 [tilespmem:$0x18940];
	_ =	sdelay $0x4  }
0x2d9: {  	[tilespmem:v0+s0+$0x0] =	vst.idx.add.f32.msk @!p0 $0xffff, v1  }
0x2da: {  	v0 =	vld @!p0 [tilespmem:$0x18850];
	_ =	sdelay $0x2  }
0x2db: {  	v1 =	vld @!p0 [tilespmem:$0x18950];
	_ =	sdelay $0x4  }
0x2dc: {  	[tilespmem:v0+s0+$0x0] =	vst.idx.add.f32.msk @!p0 $0xffff, v1  }
0x2dd: {  	v0 =	vld @!p0 [tilespmem:$0x18860];
	_ =	sdelay $0x2  }
0x2de: {  	v1 =	vld @!p0 [tilespmem:$0x18960];
	_ =	sdelay $0x4  }
0x2df: {  	[tilespmem:v0+s0+$0x0] =	vst.idx.add.f32.msk @!p0 $0xffff, v1  }
0x2e0: {  	v0 =	vld @!p0 [tilespmem:$0x18870];
	_ =	sdelay $0x2  }
0x2e1: {  	v1 =	vld @!p0 [tilespmem:$0x18970];
	_ =	sdelay $0x4  }
0x2e2: {  	s28 =	simm.s32 $0x80;
	s29 =	simm.s32 $0x400;
	s26 =	rddreg [dreg:$0xe];
	[tilespmem:v0+s0+$0x0] =	vst.idx.add.f32.msk @!p0 $0xffff, v1  }
0x2e3: {  	[hbm4b:s26+s28] =	stream.strided.scatter [tilespmem:s6], [sflag:$0x1], $0x18700, s29, s28, $0x38;
	[tilespmem:$0x1E180] =	vst v63  }
0x2e4: {  	_ =	swait.ge [sflag:s21], $0x18700  }
0x2e5: {  	s30 =	rddreg [dreg:$0x10]  }
0x2e6: {  	s31 =	rddreg [dreg:$0xf];
	s1 =	sadd.s32 $0x1, s30  }
0x2e7: {  	p1 =	sne.s32 s1, s31  }
.Ltmp6:
0x2e8: {  	_ = 	snop;
	(pc) =	sbr.rel @p1 .LBB2_1-.Ltmp6, $3  }
0x2e9: {  	_ =	sdelay $0x1  }
0x2ea: {  	[sflag:s21] =	ssyncset.done $0x0  }
0x2eb: {  	[sflag:s21] =	ssyncadd.s32 $0xFFFE7900  }
0x2ec: {  	_ =	sfence.sel $0x180000  }
0x2ed: {  	[bflag:$0x0] =	sbarrier.arrive $0xFFFF  }
0x2ee: {  	_ =	strace $0x90000047  }
0x2ef: {  	s0 =	stileid.u32;
	[bflag:$0x2] =	sbarrier.arrive $0xFFFF  }
0x2f0: {  	p0 =	sne.s32 s0, $0x0;
	s0 =	rddreg [dreg:$0x5]  }
0x2f1: {  	s0 =	sadd.s32 @!p0 $0x100000, s0  }
0x2f2: {  	[sflag:s0] =	ssyncadd.tile.s32 @!p0 $0x1;
	_ =	shalt  }
.Lfunc_end2:
_tile_overlayer_lowered:
.L_overlay_start_2:
0x2f3: {  	(tag) =	ssettag $0x2  }
0x2f4: {  	s0 =	rddreg [dreg:$0x0];
	s2 =	stileid.u32  }
0x2f5: {  	s1 =	rddreg [dreg:$0x1];
	p0 =	sne.s32 s2, $0x0  }
0x2f6: {  	s3 =	rddreg [dreg:$0x2];
	[bflag:$0x3] =	sbarrier.arrive $0xFFFF;
	s2 =	simm.s32 @!p0 $0x1C01  }
0x2f7: {  	[timem:s3], [sflag:s2] =	dma.local @!p0 [hbm:s0], s1  }
0x2f8: {  	s0 =	simm.s32 @!p0 $0x1  }
0x2f9: {  	_ =	swait.ge @!p0 [sflag:s0], s1  }
0x2fa: {  	s1 =	ssub.s32 @!p0 $0x0, s1;
	[sflag:s0] =	ssyncset.done @!p0 $0x0  }
0x2fb: {  	[sflag:s0] =	ssyncadd.s32 @!p0 s1  }
0x2fc: {  	[bflag:$0x3] =	sbarrier.arrive $0xFFFF  }
0x2fd: {  	_ =	shalt  }

</sc_bundles>
